<compile_context>
chip_gen: v7x
topology: tpu7x:2x2x1
jax: 0.10.2.dev20260603
libtpu: 0.0.44.dev20260713+nightly
codegen_flags: <defaults>
</compile_context>

<pallas_src>
import jax
import jax.numpy as jnp
from jax import lax
from jax.experimental import pallas as pl
from jax.experimental.pallas import tpu as pltpu
from jax.experimental.pallas import tpu_sc as plsc

B, S, D, K = 4, 2048, 768, 1024
N = B * S
BM = 512
BIG = 3.0e38
BIGI = 2 ** 30

NW = 32
RPW = N // NW
R = 16
NIT = RPW // R

C2 = 0.52497918747894
C1 = 1.0 - C2


def _tc_body(x_ref, a_ref, basin_ref, w_ref, b_ref, idx_ref, wexp_ref,
             kprm_ref):
    @pl.when(pl.program_id(0) == 0)
    def _init():
        basin = jax.nn.softplus(basin_ref[...]) + 0.1
        am = a_ref[...]
        kprm_ref[0:1, :] = 1.0 / (basin * basin)
        kprm_ref[1:2, :] = jnp.sum(am * am, axis=1)[None, :]

    xb = x_ref[...]
    xp = lax.dot_general(xb, w_ref[...], (((1,), (1,)), ((), ())),
                         preferred_element_type=jnp.float32)
    xp = xp + b_ref[...]
    sc = lax.dot_general(xp, a_ref[...], (((1,), (1,)), ((), ())),
                         preferred_element_type=jnp.float32)
    x2 = jnp.sum(xp * xp, axis=1, keepdims=True)
    ib2 = kprm_ref[0:1, :]
    a2 = kprm_ref[1:2, :]
    nk = jnp.maximum(x2 + a2 - 2.0 * sc, 1e-12) * ib2

    iota = lax.broadcasted_iota(jnp.int32, (BM, K), 1)
    m0 = jnp.min(nk, axis=1, keepdims=True)
    cm0 = nk == m0
    r1 = jnp.where(cm0, BIG, nk)
    m1 = jnp.min(r1, axis=1, keepdims=True)
    cm1 = r1 == m1
    r2 = jnp.where(cm1, BIG, r1)
    m2 = jnp.min(r2, axis=1, keepdims=True)
    cm2 = r2 == m2
    i0 = jnp.min(jnp.where(cm0, iota, BIGI), axis=1, keepdims=True)
    i1 = jnp.min(jnp.where(cm1, iota, BIGI), axis=1, keepdims=True)
    i2 = jnp.min(jnp.where(cm2, iota, BIGI), axis=1, keepdims=True)

    a0 = jnp.exp(jnp.clip(-jnp.sqrt(m0), -50.0, 50.0))
    a1 = jnp.exp(jnp.clip(-jnp.sqrt(m1), -50.0, 50.0))
    a2s = jnp.exp(jnp.clip(-jnp.sqrt(m2), -50.0, 50.0))
    e1 = jnp.exp(a1 - a0)
    e2 = jnp.exp(a2s - a0)
    itot = 1.0 / (1.0 + e1 + e2)

    idx_ref[...] = jnp.concatenate([i0, i1, i2], axis=1)
    wexp_ref[...] = jnp.concatenate(
        [jnp.broadcast_to(itot, (BM, 16)),
         jnp.broadcast_to(e1 * itot, (BM, 16)),
         jnp.broadcast_to(e2 * itot, (BM, 16))], axis=1)


def _sc_body(x_hbm, idx_hbm, wexp_hbm, a_hbm, out_hbm,
             idxv, wv, xv, gv, ov, sem):
    nc = 2
    wid = lax.axis_index("s") * nc + lax.axis_index("c")
    base = wid * RPW

    def chunk(t, _):
        row0 = base + t * R
        pltpu.sync_copy(idx_hbm.at[pl.ds(row0 * 3, 3 * R)], idxv)
        pltpu.sync_copy(wexp_hbm.at[pl.ds(row0 * 48, 48 * R)], wv)
        pltpu.sync_copy(x_hbm.at[pl.ds(row0 * D, R * D)], xv)
        cp = pltpu.async_copy(a_hbm.at[idxv], gv, sem)
        cp.wait()

        def row(r, _):
            w0 = wv[pl.ds(r * 48, 16)]
            w1 = wv[pl.ds(r * 48 + 16, 16)]
            w2 = wv[pl.ds(r * 48 + 32, 16)]
            for c in range(D // 16):
                s = pl.ds(c * 16, 16)
                acc = (w0 * gv[3 * r, s] + w1 * gv[3 * r + 1, s]
                       + w2 * gv[3 * r + 2, s])
                ov[pl.ds(r * D + c * 16, 16)] = (
                    C1 * xv[pl.ds(r * D + c * 16, 16)] + C2 * acc)
            return 0

        lax.fori_loop(0, R, row, 0)
        pltpu.sync_copy(ov, out_hbm.at[pl.ds(row0 * D, R * D)])
        return 0

    lax.fori_loop(0, NIT, chunk, 0)


@jax.jit
def kernel(x, attractors, basin_strengths, W, b):
    x2d = x.reshape(N, D)
    idx, wexp = pl.pallas_call(
        _tc_body,
        grid=(N // BM,),
        in_specs=[
            pl.BlockSpec((BM, D), lambda i: (i, 0)),
            pl.BlockSpec((K, D), lambda i: (0, 0)),
            pl.BlockSpec((1, K), lambda i: (0, 0)),
            pl.BlockSpec((D, D), lambda i: (0, 0)),
            pl.BlockSpec((1, D), lambda i: (0, 0)),
        ],
        out_specs=[pl.BlockSpec((BM, 3), lambda i: (i, 0)),
                   pl.BlockSpec((BM, 48), lambda i: (i, 0))],
        out_shape=[jax.ShapeDtypeStruct((N, 3), jnp.int32),
                   jax.ShapeDtypeStruct((N, 48), jnp.float32)],
        scratch_shapes=[pltpu.VMEM((2, K), jnp.float32)],
    )(x2d, attractors, basin_strengths.reshape(1, K), W, b.reshape(1, D))

    mesh = plsc.VectorSubcoreMesh(core_axis_name="c", subcore_axis_name="s")
    out = pl.kernel(
        _sc_body,
        mesh=mesh,
        out_type=jax.ShapeDtypeStruct((N * D,), jnp.float32),
        scratch_types=[
            pltpu.VMEM((3 * R,), jnp.int32),
            pltpu.VMEM((48 * R,), jnp.float32),
            pltpu.VMEM((R * D,), jnp.float32),
            pltpu.VMEM((3 * R, D), jnp.float32),
            pltpu.VMEM((R * D,), jnp.float32),
            pltpu.SemaphoreType.DMA,
        ],
    )(x2d.reshape(N * D), idx.reshape(3 * N), wexp.reshape(48 * N),
      attractors)
    return out.reshape(B, S, D)

# --- scband reference (transcript-rebuilt; emitter-appended) ---
"""Pipeline reference for scband-attractor-layer-28939489640899 (READ-ONLY COPY).

The authoritative reference and input builder live on the scoring server;
editing this copy changes nothing except your own understanding.
"""

import jax, jax.numpy as jnp
import numpy as np

B, S, D, K = 4, 2048, 768, 1024

def setup_inputs(seed: int = 0) -> dict:
    key = jax.random.key(seed)
    k1, k2, k3 = jax.random.split(key, 3)
    x = jax.random.normal(k1, (B, S, D), dtype=jnp.float32)
    attractors = jax.random.normal(k2, (K, D), dtype=jnp.float32) * 0.1
    basin_strengths = jnp.ones((K,), dtype=jnp.float32)
    W = jax.random.normal(k3, (D, D), dtype=jnp.float32) * (1.0 / np.sqrt(D))
    b = jnp.zeros((D,), dtype=jnp.float32)
    return {"x": x, "attractors": attractors, "basin_strengths": basin_strengths, "W": W, "b": b}

def reference(x, attractors, basin_strengths, W, b):
    attraction_strength = 0.1
    top_k = 3
    # to_attractor_space: Linear(D, D)
    x_proj = jnp.einsum('bsd,ed->bse', x, W) + b
    # torch.cdist (p=2) between x_proj [B,S,D] and attractors [1,K,D]
    x2 = jnp.sum(x_proj * x_proj, axis=-1, keepdims=True)            # [B,S,1]
    a2 = jnp.sum(attractors * attractors, axis=-1)                    # [K]
    sq = x2 + a2[None, None, :] - 2.0 * jnp.einsum('bsd,kd->bsk', x_proj, attractors)
    distances = jnp.sqrt(jnp.maximum(sq, 1e-12))                      # [B,S,K]
    basin = jax.nn.softplus(basin_strengths) + 0.1                    # [K]
    exp_arg = -distances / basin[None, None, :]
    exp_arg = jnp.clip(exp_arg, -50.0, 50.0)
    affinities = jnp.exp(exp_arg)                                     # [B,S,K]
    top_weights, top_indices = jax.lax.top_k(affinities, min(top_k, K))
    top_weights = jax.nn.softmax(top_weights, axis=-1)                # [B,S,k]
    top_attractors = jnp.take(attractors, top_indices, axis=0)       # [B,S,k,D]
    attractor_mixture = jnp.sum(top_attractors * top_weights[..., None], axis=2)  # [B,S,D]
    strength = jax.nn.sigmoid(jnp.asarray(attraction_strength, dtype=jnp.float32))
    output = (1.0 - strength) * x + strength * attractor_mixture
    return output

if __name__ == "__main__":
    import jax
    _d = setup_inputs()
    print(jax.jit(kernel)(*tuple(_d.values())))

</pallas_src>

<mosaic_0001>
#map = affine_map<(d0, d1) -> (0)>
#map1 = affine_map<(d0, d1) -> (0, 0)>
module attributes {stable_mosaic.version = 14 : i64} {
  func.func @_sc_body(%arg0: i32, %arg1: i32, %arg2: memref<6291456xf32, #tpu.memory_space<hbm>>, %arg3: memref<24576xi32, #tpu.memory_space<hbm>>, %arg4: memref<393216xf32, #tpu.memory_space<hbm>>, %arg5: memref<1024x768xf32, #tpu.memory_space<hbm>>, %arg6: memref<6291456xf32, #tpu.memory_space<hbm>>, %arg7: memref<48xi32, #tpu.memory_space<vmem>>, %arg8: memref<768xf32, #tpu.memory_space<vmem>>, %arg9: memref<12288xf32, #tpu.memory_space<vmem>>, %arg10: memref<48x768xf32, #tpu.memory_space<vmem>>, %arg11: memref<12288xf32, #tpu.memory_space<vmem>>, %arg12: memref<!tpu.dma_semaphore, #tpu.memory_space<semaphore_mem>>) attributes {dimension_semantics = [#tpu.dimension_semantics<core_parallel>, #tpu.dimension_semantics<subcore_parallel>], iteration_bounds = array<i64: 2, 16>, scalar_prefetch = 0 : i64, scratch_operands = 6 : i64, tpu.core_type = #tpu.core_type<sc_vector_subcore>, window_params = [{transform_indices = #map}, {transform_indices = #map}, {transform_indices = #map}, {transform_indices = #map1}, {transform_indices = #map}]} {
    %mul3A = arith.constant 2 : i32
    %mul3A_0 = arith.muli %arg1, %mul3A : i32
    %add3A = arith.addi %mul3A_0, %arg0 : i32
    %mul3A_1 = arith.constant 256 : i32
    %mul3A_2 = arith.muli %add3A, %mul3A_1 : i32
    %scan3A = arith.constant 0 : i32
    %scan3A_3 = arith.constant 0 : i32
    %scan3A_4 = arith.constant 16 : i32
    %scan3A_5 = arith.addi %scan3A_3, %scan3A_4 : i32
    %scan3A_6 = arith.constant 1 : i32
    %scan3A_7 = scf.for %scan3A_9 = %scan3A_3 to %scan3A_5 step %scan3A_6 iter_args(%scan3A_10 = %scan3A) -> (i32)  : i32 {
      %mul3A_11 = arith.constant 16 : i32
      %mul3A_12 = arith.muli %scan3A_9, %mul3A_11 : i32
      %add3A_13 = arith.addi %mul3A_2, %mul3A_12 : i32
      %mul3A_14 = arith.constant 3 : i32
      %mul3A_15 = arith.muli %add3A_13, %mul3A_14 : i32
      "tpu.region"() ({
        %run_scoped3A = tpu.sem_alloc : memref<!tpu.dma_semaphore, #tpu.memory_space<semaphore_mem>>
        %dma_start3A_34 = tpu.memref_slice %arg3[%mul3A_15] : memref<24576xi32, #tpu.memory_space<hbm>> -> memref<48xi32, #tpu.memory_space<hbm>>
        %dma_start3A_35 = tpu.memref_slice %arg3[%mul3A_15] : memref<24576xi32, #tpu.memory_space<hbm>> -> memref<48xi32, #tpu.memory_space<hbm>>
        tpu.enqueue_dma source(%dma_start3A_35 : memref<48xi32, #tpu.memory_space<hbm>>) target(%arg7 : memref<48xi32, #tpu.memory_space<vmem>>) target_semaphore(%run_scoped3A : memref<!tpu.dma_semaphore, #tpu.memory_space<semaphore_mem>>)
        %dma_wait3A_36 = tpu.memref_slice %arg3[%mul3A_15] : memref<24576xi32, #tpu.memory_space<hbm>> -> memref<48xi32, #tpu.memory_space<hbm>>
        %dma_wait3A_37 = tpu.memref_slice %arg3[%mul3A_15] : memref<24576xi32, #tpu.memory_space<hbm>> -> memref<48xi32, #tpu.memory_space<hbm>>
        tpu.wait_dma2 semaphore(%run_scoped3A : memref<!tpu.dma_semaphore, #tpu.memory_space<semaphore_mem>>) src(%dma_wait3A_37 : memref<48xi32, #tpu.memory_space<hbm>>) dst(%arg7 : memref<48xi32, #tpu.memory_space<vmem>>)
        tpu.yield
      }) : () -> ()
      %mul3A_16 = arith.constant 48 : i32
      %mul3A_17 = arith.muli %add3A_13, %mul3A_16 : i32
      "tpu.region"() ({
        %run_scoped3A = tpu.sem_alloc : memref<!tpu.dma_semaphore, #tpu.memory_space<semaphore_mem>>
        %dma_start3A_34 = tpu.memref_slice %arg4[%mul3A_17] : memref<393216xf32, #tpu.memory_space<hbm>> -> memref<768xf32, #tpu.memory_space<hbm>>
        %dma_start3A_35 = tpu.memref_slice %arg4[%mul3A_17] : memref<393216xf32, #tpu.memory_space<hbm>> -> memref<768xf32, #tpu.memory_space<hbm>>
        tpu.enqueue_dma source(%dma_start3A_35 : memref<768xf32, #tpu.memory_space<hbm>>) target(%arg8 : memref<768xf32, #tpu.memory_space<vmem>>) target_semaphore(%run_scoped3A : memref<!tpu.dma_semaphore, #tpu.memory_space<semaphore_mem>>)
        %dma_wait3A_36 = tpu.memref_slice %arg4[%mul3A_17] : memref<393216xf32, #tpu.memory_space<hbm>> -> memref<768xf32, #tpu.memory_space<hbm>>
        %dma_wait3A_37 = tpu.memref_slice %arg4[%mul3A_17] : memref<393216xf32, #tpu.memory_space<hbm>> -> memref<768xf32, #tpu.memory_space<hbm>>
        tpu.wait_dma2 semaphore(%run_scoped3A : memref<!tpu.dma_semaphore, #tpu.memory_space<semaphore_mem>>) src(%dma_wait3A_37 : memref<768xf32, #tpu.memory_space<hbm>>) dst(%arg8 : memref<768xf32, #tpu.memory_space<vmem>>)
        tpu.yield
      }) : () -> ()
      %mul3A_18 = arith.constant 768 : i32
      %mul3A_19 = arith.muli %add3A_13, %mul3A_18 : i32
      "tpu.region"() ({
        %run_scoped3A = tpu.sem_alloc : memref<!tpu.dma_semaphore, #tpu.memory_space<semaphore_mem>>
        %dma_start3A_34 = tpu.memref_slice %arg2[%mul3A_19] : memref<6291456xf32, #tpu.memory_space<hbm>> -> memref<12288xf32, #tpu.memory_space<hbm>>
        %dma_start3A_35 = tpu.memref_slice %arg2[%mul3A_19] : memref<6291456xf32, #tpu.memory_space<hbm>> -> memref<12288xf32, #tpu.memory_space<hbm>>
        tpu.enqueue_dma source(%dma_start3A_35 : memref<12288xf32, #tpu.memory_space<hbm>>) target(%arg9 : memref<12288xf32, #tpu.memory_space<vmem>>) target_semaphore(%run_scoped3A : memref<!tpu.dma_semaphore, #tpu.memory_space<semaphore_mem>>)
        %dma_wait3A_36 = tpu.memref_slice %arg2[%mul3A_19] : memref<6291456xf32, #tpu.memory_space<hbm>> -> memref<12288xf32, #tpu.memory_space<hbm>>
        %dma_wait3A_37 = tpu.memref_slice %arg2[%mul3A_19] : memref<6291456xf32, #tpu.memory_space<hbm>> -> memref<12288xf32, #tpu.memory_space<hbm>>
        tpu.wait_dma2 semaphore(%run_scoped3A : memref<!tpu.dma_semaphore, #tpu.memory_space<semaphore_mem>>) src(%dma_wait3A_37 : memref<12288xf32, #tpu.memory_space<hbm>>) dst(%arg9 : memref<12288xf32, #tpu.memory_space<vmem>>)
        tpu.yield
      }) : () -> ()
      %dma_start3A = arith.constant 0 : i32
      %dma_start3A_20 = arith.constant 0 : i32
      %dma_start3A_21 = tpu.memref_slice %arg5[%dma_start3A, %dma_start3A_20] : memref<1024x768xf32, #tpu.memory_space<hbm>> -> memref<1024x768xf32, #tpu.memory_space<hbm>>
      tpu.enqueue_indirect_dma source(%dma_start3A_21 : memref<1024x768xf32, #tpu.memory_space<hbm>>) target(%arg10 : memref<48x768xf32, #tpu.memory_space<vmem>>) offsets(%arg7 : memref<48xi32, #tpu.memory_space<vmem>>) semaphore(%arg12 : memref<!tpu.dma_semaphore, #tpu.memory_space<semaphore_mem>>)
      %dma_wait3A = arith.constant 0 : i32
      %dma_wait3A_22 = arith.constant 0 : i32
      %dma_wait3A_23 = tpu.memref_slice %arg5[%dma_wait3A, %dma_wait3A_22] : memref<1024x768xf32, #tpu.memory_space<hbm>> -> memref<1024x768xf32, #tpu.memory_space<hbm>>
      tpu.wait_indirect_dma semaphore(%arg12 : memref<!tpu.dma_semaphore, #tpu.memory_space<semaphore_mem>>) src(%dma_wait3A_23 : memref<1024x768xf32, #tpu.memory_space<hbm>>) dst(%arg10 : memref<48x768xf32, #tpu.memory_space<vmem>>)
      %scan3A_24 = arith.constant 0 : i32
      %scan3A_25 = arith.constant 0 : i32
      %scan3A_26 = arith.constant 16 : i32
      %scan3A_27 = arith.addi %scan3A_25, %scan3A_26 : i32
      %scan3A_28 = arith.constant 1 : i32
      %scan3A_29 = scf.for %scan3A_34 = %scan3A_25 to %scan3A_27 step %scan3A_28 iter_args(%scan3A_35 = %scan3A_24) -> (i32)  : i32 {
        %mul3A_36 = arith.constant 48 : i32
        %mul3A_37 = arith.muli %scan3A_34, %mul3A_36 : i32
        %get3A = arith.index_cast %mul3A_37 : i32 to index
        %get3A_38 = tpu.vector_load %arg8[%get3A] {strides = array<i32>} : memref<768xf32, #tpu.memory_space<vmem>>, vector<16xf32>,
        %get3A_39 = vector.shape_cast %get3A_38 : vector<16xf32> to vector<16xf32>
        %mul3A_40 = arith.constant 48 : i32
        %mul3A_41 = arith.muli %scan3A_34, %mul3A_40 : i32
        %add3A_42 = arith.constant 16 : i32
        %add3A_43 = arith.addi %mul3A_41, %add3A_42 : i32
        %get3A_44 = arith.index_cast %add3A_43 : i32 to index
        %get3A_45 = tpu.vector_load %arg8[%get3A_44] {strides = array<i32>} : memref<768xf32, #tpu.memory_space<vmem>>, vector<16xf32>,
        %get3A_46 = vector.shape_cast %get3A_45 : vector<16xf32> to vector<16xf32>
        %mul3A_47 = arith.constant 48 : i32
        %mul3A_48 = arith.muli %scan3A_34, %mul3A_47 : i32
        %add3A_49 = arith.constant 32 : i32
        %add3A_50 = arith.addi %mul3A_48, %add3A_49 : i32
        %get3A_51 = arith.index_cast %add3A_50 : i32 to index
        %get3A_52 = tpu.vector_load %arg8[%get3A_51] {strides = array<i32>} : memref<768xf32, #tpu.memory_space<vmem>>, vector<16xf32>,
        %get3A_53 = vector.shape_cast %get3A_52 : vector<16xf32> to vector<16xf32>
        %mul3A_54 = arith.constant 3 : i32
        %mul3A_55 = arith.muli %mul3A_54, %scan3A_34 : i32
        %get3A_56 = arith.index_cast %mul3A_55 : i32 to index
        %get3A_57 = arith.constant 0 : index
        %get3A_58 = tpu.vector_load %arg10[%get3A_56, %get3A_57] {strides = array<i32>} : memref<48x768xf32, #tpu.memory_space<vmem>>, vector<1x16xf32>,
        %get3A_59 = vector.shape_cast %get3A_58 : vector<1x16xf32> to vector<16xf32>
        %mul3A_60 = arith.mulf %get3A_39, %get3A_59 : vector<16xf32>
        %mul3A_61 = arith.constant 3 : i32
        %mul3A_62 = arith.muli %mul3A_61, %scan3A_34 : i32
        %add3A_63 = arith.constant 1 : i32
        %add3A_64 = arith.addi %mul3A_62, %add3A_63 : i32
        %get3A_65 = arith.index_cast %add3A_64 : i32 to index
        %get3A_66 = arith.constant 0 : index
        %get3A_67 = tpu.vector_load %arg10[%get3A_65, %get3A_66] {strides = array<i32>} : memref<48x768xf32, #tpu.memory_space<vmem>>, vector<1x16xf32>,
        %get3A_68 = vector.shape_cast %get3A_67 : vector<1x16xf32> to vector<16xf32>
        %mul3A_69 = arith.mulf %get3A_46, %get3A_68 : vector<16xf32>
        %add3A_70 = arith.addf %mul3A_60, %mul3A_69 : vector<16xf32>
        %mul3A_71 = arith.constant 3 : i32
        %mul3A_72 = arith.muli %mul3A_71, %scan3A_34 : i32
        %add3A_73 = arith.constant 2 : i32
        %add3A_74 = arith.addi %mul3A_72, %add3A_73 : i32
        %get3A_75 = arith.index_cast %add3A_74 : i32 to index
        %get3A_76 = arith.constant 0 : index
        %get3A_77 = tpu.vector_load %arg10[%get3A_75, %get3A_76] {strides = array<i32>} : memref<48x768xf32, #tpu.memory_space<vmem>>, vector<1x16xf32>,
        %get3A_78 = vector.shape_cast %get3A_77 : vector<1x16xf32> to vector<16xf32>
        %mul3A_79 = arith.mulf %get3A_53, %get3A_78 : vector<16xf32>
        %add3A_80 = arith.addf %add3A_70, %mul3A_79 : vector<16xf32>
        %mul3A_81 = arith.constant 768 : i32
        %mul3A_82 = arith.muli %scan3A_34, %mul3A_81 : i32
        %add3A_83 = arith.constant 0 : i32
        %add3A_84 = arith.addi %mul3A_82, %add3A_83 : i32
        %get3A_85 = arith.index_cast %add3A_84 : i32 to index
        %get3A_86 = tpu.vector_load %arg9[%get3A_85] {strides = array<i32>} : memref<12288xf32, #tpu.memory_space<vmem>>, vector<16xf32>,
        %get3A_87 = vector.shape_cast %get3A_86 : vector<16xf32> to vector<16xf32>
        %mul3A_88 = arith.constant 0.475020826 : f32
        %mul3A_89 = vector.broadcast %mul3A_88 : f32 to vector<16xf32>
        %mul3A_90 = arith.mulf %mul3A_89, %get3A_87 : vector<16xf32>
        %mul3A_91 = arith.constant 0.524979174 : f32
        %mul3A_92 = vector.broadcast %mul3A_91 : f32 to vector<16xf32>
        %mul3A_93 = arith.mulf %mul3A_92, %add3A_80 : vector<16xf32>
        %add3A_94 = arith.addf %mul3A_90, %mul3A_93 : vector<16xf32>
        %mul3A_95 = arith.constant 768 : i32
        %mul3A_96 = arith.muli %scan3A_34, %mul3A_95 : i32
        %add3A_97 = arith.constant 0 : i32
        %add3A_98 = arith.addi %mul3A_96, %add3A_97 : i32
        %swap3A = arith.index_cast %add3A_98 : i32 to index
        %swap3A_99 = tpu.vector_load %arg11[%swap3A] {strides = array<i32>} : memref<12288xf32, #tpu.memory_space<vmem>>, vector<16xf32>,
        %swap3A_100 = vector.shape_cast %swap3A_99 : vector<16xf32> to vector<16xf32>
        %swap3A_101 = vector.shape_cast %add3A_94 : vector<16xf32> to vector<16xf32>
        tpu.vector_store %arg11[%swap3A], %swap3A_101 {strides = array<i32>} : memref<12288xf32, #tpu.memory_space<vmem>>, vector<16xf32>,
        %mul3A_102 = arith.constant 3 : i32
        %mul3A_103 = arith.muli %mul3A_102, %scan3A_34 : i32
        %get3A_104 = arith.index_cast %mul3A_103 : i32 to index
        %get3A_105 = arith.constant 16 : index
        %get3A_106 = tpu.vector_load %arg10[%get3A_104, %get3A_105] {strides = array<i32>} : memref<48x768xf32, #tpu.memory_space<vmem>>, vector<1x16xf32>,
        %get3A_107 = vector.shape_cast %get3A_106 : vector<1x16xf32> to vector<16xf32>
        %mul3A_108 = arith.mulf %get3A_39, %get3A_107 : vector<16xf32>
        %mul3A_109 = arith.constant 3 : i32
        %mul3A_110 = arith.muli %mul3A_109, %scan3A_34 : i32
        %add3A_111 = arith.constant 1 : i32
        %add3A_112 = arith.addi %mul3A_110, %add3A_111 : i32
        %get3A_113 = arith.index_cast %add3A_112 : i32 to index
        %get3A_114 = arith.constant 16 : index
        %get3A_115 = tpu.vector_load %arg10[%get3A_113, %get3A_114] {strides = array<i32>} : memref<48x768xf32, #tpu.memory_space<vmem>>, vector<1x16xf32>,
        %get3A_116 = vector.shape_cast %get3A_115 : vector<1x16xf32> to vector<16xf32>
        %mul3A_117 = arith.mulf %get3A_46, %get3A_116 : vector<16xf32>
        %add3A_118 = arith.addf %mul3A_108, %mul3A_117 : vector<16xf32>
        %mul3A_119 = arith.constant 3 : i32
        %mul3A_120 = arith.muli %mul3A_119, %scan3A_34 : i32
        %add3A_121 = arith.constant 2 : i32
        %add3A_122 = arith.addi %mul3A_120, %add3A_121 : i32
        %get3A_123 = arith.index_cast %add3A_122 : i32 to index
        %get3A_124 = arith.constant 16 : index
        %get3A_125 = tpu.vector_load %arg10[%get3A_123, %get3A_124] {strides = array<i32>} : memref<48x768xf32, #tpu.memory_space<vmem>>, vector<1x16xf32>,
        %get3A_126 = vector.shape_cast %get3A_125 : vector<1x16xf32> to vector<16xf32>
        %mul3A_127 = arith.mulf %get3A_53, %get3A_126 : vector<16xf32>
        %add3A_128 = arith.addf %add3A_118, %mul3A_127 : vector<16xf32>
        %mul3A_129 = arith.constant 768 : i32
        %mul3A_130 = arith.muli %scan3A_34, %mul3A_129 : i32
        %add3A_131 = arith.constant 16 : i32
        %add3A_132 = arith.addi %mul3A_130, %add3A_131 : i32
        %get3A_133 = arith.index_cast %add3A_132 : i32 to index
        %get3A_134 = tpu.vector_load %arg9[%get3A_133] {strides = array<i32>} : memref<12288xf32, #tpu.memory_space<vmem>>, vector<16xf32>,
        %get3A_135 = vector.shape_cast %get3A_134 : vector<16xf32> to vector<16xf32>
        %mul3A_136 = arith.constant 0.475020826 : f32
        %mul3A_137 = vector.broadcast %mul3A_136 : f32 to vector<16xf32>
        %mul3A_138 = arith.mulf %mul3A_137, %get3A_135 : vector<16xf32>
        %mul3A_139 = arith.constant 0.524979174 : f32
        %mul3A_140 = vector.broadcast %mul3A_139 : f32 to vector<16xf32>
        %mul3A_141 = arith.mulf %mul3A_140, %add3A_128 : vector<16xf32>
        %add3A_142 = arith.addf %mul3A_138, %mul3A_141 : vector<16xf32>
        %mul3A_143 = arith.constant 768 : i32
        %mul3A_144 = arith.muli %scan3A_34, %mul3A_143 : i32
        %add3A_145 = arith.constant 16 : i32
        %add3A_146 = arith.addi %mul3A_144, %add3A_145 : i32
        %swap3A_147 = arith.index_cast %add3A_146 : i32 to index
        %swap3A_148 = tpu.vector_load %arg11[%swap3A_147] {strides = array<i32>} : memref<12288xf32, #tpu.memory_space<vmem>>, vector<16xf32>,
        %swap3A_149 = vector.shape_cast %swap3A_148 : vector<16xf32> to vector<16xf32>
        %swap3A_150 = vector.shape_cast %add3A_142 : vector<16xf32> to vector<16xf32>
        tpu.vector_store %arg11[%swap3A_147], %swap3A_150 {strides = array<i32>} : memref<12288xf32, #tpu.memory_space<vmem>>, vector<16xf32>,
        %mul3A_151 = arith.constant 3 : i32
        %mul3A_152 = arith.muli %mul3A_151, %scan3A_34 : i32
        %get3A_153 = arith.index_cast %mul3A_152 : i32 to index
        %get3A_154 = arith.constant 32 : index
        %get3A_155 = tpu.vector_load %arg10[%get3A_153, %get3A_154] {strides = array<i32>} : memref<48x768xf32, #tpu.memory_space<vmem>>, vector<1x16xf32>,
        %get3A_156 = vector.shape_cast %get3A_155 : vector<1x16xf32> to vector<16xf32>
        %mul3A_157 = arith.mulf %get3A_39, %get3A_156 : vector<16xf32>
        %mul3A_158 = arith.constant 3 : i32
        %mul3A_159 = arith.muli %mul3A_158, %scan3A_34 : i32
        %add3A_160 = arith.constant 1 : i32
        %add3A_161 = arith.addi %mul3A_159, %add3A_160 : i32
        %get3A_162 = arith.index_cast %add3A_161 : i32 to index
        %get3A_163 = arith.constant 32 : index
        %get3A_164 = tpu.vector_load %arg10[%get3A_162, %get3A_163] {strides = array<i32>} : memref<48x768xf32, #tpu.memory_space<vmem>>, vector<1x16xf32>,
        %get3A_165 = vector.shape_cast %get3A_164 : vector<1x16xf32> to vector<16xf32>
        %mul3A_166 = arith.mulf %get3A_46, %get3A_165 : vector<16xf32>
        %add3A_167 = arith.addf %mul3A_157, %mul3A_166 : vector<16xf32>
        %mul3A_168 = arith.constant 3 : i32
        %mul3A_169 = arith.muli %mul3A_168, %scan3A_34 : i32
        %add3A_170 = arith.constant 2 : i32
        %add3A_171 = arith.addi %mul3A_169, %add3A_170 : i32
        %get3A_172 = arith.index_cast %add3A_171 : i32 to index
        %get3A_173 = arith.constant 32 : index
        %get3A_174 = tpu.vector_load %arg10[%get3A_172, %get3A_173] {strides = array<i32>} : memref<48x768xf32, #tpu.memory_space<vmem>>, vector<1x16xf32>,
        %get3A_175 = vector.shape_cast %get3A_174 : vector<1x16xf32> to vector<16xf32>
        %mul3A_176 = arith.mulf %get3A_53, %get3A_175 : vector<16xf32>
        %add3A_177 = arith.addf %add3A_167, %mul3A_176 : vector<16xf32>
        %mul3A_178 = arith.constant 768 : i32
        %mul3A_179 = arith.muli %scan3A_34, %mul3A_178 : i32
        %add3A_180 = arith.constant 32 : i32
        %add3A_181 = arith.addi %mul3A_179, %add3A_180 : i32
        %get3A_182 = arith.index_cast %add3A_181 : i32 to index
        %get3A_183 = tpu.vector_load %arg9[%get3A_182] {strides = array<i32>} : memref<12288xf32, #tpu.memory_space<vmem>>, vector<16xf32>,
        %get3A_184 = vector.shape_cast %get3A_183 : vector<16xf32> to vector<16xf32>
        %mul3A_185 = arith.constant 0.475020826 : f32
        %mul3A_186 = vector.broadcast %mul3A_185 : f32 to vector<16xf32>
        %mul3A_187 = arith.mulf %mul3A_186, %get3A_184 : vector<16xf32>
        %mul3A_188 = arith.constant 0.524979174 : f32
        %mul3A_189 = vector.broadcast %mul3A_188 : f32 to vector<16xf32>
        %mul3A_190 = arith.mulf %mul3A_189, %add3A_177 : vector<16xf32>
        %add3A_191 = arith.addf %mul3A_187, %mul3A_190 : vector<16xf32>
        %mul3A_192 = arith.constant 768 : i32
        %mul3A_193 = arith.muli %scan3A_34, %mul3A_192 : i32
        %add3A_194 = arith.constant 32 : i32
        %add3A_195 = arith.addi %mul3A_193, %add3A_194 : i32
        %swap3A_196 = arith.index_cast %add3A_195 : i32 to index
        %swap3A_197 = tpu.vector_load %arg11[%swap3A_196] {strides = array<i32>} : memref<12288xf32, #tpu.memory_space<vmem>>, vector<16xf32>,
        %swap3A_198 = vector.shape_cast %swap3A_197 : vector<16xf32> to vector<16xf32>
        %swap3A_199 = vector.shape_cast %add3A_191 : vector<16xf32> to vector<16xf32>
        tpu.vector_store %arg11[%swap3A_196], %swap3A_199 {strides = array<i32>} : memref<12288xf32, #tpu.memory_space<vmem>>, vector<16xf32>,
        %mul3A_200 = arith.constant 3 : i32
        %mul3A_201 = arith.muli %mul3A_200, %scan3A_34 : i32
        %get3A_202 = arith.index_cast %mul3A_201 : i32 to index
        %get3A_203 = arith.constant 48 : index
        %get3A_204 = tpu.vector_load %arg10[%get3A_202, %get3A_203] {strides = array<i32>} : memref<48x768xf32, #tpu.memory_space<vmem>>, vector<1x16xf32>,
        %get3A_205 = vector.shape_cast %get3A_204 : vector<1x16xf32> to vector<16xf32>
        %mul3A_206 = arith.mulf %get3A_39, %get3A_205 : vector<16xf32>
        %mul3A_207 = arith.constant 3 : i32
        %mul3A_208 = arith.muli %mul3A_207, %scan3A_34 : i32
        %add3A_209 = arith.constant 1 : i32
        %add3A_210 = arith.addi %mul3A_208, %add3A_209 : i32
        %get3A_211 = arith.index_cast %add3A_210 : i32 to index
        %get3A_212 = arith.constant 48 : index
        %get3A_213 = tpu.vector_load %arg10[%get3A_211, %get3A_212] {strides = array<i32>} : memref<48x768xf32, #tpu.memory_space<vmem>>, vector<1x16xf32>,
        %get3A_214 = vector.shape_cast %get3A_213 : vector<1x16xf32> to vector<16xf32>
        %mul3A_215 = arith.mulf %get3A_46, %get3A_214 : vector<16xf32>
        %add3A_216 = arith.addf %mul3A_206, %mul3A_215 : vector<16xf32>
        %mul3A_217 = arith.constant 3 : i32
        %mul3A_218 = arith.muli %mul3A_217, %scan3A_34 : i32
        %add3A_219 = arith.constant 2 : i32
        %add3A_220 = arith.addi %mul3A_218, %add3A_219 : i32
        %get3A_221 = arith.index_cast %add3A_220 : i32 to index
        %get3A_222 = arith.constant 48 : index
        %get3A_223 = tpu.vector_load %arg10[%get3A_221, %get3A_222] {strides = array<i32>} : memref<48x768xf32, #tpu.memory_space<vmem>>, vector<1x16xf32>,
        %get3A_224 = vector.shape_cast %get3A_223 : vector<1x16xf32> to vector<16xf32>
        %mul3A_225 = arith.mulf %get3A_53, %get3A_224 : vector<16xf32>
        %add3A_226 = arith.addf %add3A_216, %mul3A_225 : vector<16xf32>
        %mul3A_227 = arith.constant 768 : i32
        %mul3A_228 = arith.muli %scan3A_34, %mul3A_227 : i32
        %add3A_229 = arith.constant 48 : i32
        %add3A_230 = arith.addi %mul3A_228, %add3A_229 : i32
        %get3A_231 = arith.index_cast %add3A_230 : i32 to index
        %get3A_232 = tpu.vector_load %arg9[%get3A_231] {strides = array<i32>} : memref<12288xf32, #tpu.memory_space<vmem>>, vector<16xf32>,
        %get3A_233 = vector.shape_cast %get3A_232 : vector<16xf32> to vector<16xf32>
        %mul3A_234 = arith.constant 0.475020826 : f32
        %mul3A_235 = vector.broadcast %mul3A_234 : f32 to vector<16xf32>
        %mul3A_236 = arith.mulf %mul3A_235, %get3A_233 : vector<16xf32>
        %mul3A_237 = arith.constant 0.524979174 : f32
        %mul3A_238 = vector.broadcast %mul3A_237 : f32 to vector<16xf32>
        %mul3A_239 = arith.mulf %mul3A_238, %add3A_226 : vector<16xf32>
        %add3A_240 = arith.addf %mul3A_236, %mul3A_239 : vector<16xf32>
        %mul3A_241 = arith.constant 768 : i32
        %mul3A_242 = arith.muli %scan3A_34, %mul3A_241 : i32
        %add3A_243 = arith.constant 48 : i32
        %add3A_244 = arith.addi %mul3A_242, %add3A_243 : i32
        %swap3A_245 = arith.index_cast %add3A_244 : i32 to index
        %swap3A_246 = tpu.vector_load %arg11[%swap3A_245] {strides = array<i32>} : memref<12288xf32, #tpu.memory_space<vmem>>, vector<16xf32>,
        %swap3A_247 = vector.shape_cast %swap3A_246 : vector<16xf32> to vector<16xf32>
        %swap3A_248 = vector.shape_cast %add3A_240 : vector<16xf32> to vector<16xf32>
        tpu.vector_store %arg11[%swap3A_245], %swap3A_248 {strides = array<i32>} : memref<12288xf32, #tpu.memory_space<vmem>>, vector<16xf32>,
        %mul3A_249 = arith.constant 3 : i32
        %mul3A_250 = arith.muli %mul3A_249, %scan3A_34 : i32
        %get3A_251 = arith.index_cast %mul3A_250 : i32 to index
        %get3A_252 = arith.constant 64 : index
        %get3A_253 = tpu.vector_load %arg10[%get3A_251, %get3A_252] {strides = array<i32>} : memref<48x768xf32, #tpu.memory_space<vmem>>, vector<1x16xf32>,
        %get3A_254 = vector.shape_cast %get3A_253 : vector<1x16xf32> to vector<16xf32>
        %mul3A_255 = arith.mulf %get3A_39, %get3A_254 : vector<16xf32>
        %mul3A_256 = arith.constant 3 : i32
        %mul3A_257 = arith.muli %mul3A_256, %scan3A_34 : i32
        %add3A_258 = arith.constant 1 : i32
        %add3A_259 = arith.addi %mul3A_257, %add3A_258 : i32
        %get3A_260 = arith.index_cast %add3A_259 : i32 to index
        %get3A_261 = arith.constant 64 : index
        %get3A_262 = tpu.vector_load %arg10[%get3A_260, %get3A_261] {strides = array<i32>} : memref<48x768xf32, #tpu.memory_space<vmem>>, vector<1x16xf32>,
        %get3A_263 = vector.shape_cast %get3A_262 : vector<1x16xf32> to vector<16xf32>
        %mul3A_264 = arith.mulf %get3A_46, %get3A_263 : vector<16xf32>
        %add3A_265 = arith.addf %mul3A_255, %mul3A_264 : vector<16xf32>
        %mul3A_266 = arith.constant 3 : i32
        %mul3A_267 = arith.muli %mul3A_266, %scan3A_34 : i32
        %add3A_268 = arith.constant 2 : i32
        %add3A_269 = arith.addi %mul3A_267, %add3A_268 : i32
        %get3A_270 = arith.index_cast %add3A_269 : i32 to index
        %get3A_271 = arith.constant 64 : index
        %get3A_272 = tpu.vector_load %arg10[%get3A_270, %get3A_271] {strides = array<i32>} : memref<48x768xf32, #tpu.memory_space<vmem>>, vector<1x16xf32>,
        %get3A_273 = vector.shape_cast %get3A_272 : vector<1x16xf32> to vector<16xf32>
        %mul3A_274 = arith.mulf %get3A_53, %get3A_273 : vector<16xf32>
        %add3A_275 = arith.addf %add3A_265, %mul3A_274 : vector<16xf32>
        %mul3A_276 = arith.constant 768 : i32
        %mul3A_277 = arith.muli %scan3A_34, %mul3A_276 : i32
        %add3A_278 = arith.constant 64 : i32
        %add3A_279 = arith.addi %mul3A_277, %add3A_278 : i32
        %get3A_280 = arith.index_cast %add3A_279 : i32 to index
        %get3A_281 = tpu.vector_load %arg9[%get3A_280] {strides = array<i32>} : memref<12288xf32, #tpu.memory_space<vmem>>, vector<16xf32>,
        %get3A_282 = vector.shape_cast %get3A_281 : vector<16xf32> to vector<16xf32>
        %mul3A_283 = arith.constant 0.475020826 : f32
        %mul3A_284 = vector.broadcast %mul3A_283 : f32 to vector<16xf32>
        %mul3A_285 = arith.mulf %mul3A_284, %get3A_282 : vector<16xf32>
        %mul3A_286 = arith.constant 0.524979174 : f32
        %mul3A_287 = vector.broadcast %mul3A_286 : f32 to vector<16xf32>
        %mul3A_288 = arith.mulf %mul3A_287, %add3A_275 : vector<16xf32>
        %add3A_289 = arith.addf %mul3A_285, %mul3A_288 : vector<16xf32>
        %mul3A_290 = arith.constant 768 : i32
        %mul3A_291 = arith.muli %scan3A_34, %mul3A_290 : i32
        %add3A_292 = arith.constant 64 : i32
        %add3A_293 = arith.addi %mul3A_291, %add3A_292 : i32
        %swap3A_294 = arith.index_cast %add3A_293 : i32 to index
        %swap3A_295 = tpu.vector_load %arg11[%swap3A_294] {strides = array<i32>} : memref<12288xf32, #tpu.memory_space<vmem>>, vector<16xf32>,
        %swap3A_296 = vector.shape_cast %swap3A_295 : vector<16xf32> to vector<16xf32>
        %swap3A_297 = vector.shape_cast %add3A_289 : vector<16xf32> to vector<16xf32>
        tpu.vector_store %arg11[%swap3A_294], %swap3A_297 {strides = array<i32>} : memref<12288xf32, #tpu.memory_space<vmem>>, vector<16xf32>,
        %mul3A_298 = arith.constant 3 : i32
        %mul3A_299 = arith.muli %mul3A_298, %scan3A_34 : i32
        %get3A_300 = arith.index_cast %mul3A_299 : i32 to index
        %get3A_301 = arith.constant 80 : index
        %get3A_302 = tpu.vector_load %arg10[%get3A_300, %get3A_301] {strides = array<i32>} : memref<48x768xf32, #tpu.memory_space<vmem>>, vector<1x16xf32>,
        %get3A_303 = vector.shape_cast %get3A_302 : vector<1x16xf32> to vector<16xf32>
        %mul3A_304 = arith.mulf %get3A_39, %get3A_303 : vector<16xf32>
        %mul3A_305 = arith.constant 3 : i32
        %mul3A_306 = arith.muli %mul3A_305, %scan3A_34 : i32
        %add3A_307 = arith.constant 1 : i32
        %add3A_308 = arith.addi %mul3A_306, %add3A_307 : i32
        %get3A_309 = arith.index_cast %add3A_308 : i32 to index
        %get3A_310 = arith.constant 80 : index
        %get3A_311 = tpu.vector_load %arg10[%get3A_309, %get3A_310] {strides = array<i32>} : memref<48x768xf32, #tpu.memory_space<vmem>>, vector<1x16xf32>,
        %get3A_312 = vector.shape_cast %get3A_311 : vector<1x16xf32> to vector<16xf32>
        %mul3A_313 = arith.mulf %get3A_46, %get3A_312 : vector<16xf32>
        %add3A_314 = arith.addf %mul3A_304, %mul3A_313 : vector<16xf32>
        %mul3A_315 = arith.constant 3 : i32
        %mul3A_316 = arith.muli %mul3A_315, %scan3A_34 : i32
        %add3A_317 = arith.constant 2 : i32
        %add3A_318 = arith.addi %mul3A_316, %add3A_317 : i32
        %get3A_319 = arith.index_cast %add3A_318 : i32 to index
        %get3A_320 = arith.constant 80 : index
        %get3A_321 = tpu.vector_load %arg10[%get3A_319, %get3A_320] {strides = array<i32>} : memref<48x768xf32, #tpu.memory_space<vmem>>, vector<1x16xf32>,
        %get3A_322 = vector.shape_cast %get3A_321 : vector<1x16xf32> to vector<16xf32>
        %mul3A_323 = arith.mulf %get3A_53, %get3A_322 : vector<16xf32>
        %add3A_324 = arith.addf %add3A_314, %mul3A_323 : vector<16xf32>
        %mul3A_325 = arith.constant 768 : i32
        %mul3A_326 = arith.muli %scan3A_34, %mul3A_325 : i32
        %add3A_327 = arith.constant 80 : i32
        %add3A_328 = arith.addi %mul3A_326, %add3A_327 : i32
        %get3A_329 = arith.index_cast %add3A_328 : i32 to index
        %get3A_330 = tpu.vector_load %arg9[%get3A_329] {strides = array<i32>} : memref<12288xf32, #tpu.memory_space<vmem>>, vector<16xf32>,
        %get3A_331 = vector.shape_cast %get3A_330 : vector<16xf32> to vector<16xf32>
        %mul3A_332 = arith.constant 0.475020826 : f32
        %mul3A_333 = vector.broadcast %mul3A_332 : f32 to vector<16xf32>
        %mul3A_334 = arith.mulf %mul3A_333, %get3A_331 : vector<16xf32>
        %mul3A_335 = arith.constant 0.524979174 : f32
        %mul3A_336 = vector.broadcast %mul3A_335 : f32 to vector<16xf32>
        %mul3A_337 = arith.mulf %mul3A_336, %add3A_324 : vector<16xf32>
        %add3A_338 = arith.addf %mul3A_334, %mul3A_337 : vector<16xf32>
        %mul3A_339 = arith.constant 768 : i32
        %mul3A_340 = arith.muli %scan3A_34, %mul3A_339 : i32
        %add3A_341 = arith.constant 80 : i32
        %add3A_342 = arith.addi %mul3A_340, %add3A_341 : i32
        %swap3A_343 = arith.index_cast %add3A_342 : i32 to index
        %swap3A_344 = tpu.vector_load %arg11[%swap3A_343] {strides = array<i32>} : memref<12288xf32, #tpu.memory_space<vmem>>, vector<16xf32>,
        %swap3A_345 = vector.shape_cast %swap3A_344 : vector<16xf32> to vector<16xf32>
        %swap3A_346 = vector.shape_cast %add3A_338 : vector<16xf32> to vector<16xf32>
        tpu.vector_store %arg11[%swap3A_343], %swap3A_346 {strides = array<i32>} : memref<12288xf32, #tpu.memory_space<vmem>>, vector<16xf32>,
        %mul3A_347 = arith.constant 3 : i32
        %mul3A_348 = arith.muli %mul3A_347, %scan3A_34 : i32
        %get3A_349 = arith.index_cast %mul3A_348 : i32 to index
        %get3A_350 = arith.constant 96 : index
        %get3A_351 = tpu.vector_load %arg10[%get3A_349, %get3A_350] {strides = array<i32>} : memref<48x768xf32, #tpu.memory_space<vmem>>, vector<1x16xf32>,
        %get3A_352 = vector.shape_cast %get3A_351 : vector<1x16xf32> to vector<16xf32>
        %mul3A_353 = arith.mulf %get3A_39, %get3A_352 : vector<16xf32>
        %mul3A_354 = arith.constant 3 : i32
        %mul3A_355 = arith.muli %mul3A_354, %scan3A_34 : i32
        %add3A_356 = arith.constant 1 : i32
        %add3A_357 = arith.addi %mul3A_355, %add3A_356 : i32
        %get3A_358 = arith.index_cast %add3A_357 : i32 to index
        %get3A_359 = arith.constant 96 : index
        %get3A_360 = tpu.vector_load %arg10[%get3A_358, %get3A_359] {strides = array<i32>} : memref<48x768xf32, #tpu.memory_space<vmem>>, vector<1x16xf32>,
        %get3A_361 = vector.shape_cast %get3A_360 : vector<1x16xf32> to vector<16xf32>
        %mul3A_362 = arith.mulf %get3A_46, %get3A_361 : vector<16xf32>
        %add3A_363 = arith.addf %mul3A_353, %mul3A_362 : vector<16xf32>
        %mul3A_364 = arith.constant 3 : i32
        %mul3A_365 = arith.muli %mul3A_364, %scan3A_34 : i32
        %add3A_366 = arith.constant 2 : i32
        %add3A_367 = arith.addi %mul3A_365, %add3A_366 : i32
        %get3A_368 = arith.index_cast %add3A_367 : i32 to index
        %get3A_369 = arith.constant 96 : index
        %get3A_370 = tpu.vector_load %arg10[%get3A_368, %get3A_369] {strides = array<i32>} : memref<48x768xf32, #tpu.memory_space<vmem>>, vector<1x16xf32>,
        %get3A_371 = vector.shape_cast %get3A_370 : vector<1x16xf32> to vector<16xf32>
        %mul3A_372 = arith.mulf %get3A_53, %get3A_371 : vector<16xf32>
        %add3A_373 = arith.addf %add3A_363, %mul3A_372 : vector<16xf32>
        %mul3A_374 = arith.constant 768 : i32
        %mul3A_375 = arith.muli %scan3A_34, %mul3A_374 : i32
        %add3A_376 = arith.constant 96 : i32
        %add3A_377 = arith.addi %mul3A_375, %add3A_376 : i32
        %get3A_378 = arith.index_cast %add3A_377 : i32 to index
        %get3A_379 = tpu.vector_load %arg9[%get3A_378] {strides = array<i32>} : memref<12288xf32, #tpu.memory_space<vmem>>, vector<16xf32>,
        %get3A_380 = vector.shape_cast %get3A_379 : vector<16xf32> to vector<16xf32>
        %mul3A_381 = arith.constant 0.475020826 : f32
        %mul3A_382 = vector.broadcast %mul3A_381 : f32 to vector<16xf32>
        %mul3A_383 = arith.mulf %mul3A_382, %get3A_380 : vector<16xf32>
        %mul3A_384 = arith.constant 0.524979174 : f32
        %mul3A_385 = vector.broadcast %mul3A_384 : f32 to vector<16xf32>
        %mul3A_386 = arith.mulf %mul3A_385, %add3A_373 : vector<16xf32>
        %add3A_387 = arith.addf %mul3A_383, %mul3A_386 : vector<16xf32>
        %mul3A_388 = arith.constant 768 : i32
        %mul3A_389 = arith.muli %scan3A_34, %mul3A_388 : i32
        %add3A_390 = arith.constant 96 : i32
        %add3A_391 = arith.addi %mul3A_389, %add3A_390 : i32
        %swap3A_392 = arith.index_cast %add3A_391 : i32 to index
        %swap3A_393 = tpu.vector_load %arg11[%swap3A_392] {strides = array<i32>} : memref<12288xf32, #tpu.memory_space<vmem>>, vector<16xf32>,
        %swap3A_394 = vector.shape_cast %swap3A_393 : vector<16xf32> to vector<16xf32>
        %swap3A_395 = vector.shape_cast %add3A_387 : vector<16xf32> to vector<16xf32>
        tpu.vector_store %arg11[%swap3A_392], %swap3A_395 {strides = array<i32>} : memref<12288xf32, #tpu.memory_space<vmem>>, vector<16xf32>,
        %mul3A_396 = arith.constant 3 : i32
        %mul3A_397 = arith.muli %mul3A_396, %scan3A_34 : i32
        %get3A_398 = arith.index_cast %mul3A_397 : i32 to index
        %get3A_399 = arith.constant 112 : index
        %get3A_400 = tpu.vector_load %arg10[%get3A_398, %get3A_399] {strides = array<i32>} : memref<48x768xf32, #tpu.memory_space<vmem>>, vector<1x16xf32>,
        %get3A_401 = vector.shape_cast %get3A_400 : vector<1x16xf32> to vector<16xf32>
        %mul3A_402 = arith.mulf %get3A_39, %get3A_401 : vector<16xf32>
        %mul3A_403 = arith.constant 3 : i32
        %mul3A_404 = arith.muli %mul3A_403, %scan3A_34 : i32
        %add3A_405 = arith.constant 1 : i32
        %add3A_406 = arith.addi %mul3A_404, %add3A_405 : i32
        %get3A_407 = arith.index_cast %add3A_406 : i32 to index
        %get3A_408 = arith.constant 112 : index
        %get3A_409 = tpu.vector_load %arg10[%get3A_407, %get3A_408] {strides = array<i32>} : memref<48x768xf32, #tpu.memory_space<vmem>>, vector<1x16xf32>,
        %get3A_410 = vector.shape_cast %get3A_409 : vector<1x16xf32> to vector<16xf32>
        %mul3A_411 = arith.mulf %get3A_46, %get3A_410 : vector<16xf32>
        %add3A_412 = arith.addf %mul3A_402, %mul3A_411 : vector<16xf32>
        %mul3A_413 = arith.constant 3 : i32
        %mul3A_414 = arith.muli %mul3A_413, %scan3A_34 : i32
        %add3A_415 = arith.constant 2 : i32
        %add3A_416 = arith.addi %mul3A_414, %add3A_415 : i32
        %get3A_417 = arith.index_cast %add3A_416 : i32 to index
        %get3A_418 = arith.constant 112 : index
        %get3A_419 = tpu.vector_load %arg10[%get3A_417, %get3A_418] {strides = array<i32>} : memref<48x768xf32, #tpu.memory_space<vmem>>, vector<1x16xf32>,
        %get3A_420 = vector.shape_cast %get3A_419 : vector<1x16xf32> to vector<16xf32>
        %mul3A_421 = arith.mulf %get3A_53, %get3A_420 : vector<16xf32>
        %add3A_422 = arith.addf %add3A_412, %mul3A_421 : vector<16xf32>
        %mul3A_423 = arith.constant 768 : i32
        %mul3A_424 = arith.muli %scan3A_34, %mul3A_423 : i32
        %add3A_425 = arith.constant 112 : i32
        %add3A_426 = arith.addi %mul3A_424, %add3A_425 : i32
        %get3A_427 = arith.index_cast %add3A_426 : i32 to index
        %get3A_428 = tpu.vector_load %arg9[%get3A_427] {strides = array<i32>} : memref<12288xf32, #tpu.memory_space<vmem>>, vector<16xf32>,
        %get3A_429 = vector.shape_cast %get3A_428 : vector<16xf32> to vector<16xf32>
        %mul3A_430 = arith.constant 0.475020826 : f32
        %mul3A_431 = vector.broadcast %mul3A_430 : f32 to vector<16xf32>
        %mul3A_432 = arith.mulf %mul3A_431, %get3A_429 : vector<16xf32>
        %mul3A_433 = arith.constant 0.524979174 : f32
        %mul3A_434 = vector.broadcast %mul3A_433 : f32 to vector<16xf32>
        %mul3A_435 = arith.mulf %mul3A_434, %add3A_422 : vector<16xf32>
        %add3A_436 = arith.addf %mul3A_432, %mul3A_435 : vector<16xf32>
        %mul3A_437 = arith.constant 768 : i32
        %mul3A_438 = arith.muli %scan3A_34, %mul3A_437 : i32
        %add3A_439 = arith.constant 112 : i32
        %add3A_440 = arith.addi %mul3A_438, %add3A_439 : i32
        %swap3A_441 = arith.index_cast %add3A_440 : i32 to index
        %swap3A_442 = tpu.vector_load %arg11[%swap3A_441] {strides = array<i32>} : memref<12288xf32, #tpu.memory_space<vmem>>, vector<16xf32>,
        %swap3A_443 = vector.shape_cast %swap3A_442 : vector<16xf32> to vector<16xf32>
        %swap3A_444 = vector.shape_cast %add3A_436 : vector<16xf32> to vector<16xf32>
        tpu.vector_store %arg11[%swap3A_441], %swap3A_444 {strides = array<i32>} : memref<12288xf32, #tpu.memory_space<vmem>>, vector<16xf32>,
        %mul3A_445 = arith.constant 3 : i32
        %mul3A_446 = arith.muli %mul3A_445, %scan3A_34 : i32
        %get3A_447 = arith.index_cast %mul3A_446 : i32 to index
        %get3A_448 = arith.constant 128 : index
        %get3A_449 = tpu.vector_load %arg10[%get3A_447, %get3A_448] {strides = array<i32>} : memref<48x768xf32, #tpu.memory_space<vmem>>, vector<1x16xf32>,
        %get3A_450 = vector.shape_cast %get3A_449 : vector<1x16xf32> to vector<16xf32>
        %mul3A_451 = arith.mulf %get3A_39, %get3A_450 : vector<16xf32>
        %mul3A_452 = arith.constant 3 : i32
        %mul3A_453 = arith.muli %mul3A_452, %scan3A_34 : i32
        %add3A_454 = arith.constant 1 : i32
        %add3A_455 = arith.addi %mul3A_453, %add3A_454 : i32
        %get3A_456 = arith.index_cast %add3A_455 : i32 to index
        %get3A_457 = arith.constant 128 : index
        %get3A_458 = tpu.vector_load %arg10[%get3A_456, %get3A_457] {strides = array<i32>} : memref<48x768xf32, #tpu.memory_space<vmem>>, vector<1x16xf32>,
        %get3A_459 = vector.shape_cast %get3A_458 : vector<1x16xf32> to vector<16xf32>
        %mul3A_460 = arith.mulf %get3A_46, %get3A_459 : vector<16xf32>
        %add3A_461 = arith.addf %mul3A_451, %mul3A_460 : vector<16xf32>
        %mul3A_462 = arith.constant 3 : i32
        %mul3A_463 = arith.muli %mul3A_462, %scan3A_34 : i32
        %add3A_464 = arith.constant 2 : i32
        %add3A_465 = arith.addi %mul3A_463, %add3A_464 : i32
        %get3A_466 = arith.index_cast %add3A_465 : i32 to index
        %get3A_467 = arith.constant 128 : index
        %get3A_468 = tpu.vector_load %arg10[%get3A_466, %get3A_467] {strides = array<i32>} : memref<48x768xf32, #tpu.memory_space<vmem>>, vector<1x16xf32>,
        %get3A_469 = vector.shape_cast %get3A_468 : vector<1x16xf32> to vector<16xf32>
        %mul3A_470 = arith.mulf %get3A_53, %get3A_469 : vector<16xf32>
        %add3A_471 = arith.addf %add3A_461, %mul3A_470 : vector<16xf32>
        %mul3A_472 = arith.constant 768 : i32
        %mul3A_473 = arith.muli %scan3A_34, %mul3A_472 : i32
        %add3A_474 = arith.constant 128 : i32
        %add3A_475 = arith.addi %mul3A_473, %add3A_474 : i32
        %get3A_476 = arith.index_cast %add3A_475 : i32 to index
        %get3A_477 = tpu.vector_load %arg9[%get3A_476] {strides = array<i32>} : memref<12288xf32, #tpu.memory_space<vmem>>, vector<16xf32>,
        %get3A_478 = vector.shape_cast %get3A_477 : vector<16xf32> to vector<16xf32>
        %mul3A_479 = arith.constant 0.475020826 : f32
        %mul3A_480 = vector.broadcast %mul3A_479 : f32 to vector<16xf32>
        %mul3A_481 = arith.mulf %mul3A_480, %get3A_478 : vector<16xf32>
        %mul3A_482 = arith.constant 0.524979174 : f32
        %mul3A_483 = vector.broadcast %mul3A_482 : f32 to vector<16xf32>
        %mul3A_484 = arith.mulf %mul3A_483, %add3A_471 : vector<16xf32>
        %add3A_485 = arith.addf %mul3A_481, %mul3A_484 : vector<16xf32>
        %mul3A_486 = arith.constant 768 : i32
        %mul3A_487 = arith.muli %scan3A_34, %mul3A_486 : i32
        %add3A_488 = arith.constant 128 : i32
        %add3A_489 = arith.addi %mul3A_487, %add3A_488 : i32
        %swap3A_490 = arith.index_cast %add3A_489 : i32 to index
        %swap3A_491 = tpu.vector_load %arg11[%swap3A_490] {strides = array<i32>} : memref<12288xf32, #tpu.memory_space<vmem>>, vector<16xf32>,
        %swap3A_492 = vector.shape_cast %swap3A_491 : vector<16xf32> to vector<16xf32>
        %swap3A_493 = vector.shape_cast %add3A_485 : vector<16xf32> to vector<16xf32>
        tpu.vector_store %arg11[%swap3A_490], %swap3A_493 {strides = array<i32>} : memref<12288xf32, #tpu.memory_space<vmem>>, vector<16xf32>,
        %mul3A_494 = arith.constant 3 : i32
        %mul3A_495 = arith.muli %mul3A_494, %scan3A_34 : i32
        %get3A_496 = arith.index_cast %mul3A_495 : i32 to index
        %get3A_497 = arith.constant 144 : index
        %get3A_498 = tpu.vector_load %arg10[%get3A_496, %get3A_497] {strides = array<i32>} : memref<48x768xf32, #tpu.memory_space<vmem>>, vector<1x16xf32>,
        %get3A_499 = vector.shape_cast %get3A_498 : vector<1x16xf32> to vector<16xf32>
        %mul3A_500 = arith.mulf %get3A_39, %get3A_499 : vector<16xf32>
        %mul3A_501 = arith.constant 3 : i32
        %mul3A_502 = arith.muli %mul3A_501, %scan3A_34 : i32
        %add3A_503 = arith.constant 1 : i32
        %add3A_504 = arith.addi %mul3A_502, %add3A_503 : i32
        %get3A_505 = arith.index_cast %add3A_504 : i32 to index
        %get3A_506 = arith.constant 144 : index
        %get3A_507 = tpu.vector_load %arg10[%get3A_505, %get3A_506] {strides = array<i32>} : memref<48x768xf32, #tpu.memory_space<vmem>>, vector<1x16xf32>,
        %get3A_508 = vector.shape_cast %get3A_507 : vector<1x16xf32> to vector<16xf32>
        %mul3A_509 = arith.mulf %get3A_46, %get3A_508 : vector<16xf32>
        %add3A_510 = arith.addf %mul3A_500, %mul3A_509 : vector<16xf32>
        %mul3A_511 = arith.constant 3 : i32
        %mul3A_512 = arith.muli %mul3A_511, %scan3A_34 : i32
        %add3A_513 = arith.constant 2 : i32
        %add3A_514 = arith.addi %mul3A_512, %add3A_513 : i32
        %get3A_515 = arith.index_cast %add3A_514 : i32 to index
        %get3A_516 = arith.constant 144 : index
        %get3A_517 = tpu.vector_load %arg10[%get3A_515, %get3A_516] {strides = array<i32>} : memref<48x768xf32, #tpu.memory_space<vmem>>, vector<1x16xf32>,
        %get3A_518 = vector.shape_cast %get3A_517 : vector<1x16xf32> to vector<16xf32>
        %mul3A_519 = arith.mulf %get3A_53, %get3A_518 : vector<16xf32>
        %add3A_520 = arith.addf %add3A_510, %mul3A_519 : vector<16xf32>
        %mul3A_521 = arith.constant 768 : i32
        %mul3A_522 = arith.muli %scan3A_34, %mul3A_521 : i32
        %add3A_523 = arith.constant 144 : i32
        %add3A_524 = arith.addi %mul3A_522, %add3A_523 : i32
        %get3A_525 = arith.index_cast %add3A_524 : i32 to index
        %get3A_526 = tpu.vector_load %arg9[%get3A_525] {strides = array<i32>} : memref<12288xf32, #tpu.memory_space<vmem>>, vector<16xf32>,
        %get3A_527 = vector.shape_cast %get3A_526 : vector<16xf32> to vector<16xf32>
        %mul3A_528 = arith.constant 0.475020826 : f32
        %mul3A_529 = vector.broadcast %mul3A_528 : f32 to vector<16xf32>
        %mul3A_530 = arith.mulf %mul3A_529, %get3A_527 : vector<16xf32>
        %mul3A_531 = arith.constant 0.524979174 : f32
        %mul3A_532 = vector.broadcast %mul3A_531 : f32 to vector<16xf32>
        %mul3A_533 = arith.mulf %mul3A_532, %add3A_520 : vector<16xf32>
        %add3A_534 = arith.addf %mul3A_530, %mul3A_533 : vector<16xf32>
        %mul3A_535 = arith.constant 768 : i32
        %mul3A_536 = arith.muli %scan3A_34, %mul3A_535 : i32
        %add3A_537 = arith.constant 144 : i32
        %add3A_538 = arith.addi %mul3A_536, %add3A_537 : i32
        %swap3A_539 = arith.index_cast %add3A_538 : i32 to index
        %swap3A_540 = tpu.vector_load %arg11[%swap3A_539] {strides = array<i32>} : memref<12288xf32, #tpu.memory_space<vmem>>, vector<16xf32>,
        %swap3A_541 = vector.shape_cast %swap3A_540 : vector<16xf32> to vector<16xf32>
        %swap3A_542 = vector.shape_cast %add3A_534 : vector<16xf32> to vector<16xf32>
        tpu.vector_store %arg11[%swap3A_539], %swap3A_542 {strides = array<i32>} : memref<12288xf32, #tpu.memory_space<vmem>>, vector<16xf32>,
        %mul3A_543 = arith.constant 3 : i32
        %mul3A_544 = arith.muli %mul3A_543, %scan3A_34 : i32
        %get3A_545 = arith.index_cast %mul3A_544 : i32 to index
        %get3A_546 = arith.constant 160 : index
        %get3A_547 = tpu.vector_load %arg10[%get3A_545, %get3A_546] {strides = array<i32>} : memref<48x768xf32, #tpu.memory_space<vmem>>, vector<1x16xf32>,
        %get3A_548 = vector.shape_cast %get3A_547 : vector<1x16xf32> to vector<16xf32>
        %mul3A_549 = arith.mulf %get3A_39, %get3A_548 : vector<16xf32>
        %mul3A_550 = arith.constant 3 : i32
        %mul3A_551 = arith.muli %mul3A_550, %scan3A_34 : i32
        %add3A_552 = arith.constant 1 : i32
        %add3A_553 = arith.addi %mul3A_551, %add3A_552 : i32
        %get3A_554 = arith.index_cast %add3A_553 : i32 to index
        %get3A_555 = arith.constant 160 : index
        %get3A_556 = tpu.vector_load %arg10[%get3A_554, %get3A_555] {strides = array<i32>} : memref<48x768xf32, #tpu.memory_space<vmem>>, vector<1x16xf32>,
        %get3A_557 = vector.shape_cast %get3A_556 : vector<1x16xf32> to vector<16xf32>
        %mul3A_558 = arith.mulf %get3A_46, %get3A_557 : vector<16xf32>
        %add3A_559 = arith.addf %mul3A_549, %mul3A_558 : vector<16xf32>
        %mul3A_560 = arith.constant 3 : i32
        %mul3A_561 = arith.muli %mul3A_560, %scan3A_34 : i32
        %add3A_562 = arith.constant 2 : i32
        %add3A_563 = arith.addi %mul3A_561, %add3A_562 : i32
        %get3A_564 = arith.index_cast %add3A_563 : i32 to index
        %get3A_565 = arith.constant 160 : index
        %get3A_566 = tpu.vector_load %arg10[%get3A_564, %get3A_565] {strides = array<i32>} : memref<48x768xf32, #tpu.memory_space<vmem>>, vector<1x16xf32>,
        %get3A_567 = vector.shape_cast %get3A_566 : vector<1x16xf32> to vector<16xf32>
        %mul3A_568 = arith.mulf %get3A_53, %get3A_567 : vector<16xf32>
        %add3A_569 = arith.addf %add3A_559, %mul3A_568 : vector<16xf32>
        %mul3A_570 = arith.constant 768 : i32
        %mul3A_571 = arith.muli %scan3A_34, %mul3A_570 : i32
        %add3A_572 = arith.constant 160 : i32
        %add3A_573 = arith.addi %mul3A_571, %add3A_572 : i32
        %get3A_574 = arith.index_cast %add3A_573 : i32 to index
        %get3A_575 = tpu.vector_load %arg9[%get3A_574] {strides = array<i32>} : memref<12288xf32, #tpu.memory_space<vmem>>, vector<16xf32>,
        %get3A_576 = vector.shape_cast %get3A_575 : vector<16xf32> to vector<16xf32>
        %mul3A_577 = arith.constant 0.475020826 : f32
        %mul3A_578 = vector.broadcast %mul3A_577 : f32 to vector<16xf32>
        %mul3A_579 = arith.mulf %mul3A_578, %get3A_576 : vector<16xf32>
        %mul3A_580 = arith.constant 0.524979174 : f32
        %mul3A_581 = vector.broadcast %mul3A_580 : f32 to vector<16xf32>
        %mul3A_582 = arith.mulf %mul3A_581, %add3A_569 : vector<16xf32>
        %add3A_583 = arith.addf %mul3A_579, %mul3A_582 : vector<16xf32>
        %mul3A_584 = arith.constant 768 : i32
        %mul3A_585 = arith.muli %scan3A_34, %mul3A_584 : i32
        %add3A_586 = arith.constant 160 : i32
        %add3A_587 = arith.addi %mul3A_585, %add3A_586 : i32
        %swap3A_588 = arith.index_cast %add3A_587 : i32 to index
        %swap3A_589 = tpu.vector_load %arg11[%swap3A_588] {strides = array<i32>} : memref<12288xf32, #tpu.memory_space<vmem>>, vector<16xf32>,
        %swap3A_590 = vector.shape_cast %swap3A_589 : vector<16xf32> to vector<16xf32>
        %swap3A_591 = vector.shape_cast %add3A_583 : vector<16xf32> to vector<16xf32>
        tpu.vector_store %arg11[%swap3A_588], %swap3A_591 {strides = array<i32>} : memref<12288xf32, #tpu.memory_space<vmem>>, vector<16xf32>,
        %mul3A_592 = arith.constant 3 : i32
        %mul3A_593 = arith.muli %mul3A_592, %scan3A_34 : i32
        %get3A_594 = arith.index_cast %mul3A_593 : i32 to index
        %get3A_595 = arith.constant 176 : index
        %get3A_596 = tpu.vector_load %arg10[%get3A_594, %get3A_595] {strides = array<i32>} : memref<48x768xf32, #tpu.memory_space<vmem>>, vector<1x16xf32>,
        %get3A_597 = vector.shape_cast %get3A_596 : vector<1x16xf32> to vector<16xf32>
        %mul3A_598 = arith.mulf %get3A_39, %get3A_597 : vector<16xf32>
        %mul3A_599 = arith.constant 3 : i32
        %mul3A_600 = arith.muli %mul3A_599, %scan3A_34 : i32
        %add3A_601 = arith.constant 1 : i32
        %add3A_602 = arith.addi %mul3A_600, %add3A_601 : i32
        %get3A_603 = arith.index_cast %add3A_602 : i32 to index
        %get3A_604 = arith.constant 176 : index
        %get3A_605 = tpu.vector_load %arg10[%get3A_603, %get3A_604] {strides = array<i32>} : memref<48x768xf32, #tpu.memory_space<vmem>>, vector<1x16xf32>,
        %get3A_606 = vector.shape_cast %get3A_605 : vector<1x16xf32> to vector<16xf32>
        %mul3A_607 = arith.mulf %get3A_46, %get3A_606 : vector<16xf32>
        %add3A_608 = arith.addf %mul3A_598, %mul3A_607 : vector<16xf32>
        %mul3A_609 = arith.constant 3 : i32
        %mul3A_610 = arith.muli %mul3A_609, %scan3A_34 : i32
        %add3A_611 = arith.constant 2 : i32
        %add3A_612 = arith.addi %mul3A_610, %add3A_611 : i32
        %get3A_613 = arith.index_cast %add3A_612 : i32 to index
        %get3A_614 = arith.constant 176 : index
        %get3A_615 = tpu.vector_load %arg10[%get3A_613, %get3A_614] {strides = array<i32>} : memref<48x768xf32, #tpu.memory_space<vmem>>, vector<1x16xf32>,
        %get3A_616 = vector.shape_cast %get3A_615 : vector<1x16xf32> to vector<16xf32>
        %mul3A_617 = arith.mulf %get3A_53, %get3A_616 : vector<16xf32>
        %add3A_618 = arith.addf %add3A_608, %mul3A_617 : vector<16xf32>
        %mul3A_619 = arith.constant 768 : i32
        %mul3A_620 = arith.muli %scan3A_34, %mul3A_619 : i32
        %add3A_621 = arith.constant 176 : i32
        %add3A_622 = arith.addi %mul3A_620, %add3A_621 : i32
        %get3A_623 = arith.index_cast %add3A_622 : i32 to index
        %get3A_624 = tpu.vector_load %arg9[%get3A_623] {strides = array<i32>} : memref<12288xf32, #tpu.memory_space<vmem>>, vector<16xf32>,
        %get3A_625 = vector.shape_cast %get3A_624 : vector<16xf32> to vector<16xf32>
        %mul3A_626 = arith.constant 0.475020826 : f32
        %mul3A_627 = vector.broadcast %mul3A_626 : f32 to vector<16xf32>
        %mul3A_628 = arith.mulf %mul3A_627, %get3A_625 : vector<16xf32>
        %mul3A_629 = arith.constant 0.524979174 : f32
        %mul3A_630 = vector.broadcast %mul3A_629 : f32 to vector<16xf32>
        %mul3A_631 = arith.mulf %mul3A_630, %add3A_618 : vector<16xf32>
        %add3A_632 = arith.addf %mul3A_628, %mul3A_631 : vector<16xf32>
        %mul3A_633 = arith.constant 768 : i32
        %mul3A_634 = arith.muli %scan3A_34, %mul3A_633 : i32
        %add3A_635 = arith.constant 176 : i32
        %add3A_636 = arith.addi %mul3A_634, %add3A_635 : i32
        %swap3A_637 = arith.index_cast %add3A_636 : i32 to index
        %swap3A_638 = tpu.vector_load %arg11[%swap3A_637] {strides = array<i32>} : memref<12288xf32, #tpu.memory_space<vmem>>, vector<16xf32>,
        %swap3A_639 = vector.shape_cast %swap3A_638 : vector<16xf32> to vector<16xf32>
        %swap3A_640 = vector.shape_cast %add3A_632 : vector<16xf32> to vector<16xf32>
        tpu.vector_store %arg11[%swap3A_637], %swap3A_640 {strides = array<i32>} : memref<12288xf32, #tpu.memory_space<vmem>>, vector<16xf32>,
        %mul3A_641 = arith.constant 3 : i32
        %mul3A_642 = arith.muli %mul3A_641, %scan3A_34 : i32
        %get3A_643 = arith.index_cast %mul3A_642 : i32 to index
        %get3A_644 = arith.constant 192 : index
        %get3A_645 = tpu.vector_load %arg10[%get3A_643, %get3A_644] {strides = array<i32>} : memref<48x768xf32, #tpu.memory_space<vmem>>, vector<1x16xf32>,
        %get3A_646 = vector.shape_cast %get3A_645 : vector<1x16xf32> to vector<16xf32>
        %mul3A_647 = arith.mulf %get3A_39, %get3A_646 : vector<16xf32>
        %mul3A_648 = arith.constant 3 : i32
        %mul3A_649 = arith.muli %mul3A_648, %scan3A_34 : i32
        %add3A_650 = arith.constant 1 : i32
        %add3A_651 = arith.addi %mul3A_649, %add3A_650 : i32
        %get3A_652 = arith.index_cast %add3A_651 : i32 to index
        %get3A_653 = arith.constant 192 : index
        %get3A_654 = tpu.vector_load %arg10[%get3A_652, %get3A_653] {strides = array<i32>} : memref<48x768xf32, #tpu.memory_space<vmem>>, vector<1x16xf32>,
        %get3A_655 = vector.shape_cast %get3A_654 : vector<1x16xf32> to vector<16xf32>
        %mul3A_656 = arith.mulf %get3A_46, %get3A_655 : vector<16xf32>
        %add3A_657 = arith.addf %mul3A_647, %mul3A_656 : vector<16xf32>
        %mul3A_658 = arith.constant 3 : i32
        %mul3A_659 = arith.muli %mul3A_658, %scan3A_34 : i32
        %add3A_660 = arith.constant 2 : i32
        %add3A_661 = arith.addi %mul3A_659, %add3A_660 : i32
        %get3A_662 = arith.index_cast %add3A_661 : i32 to index
        %get3A_663 = arith.constant 192 : index
        %get3A_664 = tpu.vector_load %arg10[%get3A_662, %get3A_663] {strides = array<i32>} : memref<48x768xf32, #tpu.memory_space<vmem>>, vector<1x16xf32>,
        %get3A_665 = vector.shape_cast %get3A_664 : vector<1x16xf32> to vector<16xf32>
        %mul3A_666 = arith.mulf %get3A_53, %get3A_665 : vector<16xf32>
        %add3A_667 = arith.addf %add3A_657, %mul3A_666 : vector<16xf32>
        %mul3A_668 = arith.constant 768 : i32
        %mul3A_669 = arith.muli %scan3A_34, %mul3A_668 : i32
        %add3A_670 = arith.constant 192 : i32
        %add3A_671 = arith.addi %mul3A_669, %add3A_670 : i32
        %get3A_672 = arith.index_cast %add3A_671 : i32 to index
        %get3A_673 = tpu.vector_load %arg9[%get3A_672] {strides = array<i32>} : memref<12288xf32, #tpu.memory_space<vmem>>, vector<16xf32>,
        %get3A_674 = vector.shape_cast %get3A_673 : vector<16xf32> to vector<16xf32>
        %mul3A_675 = arith.constant 0.475020826 : f32
        %mul3A_676 = vector.broadcast %mul3A_675 : f32 to vector<16xf32>
        %mul3A_677 = arith.mulf %mul3A_676, %get3A_674 : vector<16xf32>
        %mul3A_678 = arith.constant 0.524979174 : f32
        %mul3A_679 = vector.broadcast %mul3A_678 : f32 to vector<16xf32>
        %mul3A_680 = arith.mulf %mul3A_679, %add3A_667 : vector<16xf32>
        %add3A_681 = arith.addf %mul3A_677, %mul3A_680 : vector<16xf32>
        %mul3A_682 = arith.constant 768 : i32
        %mul3A_683 = arith.muli %scan3A_34, %mul3A_682 : i32
        %add3A_684 = arith.constant 192 : i32
        %add3A_685 = arith.addi %mul3A_683, %add3A_684 : i32
        %swap3A_686 = arith.index_cast %add3A_685 : i32 to index
        %swap3A_687 = tpu.vector_load %arg11[%swap3A_686] {strides = array<i32>} : memref<12288xf32, #tpu.memory_space<vmem>>, vector<16xf32>,
        %swap3A_688 = vector.shape_cast %swap3A_687 : vector<16xf32> to vector<16xf32>
        %swap3A_689 = vector.shape_cast %add3A_681 : vector<16xf32> to vector<16xf32>
        tpu.vector_store %arg11[%swap3A_686], %swap3A_689 {strides = array<i32>} : memref<12288xf32, #tpu.memory_space<vmem>>, vector<16xf32>,
        %mul3A_690 = arith.constant 3 : i32
        %mul3A_691 = arith.muli %mul3A_690, %scan3A_34 : i32
        %get3A_692 = arith.index_cast %mul3A_691 : i32 to index
        %get3A_693 = arith.constant 208 : index
        %get3A_694 = tpu.vector_load %arg10[%get3A_692, %get3A_693] {strides = array<i32>} : memref<48x768xf32, #tpu.memory_space<vmem>>, vector<1x16xf32>,
        %get3A_695 = vector.shape_cast %get3A_694 : vector<1x16xf32> to vector<16xf32>
        %mul3A_696 = arith.mulf %get3A_39, %get3A_695 : vector<16xf32>
        %mul3A_697 = arith.constant 3 : i32
        %mul3A_698 = arith.muli %mul3A_697, %scan3A_34 : i32
        %add3A_699 = arith.constant 1 : i32
        %add3A_700 = arith.addi %mul3A_698, %add3A_699 : i32
        %get3A_701 = arith.index_cast %add3A_700 : i32 to index
        %get3A_702 = arith.constant 208 : index
        %get3A_703 = tpu.vector_load %arg10[%get3A_701, %get3A_702] {strides = array<i32>} : memref<48x768xf32, #tpu.memory_space<vmem>>, vector<1x16xf32>,
        %get3A_704 = vector.shape_cast %get3A_703 : vector<1x16xf32> to vector<16xf32>
        %mul3A_705 = arith.mulf %get3A_46, %get3A_704 : vector<16xf32>
        %add3A_706 = arith.addf %mul3A_696, %mul3A_705 : vector<16xf32>
        %mul3A_707 = arith.constant 3 : i32
        %mul3A_708 = arith.muli %mul3A_707, %scan3A_34 : i32
        %add3A_709 = arith.constant 2 : i32
        %add3A_710 = arith.addi %mul3A_708, %add3A_709 : i32
        %get3A_711 = arith.index_cast %add3A_710 : i32 to index
        %get3A_712 = arith.constant 208 : index
        %get3A_713 = tpu.vector_load %arg10[%get3A_711, %get3A_712] {strides = array<i32>} : memref<48x768xf32, #tpu.memory_space<vmem>>, vector<1x16xf32>,
        %get3A_714 = vector.shape_cast %get3A_713 : vector<1x16xf32> to vector<16xf32>
        %mul3A_715 = arith.mulf %get3A_53, %get3A_714 : vector<16xf32>
        %add3A_716 = arith.addf %add3A_706, %mul3A_715 : vector<16xf32>
        %mul3A_717 = arith.constant 768 : i32
        %mul3A_718 = arith.muli %scan3A_34, %mul3A_717 : i32
        %add3A_719 = arith.constant 208 : i32
        %add3A_720 = arith.addi %mul3A_718, %add3A_719 : i32
        %get3A_721 = arith.index_cast %add3A_720 : i32 to index
        %get3A_722 = tpu.vector_load %arg9[%get3A_721] {strides = array<i32>} : memref<12288xf32, #tpu.memory_space<vmem>>, vector<16xf32>,
        %get3A_723 = vector.shape_cast %get3A_722 : vector<16xf32> to vector<16xf32>
        %mul3A_724 = arith.constant 0.475020826 : f32
        %mul3A_725 = vector.broadcast %mul3A_724 : f32 to vector<16xf32>
        %mul3A_726 = arith.mulf %mul3A_725, %get3A_723 : vector<16xf32>
        %mul3A_727 = arith.constant 0.524979174 : f32
        %mul3A_728 = vector.broadcast %mul3A_727 : f32 to vector<16xf32>
        %mul3A_729 = arith.mulf %mul3A_728, %add3A_716 : vector<16xf32>
        %add3A_730 = arith.addf %mul3A_726, %mul3A_729 : vector<16xf32>
        %mul3A_731 = arith.constant 768 : i32
        %mul3A_732 = arith.muli %scan3A_34, %mul3A_731 : i32
        %add3A_733 = arith.constant 208 : i32
        %add3A_734 = arith.addi %mul3A_732, %add3A_733 : i32
        %swap3A_735 = arith.index_cast %add3A_734 : i32 to index
        %swap3A_736 = tpu.vector_load %arg11[%swap3A_735] {strides = array<i32>} : memref<12288xf32, #tpu.memory_space<vmem>>, vector<16xf32>,
        %swap3A_737 = vector.shape_cast %swap3A_736 : vector<16xf32> to vector<16xf32>
        %swap3A_738 = vector.shape_cast %add3A_730 : vector<16xf32> to vector<16xf32>
        tpu.vector_store %arg11[%swap3A_735], %swap3A_738 {strides = array<i32>} : memref<12288xf32, #tpu.memory_space<vmem>>, vector<16xf32>,
        %mul3A_739 = arith.constant 3 : i32
        %mul3A_740 = arith.muli %mul3A_739, %scan3A_34 : i32
        %get3A_741 = arith.index_cast %mul3A_740 : i32 to index
        %get3A_742 = arith.constant 224 : index
        %get3A_743 = tpu.vector_load %arg10[%get3A_741, %get3A_742] {strides = array<i32>} : memref<48x768xf32, #tpu.memory_space<vmem>>, vector<1x16xf32>,
        %get3A_744 = vector.shape_cast %get3A_743 : vector<1x16xf32> to vector<16xf32>
        %mul3A_745 = arith.mulf %get3A_39, %get3A_744 : vector<16xf32>
        %mul3A_746 = arith.constant 3 : i32
        %mul3A_747 = arith.muli %mul3A_746, %scan3A_34 : i32
        %add3A_748 = arith.constant 1 : i32
        %add3A_749 = arith.addi %mul3A_747, %add3A_748 : i32
        %get3A_750 = arith.index_cast %add3A_749 : i32 to index
        %get3A_751 = arith.constant 224 : index
        %get3A_752 = tpu.vector_load %arg10[%get3A_750, %get3A_751] {strides = array<i32>} : memref<48x768xf32, #tpu.memory_space<vmem>>, vector<1x16xf32>,
        %get3A_753 = vector.shape_cast %get3A_752 : vector<1x16xf32> to vector<16xf32>
        %mul3A_754 = arith.mulf %get3A_46, %get3A_753 : vector<16xf32>
        %add3A_755 = arith.addf %mul3A_745, %mul3A_754 : vector<16xf32>
        %mul3A_756 = arith.constant 3 : i32
        %mul3A_757 = arith.muli %mul3A_756, %scan3A_34 : i32
        %add3A_758 = arith.constant 2 : i32
        %add3A_759 = arith.addi %mul3A_757, %add3A_758 : i32
        %get3A_760 = arith.index_cast %add3A_759 : i32 to index
        %get3A_761 = arith.constant 224 : index
        %get3A_762 = tpu.vector_load %arg10[%get3A_760, %get3A_761] {strides = array<i32>} : memref<48x768xf32, #tpu.memory_space<vmem>>, vector<1x16xf32>,
        %get3A_763 = vector.shape_cast %get3A_762 : vector<1x16xf32> to vector<16xf32>
        %mul3A_764 = arith.mulf %get3A_53, %get3A_763 : vector<16xf32>
        %add3A_765 = arith.addf %add3A_755, %mul3A_764 : vector<16xf32>
        %mul3A_766 = arith.constant 768 : i32
        %mul3A_767 = arith.muli %scan3A_34, %mul3A_766 : i32
        %add3A_768 = arith.constant 224 : i32
        %add3A_769 = arith.addi %mul3A_767, %add3A_768 : i32
        %get3A_770 = arith.index_cast %add3A_769 : i32 to index
        %get3A_771 = tpu.vector_load %arg9[%get3A_770] {strides = array<i32>} : memref<12288xf32, #tpu.memory_space<vmem>>, vector<16xf32>,
        %get3A_772 = vector.shape_cast %get3A_771 : vector<16xf32> to vector<16xf32>
        %mul3A_773 = arith.constant 0.475020826 : f32
        %mul3A_774 = vector.broadcast %mul3A_773 : f32 to vector<16xf32>
        %mul3A_775 = arith.mulf %mul3A_774, %get3A_772 : vector<16xf32>
        %mul3A_776 = arith.constant 0.524979174 : f32
        %mul3A_777 = vector.broadcast %mul3A_776 : f32 to vector<16xf32>
        %mul3A_778 = arith.mulf %mul3A_777, %add3A_765 : vector<16xf32>
        %add3A_779 = arith.addf %mul3A_775, %mul3A_778 : vector<16xf32>
        %mul3A_780 = arith.constant 768 : i32
        %mul3A_781 = arith.muli %scan3A_34, %mul3A_780 : i32
        %add3A_782 = arith.constant 224 : i32
        %add3A_783 = arith.addi %mul3A_781, %add3A_782 : i32
        %swap3A_784 = arith.index_cast %add3A_783 : i32 to index
        %swap3A_785 = tpu.vector_load %arg11[%swap3A_784] {strides = array<i32>} : memref<12288xf32, #tpu.memory_space<vmem>>, vector<16xf32>,
        %swap3A_786 = vector.shape_cast %swap3A_785 : vector<16xf32> to vector<16xf32>
        %swap3A_787 = vector.shape_cast %add3A_779 : vector<16xf32> to vector<16xf32>
        tpu.vector_store %arg11[%swap3A_784], %swap3A_787 {strides = array<i32>} : memref<12288xf32, #tpu.memory_space<vmem>>, vector<16xf32>,
        %mul3A_788 = arith.constant 3 : i32
        %mul3A_789 = arith.muli %mul3A_788, %scan3A_34 : i32
        %get3A_790 = arith.index_cast %mul3A_789 : i32 to index
        %get3A_791 = arith.constant 240 : index
        %get3A_792 = tpu.vector_load %arg10[%get3A_790, %get3A_791] {strides = array<i32>} : memref<48x768xf32, #tpu.memory_space<vmem>>, vector<1x16xf32>,
        %get3A_793 = vector.shape_cast %get3A_792 : vector<1x16xf32> to vector<16xf32>
        %mul3A_794 = arith.mulf %get3A_39, %get3A_793 : vector<16xf32>
        %mul3A_795 = arith.constant 3 : i32
        %mul3A_796 = arith.muli %mul3A_795, %scan3A_34 : i32
        %add3A_797 = arith.constant 1 : i32
        %add3A_798 = arith.addi %mul3A_796, %add3A_797 : i32
        %get3A_799 = arith.index_cast %add3A_798 : i32 to index
        %get3A_800 = arith.constant 240 : index
        %get3A_801 = tpu.vector_load %arg10[%get3A_799, %get3A_800] {strides = array<i32>} : memref<48x768xf32, #tpu.memory_space<vmem>>, vector<1x16xf32>,
        %get3A_802 = vector.shape_cast %get3A_801 : vector<1x16xf32> to vector<16xf32>
        %mul3A_803 = arith.mulf %get3A_46, %get3A_802 : vector<16xf32>
        %add3A_804 = arith.addf %mul3A_794, %mul3A_803 : vector<16xf32>
        %mul3A_805 = arith.constant 3 : i32
        %mul3A_806 = arith.muli %mul3A_805, %scan3A_34 : i32
        %add3A_807 = arith.constant 2 : i32
        %add3A_808 = arith.addi %mul3A_806, %add3A_807 : i32
        %get3A_809 = arith.index_cast %add3A_808 : i32 to index
        %get3A_810 = arith.constant 240 : index
        %get3A_811 = tpu.vector_load %arg10[%get3A_809, %get3A_810] {strides = array<i32>} : memref<48x768xf32, #tpu.memory_space<vmem>>, vector<1x16xf32>,
        %get3A_812 = vector.shape_cast %get3A_811 : vector<1x16xf32> to vector<16xf32>
        %mul3A_813 = arith.mulf %get3A_53, %get3A_812 : vector<16xf32>
        %add3A_814 = arith.addf %add3A_804, %mul3A_813 : vector<16xf32>
        %mul3A_815 = arith.constant 768 : i32
        %mul3A_816 = arith.muli %scan3A_34, %mul3A_815 : i32
        %add3A_817 = arith.constant 240 : i32
        %add3A_818 = arith.addi %mul3A_816, %add3A_817 : i32
        %get3A_819 = arith.index_cast %add3A_818 : i32 to index
        %get3A_820 = tpu.vector_load %arg9[%get3A_819] {strides = array<i32>} : memref<12288xf32, #tpu.memory_space<vmem>>, vector<16xf32>,
        %get3A_821 = vector.shape_cast %get3A_820 : vector<16xf32> to vector<16xf32>
        %mul3A_822 = arith.constant 0.475020826 : f32
        %mul3A_823 = vector.broadcast %mul3A_822 : f32 to vector<16xf32>
        %mul3A_824 = arith.mulf %mul3A_823, %get3A_821 : vector<16xf32>
        %mul3A_825 = arith.constant 0.524979174 : f32
        %mul3A_826 = vector.broadcast %mul3A_825 : f32 to vector<16xf32>
        %mul3A_827 = arith.mulf %mul3A_826, %add3A_814 : vector<16xf32>
        %add3A_828 = arith.addf %mul3A_824, %mul3A_827 : vector<16xf32>
        %mul3A_829 = arith.constant 768 : i32
        %mul3A_830 = arith.muli %scan3A_34, %mul3A_829 : i32
        %add3A_831 = arith.constant 240 : i32
        %add3A_832 = arith.addi %mul3A_830, %add3A_831 : i32
        %swap3A_833 = arith.index_cast %add3A_832 : i32 to index
        %swap3A_834 = tpu.vector_load %arg11[%swap3A_833] {strides = array<i32>} : memref<12288xf32, #tpu.memory_space<vmem>>, vector<16xf32>,
        %swap3A_835 = vector.shape_cast %swap3A_834 : vector<16xf32> to vector<16xf32>
        %swap3A_836 = vector.shape_cast %add3A_828 : vector<16xf32> to vector<16xf32>
        tpu.vector_store %arg11[%swap3A_833], %swap3A_836 {strides = array<i32>} : memref<12288xf32, #tpu.memory_space<vmem>>, vector<16xf32>,
        %mul3A_837 = arith.constant 3 : i32
        %mul3A_838 = arith.muli %mul3A_837, %scan3A_34 : i32
        %get3A_839 = arith.index_cast %mul3A_838 : i32 to index
        %get3A_840 = arith.constant 256 : index
        %get3A_841 = tpu.vector_load %arg10[%get3A_839, %get3A_840] {strides = array<i32>} : memref<48x768xf32, #tpu.memory_space<vmem>>, vector<1x16xf32>,
        %get3A_842 = vector.shape_cast %get3A_841 : vector<1x16xf32> to vector<16xf32>
        %mul3A_843 = arith.mulf %get3A_39, %get3A_842 : vector<16xf32>
        %mul3A_844 = arith.constant 3 : i32
        %mul3A_845 = arith.muli %mul3A_844, %scan3A_34 : i32
        %add3A_846 = arith.constant 1 : i32
        %add3A_847 = arith.addi %mul3A_845, %add3A_846 : i32
        %get3A_848 = arith.index_cast %add3A_847 : i32 to index
        %get3A_849 = arith.constant 256 : index
        %get3A_850 = tpu.vector_load %arg10[%get3A_848, %get3A_849] {strides = array<i32>} : memref<48x768xf32, #tpu.memory_space<vmem>>, vector<1x16xf32>,
        %get3A_851 = vector.shape_cast %get3A_850 : vector<1x16xf32> to vector<16xf32>
        %mul3A_852 = arith.mulf %get3A_46, %get3A_851 : vector<16xf32>
        %add3A_853 = arith.addf %mul3A_843, %mul3A_852 : vector<16xf32>
        %mul3A_854 = arith.constant 3 : i32
        %mul3A_855 = arith.muli %mul3A_854, %scan3A_34 : i32
        %add3A_856 = arith.constant 2 : i32
        %add3A_857 = arith.addi %mul3A_855, %add3A_856 : i32
        %get3A_858 = arith.index_cast %add3A_857 : i32 to index
        %get3A_859 = arith.constant 256 : index
        %get3A_860 = tpu.vector_load %arg10[%get3A_858, %get3A_859] {strides = array<i32>} : memref<48x768xf32, #tpu.memory_space<vmem>>, vector<1x16xf32>,
        %get3A_861 = vector.shape_cast %get3A_860 : vector<1x16xf32> to vector<16xf32>
        %mul3A_862 = arith.mulf %get3A_53, %get3A_861 : vector<16xf32>
        %add3A_863 = arith.addf %add3A_853, %mul3A_862 : vector<16xf32>
        %mul3A_864 = arith.constant 768 : i32
        %mul3A_865 = arith.muli %scan3A_34, %mul3A_864 : i32
        %add3A_866 = arith.constant 256 : i32
        %add3A_867 = arith.addi %mul3A_865, %add3A_866 : i32
        %get3A_868 = arith.index_cast %add3A_867 : i32 to index
        %get3A_869 = tpu.vector_load %arg9[%get3A_868] {strides = array<i32>} : memref<12288xf32, #tpu.memory_space<vmem>>, vector<16xf32>,
        %get3A_870 = vector.shape_cast %get3A_869 : vector<16xf32> to vector<16xf32>
        %mul3A_871 = arith.constant 0.475020826 : f32
        %mul3A_872 = vector.broadcast %mul3A_871 : f32 to vector<16xf32>
        %mul3A_873 = arith.mulf %mul3A_872, %get3A_870 : vector<16xf32>
        %mul3A_874 = arith.constant 0.524979174 : f32
        %mul3A_875 = vector.broadcast %mul3A_874 : f32 to vector<16xf32>
        %mul3A_876 = arith.mulf %mul3A_875, %add3A_863 : vector<16xf32>
        %add3A_877 = arith.addf %mul3A_873, %mul3A_876 : vector<16xf32>
        %mul3A_878 = arith.constant 768 : i32
        %mul3A_879 = arith.muli %scan3A_34, %mul3A_878 : i32
        %add3A_880 = arith.constant 256 : i32
        %add3A_881 = arith.addi %mul3A_879, %add3A_880 : i32
        %swap3A_882 = arith.index_cast %add3A_881 : i32 to index
        %swap3A_883 = tpu.vector_load %arg11[%swap3A_882] {strides = array<i32>} : memref<12288xf32, #tpu.memory_space<vmem>>, vector<16xf32>,
        %swap3A_884 = vector.shape_cast %swap3A_883 : vector<16xf32> to vector<16xf32>
        %swap3A_885 = vector.shape_cast %add3A_877 : vector<16xf32> to vector<16xf32>
        tpu.vector_store %arg11[%swap3A_882], %swap3A_885 {strides = array<i32>} : memref<12288xf32, #tpu.memory_space<vmem>>, vector<16xf32>,
        %mul3A_886 = arith.constant 3 : i32
        %mul3A_887 = arith.muli %mul3A_886, %scan3A_34 : i32
        %get3A_888 = arith.index_cast %mul3A_887 : i32 to index
        %get3A_889 = arith.constant 272 : index
        %get3A_890 = tpu.vector_load %arg10[%get3A_888, %get3A_889] {strides = array<i32>} : memref<48x768xf32, #tpu.memory_space<vmem>>, vector<1x16xf32>,
        %get3A_891 = vector.shape_cast %get3A_890 : vector<1x16xf32> to vector<16xf32>
        %mul3A_892 = arith.mulf %get3A_39, %get3A_891 : vector<16xf32>
        %mul3A_893 = arith.constant 3 : i32
        %mul3A_894 = arith.muli %mul3A_893, %scan3A_34 : i32
        %add3A_895 = arith.constant 1 : i32
        %add3A_896 = arith.addi %mul3A_894, %add3A_895 : i32
        %get3A_897 = arith.index_cast %add3A_896 : i32 to index
        %get3A_898 = arith.constant 272 : index
        %get3A_899 = tpu.vector_load %arg10[%get3A_897, %get3A_898] {strides = array<i32>} : memref<48x768xf32, #tpu.memory_space<vmem>>, vector<1x16xf32>,
        %get3A_900 = vector.shape_cast %get3A_899 : vector<1x16xf32> to vector<16xf32>
        %mul3A_901 = arith.mulf %get3A_46, %get3A_900 : vector<16xf32>
        %add3A_902 = arith.addf %mul3A_892, %mul3A_901 : vector<16xf32>
        %mul3A_903 = arith.constant 3 : i32
        %mul3A_904 = arith.muli %mul3A_903, %scan3A_34 : i32
        %add3A_905 = arith.constant 2 : i32
        %add3A_906 = arith.addi %mul3A_904, %add3A_905 : i32
        %get3A_907 = arith.index_cast %add3A_906 : i32 to index
        %get3A_908 = arith.constant 272 : index
        %get3A_909 = tpu.vector_load %arg10[%get3A_907, %get3A_908] {strides = array<i32>} : memref<48x768xf32, #tpu.memory_space<vmem>>, vector<1x16xf32>,
        %get3A_910 = vector.shape_cast %get3A_909 : vector<1x16xf32> to vector<16xf32>
        %mul3A_911 = arith.mulf %get3A_53, %get3A_910 : vector<16xf32>
        %add3A_912 = arith.addf %add3A_902, %mul3A_911 : vector<16xf32>
        %mul3A_913 = arith.constant 768 : i32
        %mul3A_914 = arith.muli %scan3A_34, %mul3A_913 : i32
        %add3A_915 = arith.constant 272 : i32
        %add3A_916 = arith.addi %mul3A_914, %add3A_915 : i32
        %get3A_917 = arith.index_cast %add3A_916 : i32 to index
        %get3A_918 = tpu.vector_load %arg9[%get3A_917] {strides = array<i32>} : memref<12288xf32, #tpu.memory_space<vmem>>, vector<16xf32>,
        %get3A_919 = vector.shape_cast %get3A_918 : vector<16xf32> to vector<16xf32>
        %mul3A_920 = arith.constant 0.475020826 : f32
        %mul3A_921 = vector.broadcast %mul3A_920 : f32 to vector<16xf32>
        %mul3A_922 = arith.mulf %mul3A_921, %get3A_919 : vector<16xf32>
        %mul3A_923 = arith.constant 0.524979174 : f32
        %mul3A_924 = vector.broadcast %mul3A_923 : f32 to vector<16xf32>
        %mul3A_925 = arith.mulf %mul3A_924, %add3A_912 : vector<16xf32>
        %add3A_926 = arith.addf %mul3A_922, %mul3A_925 : vector<16xf32>
        %mul3A_927 = arith.constant 768 : i32
        %mul3A_928 = arith.muli %scan3A_34, %mul3A_927 : i32
        %add3A_929 = arith.constant 272 : i32
        %add3A_930 = arith.addi %mul3A_928, %add3A_929 : i32
        %swap3A_931 = arith.index_cast %add3A_930 : i32 to index
        %swap3A_932 = tpu.vector_load %arg11[%swap3A_931] {strides = array<i32>} : memref<12288xf32, #tpu.memory_space<vmem>>, vector<16xf32>,
        %swap3A_933 = vector.shape_cast %swap3A_932 : vector<16xf32> to vector<16xf32>
        %swap3A_934 = vector.shape_cast %add3A_926 : vector<16xf32> to vector<16xf32>
        tpu.vector_store %arg11[%swap3A_931], %swap3A_934 {strides = array<i32>} : memref<12288xf32, #tpu.memory_space<vmem>>, vector<16xf32>,
        %mul3A_935 = arith.constant 3 : i32
        %mul3A_936 = arith.muli %mul3A_935, %scan3A_34 : i32
        %get3A_937 = arith.index_cast %mul3A_936 : i32 to index
        %get3A_938 = arith.constant 288 : index
        %get3A_939 = tpu.vector_load %arg10[%get3A_937, %get3A_938] {strides = array<i32>} : memref<48x768xf32, #tpu.memory_space<vmem>>, vector<1x16xf32>,
        %get3A_940 = vector.shape_cast %get3A_939 : vector<1x16xf32> to vector<16xf32>
        %mul3A_941 = arith.mulf %get3A_39, %get3A_940 : vector<16xf32>
        %mul3A_942 = arith.constant 3 : i32
        %mul3A_943 = arith.muli %mul3A_942, %scan3A_34 : i32
        %add3A_944 = arith.constant 1 : i32
        %add3A_945 = arith.addi %mul3A_943, %add3A_944 : i32
        %get3A_946 = arith.index_cast %add3A_945 : i32 to index
        %get3A_947 = arith.constant 288 : index
        %get3A_948 = tpu.vector_load %arg10[%get3A_946, %get3A_947] {strides = array<i32>} : memref<48x768xf32, #tpu.memory_space<vmem>>, vector<1x16xf32>,
        %get3A_949 = vector.shape_cast %get3A_948 : vector<1x16xf32> to vector<16xf32>
        %mul3A_950 = arith.mulf %get3A_46, %get3A_949 : vector<16xf32>
        %add3A_951 = arith.addf %mul3A_941, %mul3A_950 : vector<16xf32>
        %mul3A_952 = arith.constant 3 : i32
        %mul3A_953 = arith.muli %mul3A_952, %scan3A_34 : i32
        %add3A_954 = arith.constant 2 : i32
        %add3A_955 = arith.addi %mul3A_953, %add3A_954 : i32
        %get3A_956 = arith.index_cast %add3A_955 : i32 to index
        %get3A_957 = arith.constant 288 : index
        %get3A_958 = tpu.vector_load %arg10[%get3A_956, %get3A_957] {strides = array<i32>} : memref<48x768xf32, #tpu.memory_space<vmem>>, vector<1x16xf32>,
        %get3A_959 = vector.shape_cast %get3A_958 : vector<1x16xf32> to vector<16xf32>
        %mul3A_960 = arith.mulf %get3A_53, %get3A_959 : vector<16xf32>
        %add3A_961 = arith.addf %add3A_951, %mul3A_960 : vector<16xf32>
        %mul3A_962 = arith.constant 768 : i32
        %mul3A_963 = arith.muli %scan3A_34, %mul3A_962 : i32
        %add3A_964 = arith.constant 288 : i32
        %add3A_965 = arith.addi %mul3A_963, %add3A_964 : i32
        %get3A_966 = arith.index_cast %add3A_965 : i32 to index
        %get3A_967 = tpu.vector_load %arg9[%get3A_966] {strides = array<i32>} : memref<12288xf32, #tpu.memory_space<vmem>>, vector<16xf32>,
        %get3A_968 = vector.shape_cast %get3A_967 : vector<16xf32> to vector<16xf32>
        %mul3A_969 = arith.constant 0.475020826 : f32
        %mul3A_970 = vector.broadcast %mul3A_969 : f32 to vector<16xf32>
        %mul3A_971 = arith.mulf %mul3A_970, %get3A_968 : vector<16xf32>
        %mul3A_972 = arith.constant 0.524979174 : f32
        %mul3A_973 = vector.broadcast %mul3A_972 : f32 to vector<16xf32>
        %mul3A_974 = arith.mulf %mul3A_973, %add3A_961 : vector<16xf32>
        %add3A_975 = arith.addf %mul3A_971, %mul3A_974 : vector<16xf32>
        %mul3A_976 = arith.constant 768 : i32
        %mul3A_977 = arith.muli %scan3A_34, %mul3A_976 : i32
        %add3A_978 = arith.constant 288 : i32
        %add3A_979 = arith.addi %mul3A_977, %add3A_978 : i32
        %swap3A_980 = arith.index_cast %add3A_979 : i32 to index
        %swap3A_981 = tpu.vector_load %arg11[%swap3A_980] {strides = array<i32>} : memref<12288xf32, #tpu.memory_space<vmem>>, vector<16xf32>,
        %swap3A_982 = vector.shape_cast %swap3A_981 : vector<16xf32> to vector<16xf32>
        %swap3A_983 = vector.shape_cast %add3A_975 : vector<16xf32> to vector<16xf32>
        tpu.vector_store %arg11[%swap3A_980], %swap3A_983 {strides = array<i32>} : memref<12288xf32, #tpu.memory_space<vmem>>, vector<16xf32>,
        %mul3A_984 = arith.constant 3 : i32
        %mul3A_985 = arith.muli %mul3A_984, %scan3A_34 : i32
        %get3A_986 = arith.index_cast %mul3A_985 : i32 to index
        %get3A_987 = arith.constant 304 : index
        %get3A_988 = tpu.vector_load %arg10[%get3A_986, %get3A_987] {strides = array<i32>} : memref<48x768xf32, #tpu.memory_space<vmem>>, vector<1x16xf32>,
        %get3A_989 = vector.shape_cast %get3A_988 : vector<1x16xf32> to vector<16xf32>
        %mul3A_990 = arith.mulf %get3A_39, %get3A_989 : vector<16xf32>
        %mul3A_991 = arith.constant 3 : i32
        %mul3A_992 = arith.muli %mul3A_991, %scan3A_34 : i32
        %add3A_993 = arith.constant 1 : i32
        %add3A_994 = arith.addi %mul3A_992, %add3A_993 : i32
        %get3A_995 = arith.index_cast %add3A_994 : i32 to index
        %get3A_996 = arith.constant 304 : index
        %get3A_997 = tpu.vector_load %arg10[%get3A_995, %get3A_996] {strides = array<i32>} : memref<48x768xf32, #tpu.memory_space<vmem>>, vector<1x16xf32>,
        %get3A_998 = vector.shape_cast %get3A_997 : vector<1x16xf32> to vector<16xf32>
        %mul3A_999 = arith.mulf %get3A_46, %get3A_998 : vector<16xf32>
        %add3A_1000 = arith.addf %mul3A_990, %mul3A_999 : vector<16xf32>
        %mul3A_1001 = arith.constant 3 : i32
        %mul3A_1002 = arith.muli %mul3A_1001, %scan3A_34 : i32
        %add3A_1003 = arith.constant 2 : i32
        %add3A_1004 = arith.addi %mul3A_1002, %add3A_1003 : i32
        %get3A_1005 = arith.index_cast %add3A_1004 : i32 to index
        %get3A_1006 = arith.constant 304 : index
        %get3A_1007 = tpu.vector_load %arg10[%get3A_1005, %get3A_1006] {strides = array<i32>} : memref<48x768xf32, #tpu.memory_space<vmem>>, vector<1x16xf32>,
        %get3A_1008 = vector.shape_cast %get3A_1007 : vector<1x16xf32> to vector<16xf32>
        %mul3A_1009 = arith.mulf %get3A_53, %get3A_1008 : vector<16xf32>
        %add3A_1010 = arith.addf %add3A_1000, %mul3A_1009 : vector<16xf32>
        %mul3A_1011 = arith.constant 768 : i32
        %mul3A_1012 = arith.muli %scan3A_34, %mul3A_1011 : i32
        %add3A_1013 = arith.constant 304 : i32
        %add3A_1014 = arith.addi %mul3A_1012, %add3A_1013 : i32
        %get3A_1015 = arith.index_cast %add3A_1014 : i32 to index
        %get3A_1016 = tpu.vector_load %arg9[%get3A_1015] {strides = array<i32>} : memref<12288xf32, #tpu.memory_space<vmem>>, vector<16xf32>,
        %get3A_1017 = vector.shape_cast %get3A_1016 : vector<16xf32> to vector<16xf32>
        %mul3A_1018 = arith.constant 0.475020826 : f32
        %mul3A_1019 = vector.broadcast %mul3A_1018 : f32 to vector<16xf32>
        %mul3A_1020 = arith.mulf %mul3A_1019, %get3A_1017 : vector<16xf32>
        %mul3A_1021 = arith.constant 0.524979174 : f32
        %mul3A_1022 = vector.broadcast %mul3A_1021 : f32 to vector<16xf32>
        %mul3A_1023 = arith.mulf %mul3A_1022, %add3A_1010 : vector<16xf32>
        %add3A_1024 = arith.addf %mul3A_1020, %mul3A_1023 : vector<16xf32>
        %mul3A_1025 = arith.constant 768 : i32
        %mul3A_1026 = arith.muli %scan3A_34, %mul3A_1025 : i32
        %add3A_1027 = arith.constant 304 : i32
        %add3A_1028 = arith.addi %mul3A_1026, %add3A_1027 : i32
        %swap3A_1029 = arith.index_cast %add3A_1028 : i32 to index
        %swap3A_1030 = tpu.vector_load %arg11[%swap3A_1029] {strides = array<i32>} : memref<12288xf32, #tpu.memory_space<vmem>>, vector<16xf32>,
        %swap3A_1031 = vector.shape_cast %swap3A_1030 : vector<16xf32> to vector<16xf32>
        %swap3A_1032 = vector.shape_cast %add3A_1024 : vector<16xf32> to vector<16xf32>
        tpu.vector_store %arg11[%swap3A_1029], %swap3A_1032 {strides = array<i32>} : memref<12288xf32, #tpu.memory_space<vmem>>, vector<16xf32>,
        %mul3A_1033 = arith.constant 3 : i32
        %mul3A_1034 = arith.muli %mul3A_1033, %scan3A_34 : i32
        %get3A_1035 = arith.index_cast %mul3A_1034 : i32 to index
        %get3A_1036 = arith.constant 320 : index
        %get3A_1037 = tpu.vector_load %arg10[%get3A_1035, %get3A_1036] {strides = array<i32>} : memref<48x768xf32, #tpu.memory_space<vmem>>, vector<1x16xf32>,
        %get3A_1038 = vector.shape_cast %get3A_1037 : vector<1x16xf32> to vector<16xf32>
        %mul3A_1039 = arith.mulf %get3A_39, %get3A_1038 : vector<16xf32>
        %mul3A_1040 = arith.constant 3 : i32
        %mul3A_1041 = arith.muli %mul3A_1040, %scan3A_34 : i32
        %add3A_1042 = arith.constant 1 : i32
        %add3A_1043 = arith.addi %mul3A_1041, %add3A_1042 : i32
        %get3A_1044 = arith.index_cast %add3A_1043 : i32 to index
        %get3A_1045 = arith.constant 320 : index
        %get3A_1046 = tpu.vector_load %arg10[%get3A_1044, %get3A_1045] {strides = array<i32>} : memref<48x768xf32, #tpu.memory_space<vmem>>, vector<1x16xf32>,
        %get3A_1047 = vector.shape_cast %get3A_1046 : vector<1x16xf32> to vector<16xf32>
        %mul3A_1048 = arith.mulf %get3A_46, %get3A_1047 : vector<16xf32>
        %add3A_1049 = arith.addf %mul3A_1039, %mul3A_1048 : vector<16xf32>
        %mul3A_1050 = arith.constant 3 : i32
        %mul3A_1051 = arith.muli %mul3A_1050, %scan3A_34 : i32
        %add3A_1052 = arith.constant 2 : i32
        %add3A_1053 = arith.addi %mul3A_1051, %add3A_1052 : i32
        %get3A_1054 = arith.index_cast %add3A_1053 : i32 to index
        %get3A_1055 = arith.constant 320 : index
        %get3A_1056 = tpu.vector_load %arg10[%get3A_1054, %get3A_1055] {strides = array<i32>} : memref<48x768xf32, #tpu.memory_space<vmem>>, vector<1x16xf32>,
        %get3A_1057 = vector.shape_cast %get3A_1056 : vector<1x16xf32> to vector<16xf32>
        %mul3A_1058 = arith.mulf %get3A_53, %get3A_1057 : vector<16xf32>
        %add3A_1059 = arith.addf %add3A_1049, %mul3A_1058 : vector<16xf32>
        %mul3A_1060 = arith.constant 768 : i32
        %mul3A_1061 = arith.muli %scan3A_34, %mul3A_1060 : i32
        %add3A_1062 = arith.constant 320 : i32
        %add3A_1063 = arith.addi %mul3A_1061, %add3A_1062 : i32
        %get3A_1064 = arith.index_cast %add3A_1063 : i32 to index
        %get3A_1065 = tpu.vector_load %arg9[%get3A_1064] {strides = array<i32>} : memref<12288xf32, #tpu.memory_space<vmem>>, vector<16xf32>,
        %get3A_1066 = vector.shape_cast %get3A_1065 : vector<16xf32> to vector<16xf32>
        %mul3A_1067 = arith.constant 0.475020826 : f32
        %mul3A_1068 = vector.broadcast %mul3A_1067 : f32 to vector<16xf32>
        %mul3A_1069 = arith.mulf %mul3A_1068, %get3A_1066 : vector<16xf32>
        %mul3A_1070 = arith.constant 0.524979174 : f32
        %mul3A_1071 = vector.broadcast %mul3A_1070 : f32 to vector<16xf32>
        %mul3A_1072 = arith.mulf %mul3A_1071, %add3A_1059 : vector<16xf32>
        %add3A_1073 = arith.addf %mul3A_1069, %mul3A_1072 : vector<16xf32>
        %mul3A_1074 = arith.constant 768 : i32
        %mul3A_1075 = arith.muli %scan3A_34, %mul3A_1074 : i32
        %add3A_1076 = arith.constant 320 : i32
        %add3A_1077 = arith.addi %mul3A_1075, %add3A_1076 : i32
        %swap3A_1078 = arith.index_cast %add3A_1077 : i32 to index
        %swap3A_1079 = tpu.vector_load %arg11[%swap3A_1078] {strides = array<i32>} : memref<12288xf32, #tpu.memory_space<vmem>>, vector<16xf32>,
        %swap3A_1080 = vector.shape_cast %swap3A_1079 : vector<16xf32> to vector<16xf32>
        %swap3A_1081 = vector.shape_cast %add3A_1073 : vector<16xf32> to vector<16xf32>
        tpu.vector_store %arg11[%swap3A_1078], %swap3A_1081 {strides = array<i32>} : memref<12288xf32, #tpu.memory_space<vmem>>, vector<16xf32>,
        %mul3A_1082 = arith.constant 3 : i32
        %mul3A_1083 = arith.muli %mul3A_1082, %scan3A_34 : i32
        %get3A_1084 = arith.index_cast %mul3A_1083 : i32 to index
        %get3A_1085 = arith.constant 336 : index
        %get3A_1086 = tpu.vector_load %arg10[%get3A_1084, %get3A_1085] {strides = array<i32>} : memref<48x768xf32, #tpu.memory_space<vmem>>, vector<1x16xf32>,
        %get3A_1087 = vector.shape_cast %get3A_1086 : vector<1x16xf32> to vector<16xf32>
        %mul3A_1088 = arith.mulf %get3A_39, %get3A_1087 : vector<16xf32>
        %mul3A_1089 = arith.constant 3 : i32
        %mul3A_1090 = arith.muli %mul3A_1089, %scan3A_34 : i32
        %add3A_1091 = arith.constant 1 : i32
        %add3A_1092 = arith.addi %mul3A_1090, %add3A_1091 : i32
        %get3A_1093 = arith.index_cast %add3A_1092 : i32 to index
        %get3A_1094 = arith.constant 336 : index
        %get3A_1095 = tpu.vector_load %arg10[%get3A_1093, %get3A_1094] {strides = array<i32>} : memref<48x768xf32, #tpu.memory_space<vmem>>, vector<1x16xf32>,
        %get3A_1096 = vector.shape_cast %get3A_1095 : vector<1x16xf32> to vector<16xf32>
        %mul3A_1097 = arith.mulf %get3A_46, %get3A_1096 : vector<16xf32>
        %add3A_1098 = arith.addf %mul3A_1088, %mul3A_1097 : vector<16xf32>
        %mul3A_1099 = arith.constant 3 : i32
        %mul3A_1100 = arith.muli %mul3A_1099, %scan3A_34 : i32
        %add3A_1101 = arith.constant 2 : i32
        %add3A_1102 = arith.addi %mul3A_1100, %add3A_1101 : i32
        %get3A_1103 = arith.index_cast %add3A_1102 : i32 to index
        %get3A_1104 = arith.constant 336 : index
        %get3A_1105 = tpu.vector_load %arg10[%get3A_1103, %get3A_1104] {strides = array<i32>} : memref<48x768xf32, #tpu.memory_space<vmem>>, vector<1x16xf32>,
        %get3A_1106 = vector.shape_cast %get3A_1105 : vector<1x16xf32> to vector<16xf32>
        %mul3A_1107 = arith.mulf %get3A_53, %get3A_1106 : vector<16xf32>
        %add3A_1108 = arith.addf %add3A_1098, %mul3A_1107 : vector<16xf32>
        %mul3A_1109 = arith.constant 768 : i32
        %mul3A_1110 = arith.muli %scan3A_34, %mul3A_1109 : i32
        %add3A_1111 = arith.constant 336 : i32
        %add3A_1112 = arith.addi %mul3A_1110, %add3A_1111 : i32
        %get3A_1113 = arith.index_cast %add3A_1112 : i32 to index
        %get3A_1114 = tpu.vector_load %arg9[%get3A_1113] {strides = array<i32>} : memref<12288xf32, #tpu.memory_space<vmem>>, vector<16xf32>,
        %get3A_1115 = vector.shape_cast %get3A_1114 : vector<16xf32> to vector<16xf32>
        %mul3A_1116 = arith.constant 0.475020826 : f32
        %mul3A_1117 = vector.broadcast %mul3A_1116 : f32 to vector<16xf32>
        %mul3A_1118 = arith.mulf %mul3A_1117, %get3A_1115 : vector<16xf32>
        %mul3A_1119 = arith.constant 0.524979174 : f32
        %mul3A_1120 = vector.broadcast %mul3A_1119 : f32 to vector<16xf32>
        %mul3A_1121 = arith.mulf %mul3A_1120, %add3A_1108 : vector<16xf32>
        %add3A_1122 = arith.addf %mul3A_1118, %mul3A_1121 : vector<16xf32>
        %mul3A_1123 = arith.constant 768 : i32
        %mul3A_1124 = arith.muli %scan3A_34, %mul3A_1123 : i32
        %add3A_1125 = arith.constant 336 : i32
        %add3A_1126 = arith.addi %mul3A_1124, %add3A_1125 : i32
        %swap3A_1127 = arith.index_cast %add3A_1126 : i32 to index
        %swap3A_1128 = tpu.vector_load %arg11[%swap3A_1127] {strides = array<i32>} : memref<12288xf32, #tpu.memory_space<vmem>>, vector<16xf32>,
        %swap3A_1129 = vector.shape_cast %swap3A_1128 : vector<16xf32> to vector<16xf32>
        %swap3A_1130 = vector.shape_cast %add3A_1122 : vector<16xf32> to vector<16xf32>
        tpu.vector_store %arg11[%swap3A_1127], %swap3A_1130 {strides = array<i32>} : memref<12288xf32, #tpu.memory_space<vmem>>, vector<16xf32>,
        %mul3A_1131 = arith.constant 3 : i32
        %mul3A_1132 = arith.muli %mul3A_1131, %scan3A_34 : i32
        %get3A_1133 = arith.index_cast %mul3A_1132 : i32 to index
        %get3A_1134 = arith.constant 352 : index
        %get3A_1135 = tpu.vector_load %arg10[%get3A_1133, %get3A_1134] {strides = array<i32>} : memref<48x768xf32, #tpu.memory_space<vmem>>, vector<1x16xf32>,
        %get3A_1136 = vector.shape_cast %get3A_1135 : vector<1x16xf32> to vector<16xf32>
        %mul3A_1137 = arith.mulf %get3A_39, %get3A_1136 : vector<16xf32>
        %mul3A_1138 = arith.constant 3 : i32
        %mul3A_1139 = arith.muli %mul3A_1138, %scan3A_34 : i32
        %add3A_1140 = arith.constant 1 : i32
        %add3A_1141 = arith.addi %mul3A_1139, %add3A_1140 : i32
        %get3A_1142 = arith.index_cast %add3A_1141 : i32 to index
        %get3A_1143 = arith.constant 352 : index
        %get3A_1144 = tpu.vector_load %arg10[%get3A_1142, %get3A_1143] {strides = array<i32>} : memref<48x768xf32, #tpu.memory_space<vmem>>, vector<1x16xf32>,
        %get3A_1145 = vector.shape_cast %get3A_1144 : vector<1x16xf32> to vector<16xf32>
        %mul3A_1146 = arith.mulf %get3A_46, %get3A_1145 : vector<16xf32>
        %add3A_1147 = arith.addf %mul3A_1137, %mul3A_1146 : vector<16xf32>
        %mul3A_1148 = arith.constant 3 : i32
        %mul3A_1149 = arith.muli %mul3A_1148, %scan3A_34 : i32
        %add3A_1150 = arith.constant 2 : i32
        %add3A_1151 = arith.addi %mul3A_1149, %add3A_1150 : i32
        %get3A_1152 = arith.index_cast %add3A_1151 : i32 to index
        %get3A_1153 = arith.constant 352 : index
        %get3A_1154 = tpu.vector_load %arg10[%get3A_1152, %get3A_1153] {strides = array<i32>} : memref<48x768xf32, #tpu.memory_space<vmem>>, vector<1x16xf32>,
        %get3A_1155 = vector.shape_cast %get3A_1154 : vector<1x16xf32> to vector<16xf32>
        %mul3A_1156 = arith.mulf %get3A_53, %get3A_1155 : vector<16xf32>
        %add3A_1157 = arith.addf %add3A_1147, %mul3A_1156 : vector<16xf32>
        %mul3A_1158 = arith.constant 768 : i32
        %mul3A_1159 = arith.muli %scan3A_34, %mul3A_1158 : i32
        %add3A_1160 = arith.constant 352 : i32
        %add3A_1161 = arith.addi %mul3A_1159, %add3A_1160 : i32
        %get3A_1162 = arith.index_cast %add3A_1161 : i32 to index
        %get3A_1163 = tpu.vector_load %arg9[%get3A_1162] {strides = array<i32>} : memref<12288xf32, #tpu.memory_space<vmem>>, vector<16xf32>,
        %get3A_1164 = vector.shape_cast %get3A_1163 : vector<16xf32> to vector<16xf32>
        %mul3A_1165 = arith.constant 0.475020826 : f32
        %mul3A_1166 = vector.broadcast %mul3A_1165 : f32 to vector<16xf32>
        %mul3A_1167 = arith.mulf %mul3A_1166, %get3A_1164 : vector<16xf32>
        %mul3A_1168 = arith.constant 0.524979174 : f32
        %mul3A_1169 = vector.broadcast %mul3A_1168 : f32 to vector<16xf32>
        %mul3A_1170 = arith.mulf %mul3A_1169, %add3A_1157 : vector<16xf32>
        %add3A_1171 = arith.addf %mul3A_1167, %mul3A_1170 : vector<16xf32>
        %mul3A_1172 = arith.constant 768 : i32
        %mul3A_1173 = arith.muli %scan3A_34, %mul3A_1172 : i32
        %add3A_1174 = arith.constant 352 : i32
        %add3A_1175 = arith.addi %mul3A_1173, %add3A_1174 : i32
        %swap3A_1176 = arith.index_cast %add3A_1175 : i32 to index
        %swap3A_1177 = tpu.vector_load %arg11[%swap3A_1176] {strides = array<i32>} : memref<12288xf32, #tpu.memory_space<vmem>>, vector<16xf32>,
        %swap3A_1178 = vector.shape_cast %swap3A_1177 : vector<16xf32> to vector<16xf32>
        %swap3A_1179 = vector.shape_cast %add3A_1171 : vector<16xf32> to vector<16xf32>
        tpu.vector_store %arg11[%swap3A_1176], %swap3A_1179 {strides = array<i32>} : memref<12288xf32, #tpu.memory_space<vmem>>, vector<16xf32>,
        %mul3A_1180 = arith.constant 3 : i32
        %mul3A_1181 = arith.muli %mul3A_1180, %scan3A_34 : i32
        %get3A_1182 = arith.index_cast %mul3A_1181 : i32 to index
        %get3A_1183 = arith.constant 368 : index
        %get3A_1184 = tpu.vector_load %arg10[%get3A_1182, %get3A_1183] {strides = array<i32>} : memref<48x768xf32, #tpu.memory_space<vmem>>, vector<1x16xf32>,
        %get3A_1185 = vector.shape_cast %get3A_1184 : vector<1x16xf32> to vector<16xf32>
        %mul3A_1186 = arith.mulf %get3A_39, %get3A_1185 : vector<16xf32>
        %mul3A_1187 = arith.constant 3 : i32
        %mul3A_1188 = arith.muli %mul3A_1187, %scan3A_34 : i32
        %add3A_1189 = arith.constant 1 : i32
        %add3A_1190 = arith.addi %mul3A_1188, %add3A_1189 : i32
        %get3A_1191 = arith.index_cast %add3A_1190 : i32 to index
        %get3A_1192 = arith.constant 368 : index
        %get3A_1193 = tpu.vector_load %arg10[%get3A_1191, %get3A_1192] {strides = array<i32>} : memref<48x768xf32, #tpu.memory_space<vmem>>, vector<1x16xf32>,
        %get3A_1194 = vector.shape_cast %get3A_1193 : vector<1x16xf32> to vector<16xf32>
        %mul3A_1195 = arith.mulf %get3A_46, %get3A_1194 : vector<16xf32>
        %add3A_1196 = arith.addf %mul3A_1186, %mul3A_1195 : vector<16xf32>
        %mul3A_1197 = arith.constant 3 : i32
        %mul3A_1198 = arith.muli %mul3A_1197, %scan3A_34 : i32
        %add3A_1199 = arith.constant 2 : i32
        %add3A_1200 = arith.addi %mul3A_1198, %add3A_1199 : i32
        %get3A_1201 = arith.index_cast %add3A_1200 : i32 to index
        %get3A_1202 = arith.constant 368 : index
        %get3A_1203 = tpu.vector_load %arg10[%get3A_1201, %get3A_1202] {strides = array<i32>} : memref<48x768xf32, #tpu.memory_space<vmem>>, vector<1x16xf32>,
        %get3A_1204 = vector.shape_cast %get3A_1203 : vector<1x16xf32> to vector<16xf32>
        %mul3A_1205 = arith.mulf %get3A_53, %get3A_1204 : vector<16xf32>
        %add3A_1206 = arith.addf %add3A_1196, %mul3A_1205 : vector<16xf32>
        %mul3A_1207 = arith.constant 768 : i32
        %mul3A_1208 = arith.muli %scan3A_34, %mul3A_1207 : i32
        %add3A_1209 = arith.constant 368 : i32
        %add3A_1210 = arith.addi %mul3A_1208, %add3A_1209 : i32
        %get3A_1211 = arith.index_cast %add3A_1210 : i32 to index
        %get3A_1212 = tpu.vector_load %arg9[%get3A_1211] {strides = array<i32>} : memref<12288xf32, #tpu.memory_space<vmem>>, vector<16xf32>,
        %get3A_1213 = vector.shape_cast %get3A_1212 : vector<16xf32> to vector<16xf32>
        %mul3A_1214 = arith.constant 0.475020826 : f32
        %mul3A_1215 = vector.broadcast %mul3A_1214 : f32 to vector<16xf32>
        %mul3A_1216 = arith.mulf %mul3A_1215, %get3A_1213 : vector<16xf32>
        %mul3A_1217 = arith.constant 0.524979174 : f32
        %mul3A_1218 = vector.broadcast %mul3A_1217 : f32 to vector<16xf32>
        %mul3A_1219 = arith.mulf %mul3A_1218, %add3A_1206 : vector<16xf32>
        %add3A_1220 = arith.addf %mul3A_1216, %mul3A_1219 : vector<16xf32>
        %mul3A_1221 = arith.constant 768 : i32
        %mul3A_1222 = arith.muli %scan3A_34, %mul3A_1221 : i32
        %add3A_1223 = arith.constant 368 : i32
        %add3A_1224 = arith.addi %mul3A_1222, %add3A_1223 : i32
        %swap3A_1225 = arith.index_cast %add3A_1224 : i32 to index
        %swap3A_1226 = tpu.vector_load %arg11[%swap3A_1225] {strides = array<i32>} : memref<12288xf32, #tpu.memory_space<vmem>>, vector<16xf32>,
        %swap3A_1227 = vector.shape_cast %swap3A_1226 : vector<16xf32> to vector<16xf32>
        %swap3A_1228 = vector.shape_cast %add3A_1220 : vector<16xf32> to vector<16xf32>
        tpu.vector_store %arg11[%swap3A_1225], %swap3A_1228 {strides = array<i32>} : memref<12288xf32, #tpu.memory_space<vmem>>, vector<16xf32>,
        %mul3A_1229 = arith.constant 3 : i32
        %mul3A_1230 = arith.muli %mul3A_1229, %scan3A_34 : i32
        %get3A_1231 = arith.index_cast %mul3A_1230 : i32 to index
        %get3A_1232 = arith.constant 384 : index
        %get3A_1233 = tpu.vector_load %arg10[%get3A_1231, %get3A_1232] {strides = array<i32>} : memref<48x768xf32, #tpu.memory_space<vmem>>, vector<1x16xf32>,
        %get3A_1234 = vector.shape_cast %get3A_1233 : vector<1x16xf32> to vector<16xf32>
        %mul3A_1235 = arith.mulf %get3A_39, %get3A_1234 : vector<16xf32>
        %mul3A_1236 = arith.constant 3 : i32
        %mul3A_1237 = arith.muli %mul3A_1236, %scan3A_34 : i32
        %add3A_1238 = arith.constant 1 : i32
        %add3A_1239 = arith.addi %mul3A_1237, %add3A_1238 : i32
        %get3A_1240 = arith.index_cast %add3A_1239 : i32 to index
        %get3A_1241 = arith.constant 384 : index
        %get3A_1242 = tpu.vector_load %arg10[%get3A_1240, %get3A_1241] {strides = array<i32>} : memref<48x768xf32, #tpu.memory_space<vmem>>, vector<1x16xf32>,
        %get3A_1243 = vector.shape_cast %get3A_1242 : vector<1x16xf32> to vector<16xf32>
        %mul3A_1244 = arith.mulf %get3A_46, %get3A_1243 : vector<16xf32>
        %add3A_1245 = arith.addf %mul3A_1235, %mul3A_1244 : vector<16xf32>
        %mul3A_1246 = arith.constant 3 : i32
        %mul3A_1247 = arith.muli %mul3A_1246, %scan3A_34 : i32
        %add3A_1248 = arith.constant 2 : i32
        %add3A_1249 = arith.addi %mul3A_1247, %add3A_1248 : i32
        %get3A_1250 = arith.index_cast %add3A_1249 : i32 to index
        %get3A_1251 = arith.constant 384 : index
        %get3A_1252 = tpu.vector_load %arg10[%get3A_1250, %get3A_1251] {strides = array<i32>} : memref<48x768xf32, #tpu.memory_space<vmem>>, vector<1x16xf32>,
        %get3A_1253 = vector.shape_cast %get3A_1252 : vector<1x16xf32> to vector<16xf32>
        %mul3A_1254 = arith.mulf %get3A_53, %get3A_1253 : vector<16xf32>
        %add3A_1255 = arith.addf %add3A_1245, %mul3A_1254 : vector<16xf32>
        %mul3A_1256 = arith.constant 768 : i32
        %mul3A_1257 = arith.muli %scan3A_34, %mul3A_1256 : i32
        %add3A_1258 = arith.constant 384 : i32
        %add3A_1259 = arith.addi %mul3A_1257, %add3A_1258 : i32
        %get3A_1260 = arith.index_cast %add3A_1259 : i32 to index
        %get3A_1261 = tpu.vector_load %arg9[%get3A_1260] {strides = array<i32>} : memref<12288xf32, #tpu.memory_space<vmem>>, vector<16xf32>,
        %get3A_1262 = vector.shape_cast %get3A_1261 : vector<16xf32> to vector<16xf32>
        %mul3A_1263 = arith.constant 0.475020826 : f32
        %mul3A_1264 = vector.broadcast %mul3A_1263 : f32 to vector<16xf32>
        %mul3A_1265 = arith.mulf %mul3A_1264, %get3A_1262 : vector<16xf32>
        %mul3A_1266 = arith.constant 0.524979174 : f32
        %mul3A_1267 = vector.broadcast %mul3A_1266 : f32 to vector<16xf32>
        %mul3A_1268 = arith.mulf %mul3A_1267, %add3A_1255 : vector<16xf32>
        %add3A_1269 = arith.addf %mul3A_1265, %mul3A_1268 : vector<16xf32>
        %mul3A_1270 = arith.constant 768 : i32
        %mul3A_1271 = arith.muli %scan3A_34, %mul3A_1270 : i32
        %add3A_1272 = arith.constant 384 : i32
        %add3A_1273 = arith.addi %mul3A_1271, %add3A_1272 : i32
        %swap3A_1274 = arith.index_cast %add3A_1273 : i32 to index
        %swap3A_1275 = tpu.vector_load %arg11[%swap3A_1274] {strides = array<i32>} : memref<12288xf32, #tpu.memory_space<vmem>>, vector<16xf32>,
        %swap3A_1276 = vector.shape_cast %swap3A_1275 : vector<16xf32> to vector<16xf32>
        %swap3A_1277 = vector.shape_cast %add3A_1269 : vector<16xf32> to vector<16xf32>
        tpu.vector_store %arg11[%swap3A_1274], %swap3A_1277 {strides = array<i32>} : memref<12288xf32, #tpu.memory_space<vmem>>, vector<16xf32>,
        %mul3A_1278 = arith.constant 3 : i32
        %mul3A_1279 = arith.muli %mul3A_1278, %scan3A_34 : i32
        %get3A_1280 = arith.index_cast %mul3A_1279 : i32 to index
        %get3A_1281 = arith.constant 400 : index
        %get3A_1282 = tpu.vector_load %arg10[%get3A_1280, %get3A_1281] {strides = array<i32>} : memref<48x768xf32, #tpu.memory_space<vmem>>, vector<1x16xf32>,
        %get3A_1283 = vector.shape_cast %get3A_1282 : vector<1x16xf32> to vector<16xf32>
        %mul3A_1284 = arith.mulf %get3A_39, %get3A_1283 : vector<16xf32>
        %mul3A_1285 = arith.constant 3 : i32
        %mul3A_1286 = arith.muli %mul3A_1285, %scan3A_34 : i32
        %add3A_1287 = arith.constant 1 : i32
        %add3A_1288 = arith.addi %mul3A_1286, %add3A_1287 : i32
        %get3A_1289 = arith.index_cast %add3A_1288 : i32 to index
        %get3A_1290 = arith.constant 400 : index
        %get3A_1291 = tpu.vector_load %arg10[%get3A_1289, %get3A_1290] {strides = array<i32>} : memref<48x768xf32, #tpu.memory_space<vmem>>, vector<1x16xf32>,
        %get3A_1292 = vector.shape_cast %get3A_1291 : vector<1x16xf32> to vector<16xf32>
        %mul3A_1293 = arith.mulf %get3A_46, %get3A_1292 : vector<16xf32>
        %add3A_1294 = arith.addf %mul3A_1284, %mul3A_1293 : vector<16xf32>
        %mul3A_1295 = arith.constant 3 : i32
        %mul3A_1296 = arith.muli %mul3A_1295, %scan3A_34 : i32
        %add3A_1297 = arith.constant 2 : i32
        %add3A_1298 = arith.addi %mul3A_1296, %add3A_1297 : i32
        %get3A_1299 = arith.index_cast %add3A_1298 : i32 to index
        %get3A_1300 = arith.constant 400 : index
        %get3A_1301 = tpu.vector_load %arg10[%get3A_1299, %get3A_1300] {strides = array<i32>} : memref<48x768xf32, #tpu.memory_space<vmem>>, vector<1x16xf32>,
        %get3A_1302 = vector.shape_cast %get3A_1301 : vector<1x16xf32> to vector<16xf32>
        %mul3A_1303 = arith.mulf %get3A_53, %get3A_1302 : vector<16xf32>
        %add3A_1304 = arith.addf %add3A_1294, %mul3A_1303 : vector<16xf32>
        %mul3A_1305 = arith.constant 768 : i32
        %mul3A_1306 = arith.muli %scan3A_34, %mul3A_1305 : i32
        %add3A_1307 = arith.constant 400 : i32
        %add3A_1308 = arith.addi %mul3A_1306, %add3A_1307 : i32
        %get3A_1309 = arith.index_cast %add3A_1308 : i32 to index
        %get3A_1310 = tpu.vector_load %arg9[%get3A_1309] {strides = array<i32>} : memref<12288xf32, #tpu.memory_space<vmem>>, vector<16xf32>,
        %get3A_1311 = vector.shape_cast %get3A_1310 : vector<16xf32> to vector<16xf32>
        %mul3A_1312 = arith.constant 0.475020826 : f32
        %mul3A_1313 = vector.broadcast %mul3A_1312 : f32 to vector<16xf32>
        %mul3A_1314 = arith.mulf %mul3A_1313, %get3A_1311 : vector<16xf32>
        %mul3A_1315 = arith.constant 0.524979174 : f32
        %mul3A_1316 = vector.broadcast %mul3A_1315 : f32 to vector<16xf32>
        %mul3A_1317 = arith.mulf %mul3A_1316, %add3A_1304 : vector<16xf32>
        %add3A_1318 = arith.addf %mul3A_1314, %mul3A_1317 : vector<16xf32>
        %mul3A_1319 = arith.constant 768 : i32
        %mul3A_1320 = arith.muli %scan3A_34, %mul3A_1319 : i32
        %add3A_1321 = arith.constant 400 : i32
        %add3A_1322 = arith.addi %mul3A_1320, %add3A_1321 : i32
        %swap3A_1323 = arith.index_cast %add3A_1322 : i32 to index
        %swap3A_1324 = tpu.vector_load %arg11[%swap3A_1323] {strides = array<i32>} : memref<12288xf32, #tpu.memory_space<vmem>>, vector<16xf32>,
        %swap3A_1325 = vector.shape_cast %swap3A_1324 : vector<16xf32> to vector<16xf32>
        %swap3A_1326 = vector.shape_cast %add3A_1318 : vector<16xf32> to vector<16xf32>
        tpu.vector_store %arg11[%swap3A_1323], %swap3A_1326 {strides = array<i32>} : memref<12288xf32, #tpu.memory_space<vmem>>, vector<16xf32>,
        %mul3A_1327 = arith.constant 3 : i32
        %mul3A_1328 = arith.muli %mul3A_1327, %scan3A_34 : i32
        %get3A_1329 = arith.index_cast %mul3A_1328 : i32 to index
        %get3A_1330 = arith.constant 416 : index
        %get3A_1331 = tpu.vector_load %arg10[%get3A_1329, %get3A_1330] {strides = array<i32>} : memref<48x768xf32, #tpu.memory_space<vmem>>, vector<1x16xf32>,
        %get3A_1332 = vector.shape_cast %get3A_1331 : vector<1x16xf32> to vector<16xf32>
        %mul3A_1333 = arith.mulf %get3A_39, %get3A_1332 : vector<16xf32>
        %mul3A_1334 = arith.constant 3 : i32
        %mul3A_1335 = arith.muli %mul3A_1334, %scan3A_34 : i32
        %add3A_1336 = arith.constant 1 : i32
        %add3A_1337 = arith.addi %mul3A_1335, %add3A_1336 : i32
        %get3A_1338 = arith.index_cast %add3A_1337 : i32 to index
        %get3A_1339 = arith.constant 416 : index
        %get3A_1340 = tpu.vector_load %arg10[%get3A_1338, %get3A_1339] {strides = array<i32>} : memref<48x768xf32, #tpu.memory_space<vmem>>, vector<1x16xf32>,
        %get3A_1341 = vector.shape_cast %get3A_1340 : vector<1x16xf32> to vector<16xf32>
        %mul3A_1342 = arith.mulf %get3A_46, %get3A_1341 : vector<16xf32>
        %add3A_1343 = arith.addf %mul3A_1333, %mul3A_1342 : vector<16xf32>
        %mul3A_1344 = arith.constant 3 : i32
        %mul3A_1345 = arith.muli %mul3A_1344, %scan3A_34 : i32
        %add3A_1346 = arith.constant 2 : i32
        %add3A_1347 = arith.addi %mul3A_1345, %add3A_1346 : i32
        %get3A_1348 = arith.index_cast %add3A_1347 : i32 to index
        %get3A_1349 = arith.constant 416 : index
        %get3A_1350 = tpu.vector_load %arg10[%get3A_1348, %get3A_1349] {strides = array<i32>} : memref<48x768xf32, #tpu.memory_space<vmem>>, vector<1x16xf32>,
        %get3A_1351 = vector.shape_cast %get3A_1350 : vector<1x16xf32> to vector<16xf32>
        %mul3A_1352 = arith.mulf %get3A_53, %get3A_1351 : vector<16xf32>
        %add3A_1353 = arith.addf %add3A_1343, %mul3A_1352 : vector<16xf32>
        %mul3A_1354 = arith.constant 768 : i32
        %mul3A_1355 = arith.muli %scan3A_34, %mul3A_1354 : i32
        %add3A_1356 = arith.constant 416 : i32
        %add3A_1357 = arith.addi %mul3A_1355, %add3A_1356 : i32
        %get3A_1358 = arith.index_cast %add3A_1357 : i32 to index
        %get3A_1359 = tpu.vector_load %arg9[%get3A_1358] {strides = array<i32>} : memref<12288xf32, #tpu.memory_space<vmem>>, vector<16xf32>,
        %get3A_1360 = vector.shape_cast %get3A_1359 : vector<16xf32> to vector<16xf32>
        %mul3A_1361 = arith.constant 0.475020826 : f32
        %mul3A_1362 = vector.broadcast %mul3A_1361 : f32 to vector<16xf32>
        %mul3A_1363 = arith.mulf %mul3A_1362, %get3A_1360 : vector<16xf32>
        %mul3A_1364 = arith.constant 0.524979174 : f32
        %mul3A_1365 = vector.broadcast %mul3A_1364 : f32 to vector<16xf32>
        %mul3A_1366 = arith.mulf %mul3A_1365, %add3A_1353 : vector<16xf32>
        %add3A_1367 = arith.addf %mul3A_1363, %mul3A_1366 : vector<16xf32>
        %mul3A_1368 = arith.constant 768 : i32
        %mul3A_1369 = arith.muli %scan3A_34, %mul3A_1368 : i32
        %add3A_1370 = arith.constant 416 : i32
        %add3A_1371 = arith.addi %mul3A_1369, %add3A_1370 : i32
        %swap3A_1372 = arith.index_cast %add3A_1371 : i32 to index
        %swap3A_1373 = tpu.vector_load %arg11[%swap3A_1372] {strides = array<i32>} : memref<12288xf32, #tpu.memory_space<vmem>>, vector<16xf32>,
        %swap3A_1374 = vector.shape_cast %swap3A_1373 : vector<16xf32> to vector<16xf32>
        %swap3A_1375 = vector.shape_cast %add3A_1367 : vector<16xf32> to vector<16xf32>
        tpu.vector_store %arg11[%swap3A_1372], %swap3A_1375 {strides = array<i32>} : memref<12288xf32, #tpu.memory_space<vmem>>, vector<16xf32>,
        %mul3A_1376 = arith.constant 3 : i32
        %mul3A_1377 = arith.muli %mul3A_1376, %scan3A_34 : i32
        %get3A_1378 = arith.index_cast %mul3A_1377 : i32 to index
        %get3A_1379 = arith.constant 432 : index
        %get3A_1380 = tpu.vector_load %arg10[%get3A_1378, %get3A_1379] {strides = array<i32>} : memref<48x768xf32, #tpu.memory_space<vmem>>, vector<1x16xf32>,
        %get3A_1381 = vector.shape_cast %get3A_1380 : vector<1x16xf32> to vector<16xf32>
        %mul3A_1382 = arith.mulf %get3A_39, %get3A_1381 : vector<16xf32>
        %mul3A_1383 = arith.constant 3 : i32
        %mul3A_1384 = arith.muli %mul3A_1383, %scan3A_34 : i32
        %add3A_1385 = arith.constant 1 : i32
        %add3A_1386 = arith.addi %mul3A_1384, %add3A_1385 : i32
        %get3A_1387 = arith.index_cast %add3A_1386 : i32 to index
        %get3A_1388 = arith.constant 432 : index
        %get3A_1389 = tpu.vector_load %arg10[%get3A_1387, %get3A_1388] {strides = array<i32>} : memref<48x768xf32, #tpu.memory_space<vmem>>, vector<1x16xf32>,
        %get3A_1390 = vector.shape_cast %get3A_1389 : vector<1x16xf32> to vector<16xf32>
        %mul3A_1391 = arith.mulf %get3A_46, %get3A_1390 : vector<16xf32>
        %add3A_1392 = arith.addf %mul3A_1382, %mul3A_1391 : vector<16xf32>
        %mul3A_1393 = arith.constant 3 : i32
        %mul3A_1394 = arith.muli %mul3A_1393, %scan3A_34 : i32
        %add3A_1395 = arith.constant 2 : i32
        %add3A_1396 = arith.addi %mul3A_1394, %add3A_1395 : i32
        %get3A_1397 = arith.index_cast %add3A_1396 : i32 to index
        %get3A_1398 = arith.constant 432 : index
        %get3A_1399 = tpu.vector_load %arg10[%get3A_1397, %get3A_1398] {strides = array<i32>} : memref<48x768xf32, #tpu.memory_space<vmem>>, vector<1x16xf32>,
        %get3A_1400 = vector.shape_cast %get3A_1399 : vector<1x16xf32> to vector<16xf32>
        %mul3A_1401 = arith.mulf %get3A_53, %get3A_1400 : vector<16xf32>
        %add3A_1402 = arith.addf %add3A_1392, %mul3A_1401 : vector<16xf32>
        %mul3A_1403 = arith.constant 768 : i32
        %mul3A_1404 = arith.muli %scan3A_34, %mul3A_1403 : i32
        %add3A_1405 = arith.constant 432 : i32
        %add3A_1406 = arith.addi %mul3A_1404, %add3A_1405 : i32
        %get3A_1407 = arith.index_cast %add3A_1406 : i32 to index
        %get3A_1408 = tpu.vector_load %arg9[%get3A_1407] {strides = array<i32>} : memref<12288xf32, #tpu.memory_space<vmem>>, vector<16xf32>,
        %get3A_1409 = vector.shape_cast %get3A_1408 : vector<16xf32> to vector<16xf32>
        %mul3A_1410 = arith.constant 0.475020826 : f32
        %mul3A_1411 = vector.broadcast %mul3A_1410 : f32 to vector<16xf32>
        %mul3A_1412 = arith.mulf %mul3A_1411, %get3A_1409 : vector<16xf32>
        %mul3A_1413 = arith.constant 0.524979174 : f32
        %mul3A_1414 = vector.broadcast %mul3A_1413 : f32 to vector<16xf32>
        %mul3A_1415 = arith.mulf %mul3A_1414, %add3A_1402 : vector<16xf32>
        %add3A_1416 = arith.addf %mul3A_1412, %mul3A_1415 : vector<16xf32>
        %mul3A_1417 = arith.constant 768 : i32
        %mul3A_1418 = arith.muli %scan3A_34, %mul3A_1417 : i32
        %add3A_1419 = arith.constant 432 : i32
        %add3A_1420 = arith.addi %mul3A_1418, %add3A_1419 : i32
        %swap3A_1421 = arith.index_cast %add3A_1420 : i32 to index
        %swap3A_1422 = tpu.vector_load %arg11[%swap3A_1421] {strides = array<i32>} : memref<12288xf32, #tpu.memory_space<vmem>>, vector<16xf32>,
        %swap3A_1423 = vector.shape_cast %swap3A_1422 : vector<16xf32> to vector<16xf32>
        %swap3A_1424 = vector.shape_cast %add3A_1416 : vector<16xf32> to vector<16xf32>
        tpu.vector_store %arg11[%swap3A_1421], %swap3A_1424 {strides = array<i32>} : memref<12288xf32, #tpu.memory_space<vmem>>, vector<16xf32>,
        %mul3A_1425 = arith.constant 3 : i32
        %mul3A_1426 = arith.muli %mul3A_1425, %scan3A_34 : i32
        %get3A_1427 = arith.index_cast %mul3A_1426 : i32 to index
        %get3A_1428 = arith.constant 448 : index
        %get3A_1429 = tpu.vector_load %arg10[%get3A_1427, %get3A_1428] {strides = array<i32>} : memref<48x768xf32, #tpu.memory_space<vmem>>, vector<1x16xf32>,
        %get3A_1430 = vector.shape_cast %get3A_1429 : vector<1x16xf32> to vector<16xf32>
        %mul3A_1431 = arith.mulf %get3A_39, %get3A_1430 : vector<16xf32>
        %mul3A_1432 = arith.constant 3 : i32
        %mul3A_1433 = arith.muli %mul3A_1432, %scan3A_34 : i32
        %add3A_1434 = arith.constant 1 : i32
        %add3A_1435 = arith.addi %mul3A_1433, %add3A_1434 : i32
        %get3A_1436 = arith.index_cast %add3A_1435 : i32 to index
        %get3A_1437 = arith.constant 448 : index
        %get3A_1438 = tpu.vector_load %arg10[%get3A_1436, %get3A_1437] {strides = array<i32>} : memref<48x768xf32, #tpu.memory_space<vmem>>, vector<1x16xf32>,
        %get3A_1439 = vector.shape_cast %get3A_1438 : vector<1x16xf32> to vector<16xf32>
        %mul3A_1440 = arith.mulf %get3A_46, %get3A_1439 : vector<16xf32>
        %add3A_1441 = arith.addf %mul3A_1431, %mul3A_1440 : vector<16xf32>
        %mul3A_1442 = arith.constant 3 : i32
        %mul3A_1443 = arith.muli %mul3A_1442, %scan3A_34 : i32
        %add3A_1444 = arith.constant 2 : i32
        %add3A_1445 = arith.addi %mul3A_1443, %add3A_1444 : i32
        %get3A_1446 = arith.index_cast %add3A_1445 : i32 to index
        %get3A_1447 = arith.constant 448 : index
        %get3A_1448 = tpu.vector_load %arg10[%get3A_1446, %get3A_1447] {strides = array<i32>} : memref<48x768xf32, #tpu.memory_space<vmem>>, vector<1x16xf32>,
        %get3A_1449 = vector.shape_cast %get3A_1448 : vector<1x16xf32> to vector<16xf32>
        %mul3A_1450 = arith.mulf %get3A_53, %get3A_1449 : vector<16xf32>
        %add3A_1451 = arith.addf %add3A_1441, %mul3A_1450 : vector<16xf32>
        %mul3A_1452 = arith.constant 768 : i32
        %mul3A_1453 = arith.muli %scan3A_34, %mul3A_1452 : i32
        %add3A_1454 = arith.constant 448 : i32
        %add3A_1455 = arith.addi %mul3A_1453, %add3A_1454 : i32
        %get3A_1456 = arith.index_cast %add3A_1455 : i32 to index
        %get3A_1457 = tpu.vector_load %arg9[%get3A_1456] {strides = array<i32>} : memref<12288xf32, #tpu.memory_space<vmem>>, vector<16xf32>,
        %get3A_1458 = vector.shape_cast %get3A_1457 : vector<16xf32> to vector<16xf32>
        %mul3A_1459 = arith.constant 0.475020826 : f32
        %mul3A_1460 = vector.broadcast %mul3A_1459 : f32 to vector<16xf32>
        %mul3A_1461 = arith.mulf %mul3A_1460, %get3A_1458 : vector<16xf32>
        %mul3A_1462 = arith.constant 0.524979174 : f32
        %mul3A_1463 = vector.broadcast %mul3A_1462 : f32 to vector<16xf32>
        %mul3A_1464 = arith.mulf %mul3A_1463, %add3A_1451 : vector<16xf32>
        %add3A_1465 = arith.addf %mul3A_1461, %mul3A_1464 : vector<16xf32>
        %mul3A_1466 = arith.constant 768 : i32
        %mul3A_1467 = arith.muli %scan3A_34, %mul3A_1466 : i32
        %add3A_1468 = arith.constant 448 : i32
        %add3A_1469 = arith.addi %mul3A_1467, %add3A_1468 : i32
        %swap3A_1470 = arith.index_cast %add3A_1469 : i32 to index
        %swap3A_1471 = tpu.vector_load %arg11[%swap3A_1470] {strides = array<i32>} : memref<12288xf32, #tpu.memory_space<vmem>>, vector<16xf32>,
        %swap3A_1472 = vector.shape_cast %swap3A_1471 : vector<16xf32> to vector<16xf32>
        %swap3A_1473 = vector.shape_cast %add3A_1465 : vector<16xf32> to vector<16xf32>
        tpu.vector_store %arg11[%swap3A_1470], %swap3A_1473 {strides = array<i32>} : memref<12288xf32, #tpu.memory_space<vmem>>, vector<16xf32>,
        %mul3A_1474 = arith.constant 3 : i32
        %mul3A_1475 = arith.muli %mul3A_1474, %scan3A_34 : i32
        %get3A_1476 = arith.index_cast %mul3A_1475 : i32 to index
        %get3A_1477 = arith.constant 464 : index
        %get3A_1478 = tpu.vector_load %arg10[%get3A_1476, %get3A_1477] {strides = array<i32>} : memref<48x768xf32, #tpu.memory_space<vmem>>, vector<1x16xf32>,
        %get3A_1479 = vector.shape_cast %get3A_1478 : vector<1x16xf32> to vector<16xf32>
        %mul3A_1480 = arith.mulf %get3A_39, %get3A_1479 : vector<16xf32>
        %mul3A_1481 = arith.constant 3 : i32
        %mul3A_1482 = arith.muli %mul3A_1481, %scan3A_34 : i32
        %add3A_1483 = arith.constant 1 : i32
        %add3A_1484 = arith.addi %mul3A_1482, %add3A_1483 : i32
        %get3A_1485 = arith.index_cast %add3A_1484 : i32 to index
        %get3A_1486 = arith.constant 464 : index
        %get3A_1487 = tpu.vector_load %arg10[%get3A_1485, %get3A_1486] {strides = array<i32>} : memref<48x768xf32, #tpu.memory_space<vmem>>, vector<1x16xf32>,
        %get3A_1488 = vector.shape_cast %get3A_1487 : vector<1x16xf32> to vector<16xf32>
        %mul3A_1489 = arith.mulf %get3A_46, %get3A_1488 : vector<16xf32>
        %add3A_1490 = arith.addf %mul3A_1480, %mul3A_1489 : vector<16xf32>
        %mul3A_1491 = arith.constant 3 : i32
        %mul3A_1492 = arith.muli %mul3A_1491, %scan3A_34 : i32
        %add3A_1493 = arith.constant 2 : i32
        %add3A_1494 = arith.addi %mul3A_1492, %add3A_1493 : i32
        %get3A_1495 = arith.index_cast %add3A_1494 : i32 to index
        %get3A_1496 = arith.constant 464 : index
        %get3A_1497 = tpu.vector_load %arg10[%get3A_1495, %get3A_1496] {strides = array<i32>} : memref<48x768xf32, #tpu.memory_space<vmem>>, vector<1x16xf32>,
        %get3A_1498 = vector.shape_cast %get3A_1497 : vector<1x16xf32> to vector<16xf32>
        %mul3A_1499 = arith.mulf %get3A_53, %get3A_1498 : vector<16xf32>
        %add3A_1500 = arith.addf %add3A_1490, %mul3A_1499 : vector<16xf32>
        %mul3A_1501 = arith.constant 768 : i32
        %mul3A_1502 = arith.muli %scan3A_34, %mul3A_1501 : i32
        %add3A_1503 = arith.constant 464 : i32
        %add3A_1504 = arith.addi %mul3A_1502, %add3A_1503 : i32
        %get3A_1505 = arith.index_cast %add3A_1504 : i32 to index
        %get3A_1506 = tpu.vector_load %arg9[%get3A_1505] {strides = array<i32>} : memref<12288xf32, #tpu.memory_space<vmem>>, vector<16xf32>,
        %get3A_1507 = vector.shape_cast %get3A_1506 : vector<16xf32> to vector<16xf32>
        %mul3A_1508 = arith.constant 0.475020826 : f32
        %mul3A_1509 = vector.broadcast %mul3A_1508 : f32 to vector<16xf32>
        %mul3A_1510 = arith.mulf %mul3A_1509, %get3A_1507 : vector<16xf32>
        %mul3A_1511 = arith.constant 0.524979174 : f32
        %mul3A_1512 = vector.broadcast %mul3A_1511 : f32 to vector<16xf32>
        %mul3A_1513 = arith.mulf %mul3A_1512, %add3A_1500 : vector<16xf32>
        %add3A_1514 = arith.addf %mul3A_1510, %mul3A_1513 : vector<16xf32>
        %mul3A_1515 = arith.constant 768 : i32
        %mul3A_1516 = arith.muli %scan3A_34, %mul3A_1515 : i32
        %add3A_1517 = arith.constant 464 : i32
        %add3A_1518 = arith.addi %mul3A_1516, %add3A_1517 : i32
        %swap3A_1519 = arith.index_cast %add3A_1518 : i32 to index
        %swap3A_1520 = tpu.vector_load %arg11[%swap3A_1519] {strides = array<i32>} : memref<12288xf32, #tpu.memory_space<vmem>>, vector<16xf32>,
        %swap3A_1521 = vector.shape_cast %swap3A_1520 : vector<16xf32> to vector<16xf32>
        %swap3A_1522 = vector.shape_cast %add3A_1514 : vector<16xf32> to vector<16xf32>
        tpu.vector_store %arg11[%swap3A_1519], %swap3A_1522 {strides = array<i32>} : memref<12288xf32, #tpu.memory_space<vmem>>, vector<16xf32>,
        %mul3A_1523 = arith.constant 3 : i32
        %mul3A_1524 = arith.muli %mul3A_1523, %scan3A_34 : i32
        %get3A_1525 = arith.index_cast %mul3A_1524 : i32 to index
        %get3A_1526 = arith.constant 480 : index
        %get3A_1527 = tpu.vector_load %arg10[%get3A_1525, %get3A_1526] {strides = array<i32>} : memref<48x768xf32, #tpu.memory_space<vmem>>, vector<1x16xf32>,
        %get3A_1528 = vector.shape_cast %get3A_1527 : vector<1x16xf32> to vector<16xf32>
        %mul3A_1529 = arith.mulf %get3A_39, %get3A_1528 : vector<16xf32>
        %mul3A_1530 = arith.constant 3 : i32
        %mul3A_1531 = arith.muli %mul3A_1530, %scan3A_34 : i32
        %add3A_1532 = arith.constant 1 : i32
        %add3A_1533 = arith.addi %mul3A_1531, %add3A_1532 : i32
        %get3A_1534 = arith.index_cast %add3A_1533 : i32 to index
        %get3A_1535 = arith.constant 480 : index
        %get3A_1536 = tpu.vector_load %arg10[%get3A_1534, %get3A_1535] {strides = array<i32>} : memref<48x768xf32, #tpu.memory_space<vmem>>, vector<1x16xf32>,
        %get3A_1537 = vector.shape_cast %get3A_1536 : vector<1x16xf32> to vector<16xf32>
        %mul3A_1538 = arith.mulf %get3A_46, %get3A_1537 : vector<16xf32>
        %add3A_1539 = arith.addf %mul3A_1529, %mul3A_1538 : vector<16xf32>
        %mul3A_1540 = arith.constant 3 : i32
        %mul3A_1541 = arith.muli %mul3A_1540, %scan3A_34 : i32
        %add3A_1542 = arith.constant 2 : i32
        %add3A_1543 = arith.addi %mul3A_1541, %add3A_1542 : i32
        %get3A_1544 = arith.index_cast %add3A_1543 : i32 to index
        %get3A_1545 = arith.constant 480 : index
        %get3A_1546 = tpu.vector_load %arg10[%get3A_1544, %get3A_1545] {strides = array<i32>} : memref<48x768xf32, #tpu.memory_space<vmem>>, vector<1x16xf32>,
        %get3A_1547 = vector.shape_cast %get3A_1546 : vector<1x16xf32> to vector<16xf32>
        %mul3A_1548 = arith.mulf %get3A_53, %get3A_1547 : vector<16xf32>
        %add3A_1549 = arith.addf %add3A_1539, %mul3A_1548 : vector<16xf32>
        %mul3A_1550 = arith.constant 768 : i32
        %mul3A_1551 = arith.muli %scan3A_34, %mul3A_1550 : i32
        %add3A_1552 = arith.constant 480 : i32
        %add3A_1553 = arith.addi %mul3A_1551, %add3A_1552 : i32
        %get3A_1554 = arith.index_cast %add3A_1553 : i32 to index
        %get3A_1555 = tpu.vector_load %arg9[%get3A_1554] {strides = array<i32>} : memref<12288xf32, #tpu.memory_space<vmem>>, vector<16xf32>,
        %get3A_1556 = vector.shape_cast %get3A_1555 : vector<16xf32> to vector<16xf32>
        %mul3A_1557 = arith.constant 0.475020826 : f32
        %mul3A_1558 = vector.broadcast %mul3A_1557 : f32 to vector<16xf32>
        %mul3A_1559 = arith.mulf %mul3A_1558, %get3A_1556 : vector<16xf32>
        %mul3A_1560 = arith.constant 0.524979174 : f32
        %mul3A_1561 = vector.broadcast %mul3A_1560 : f32 to vector<16xf32>
        %mul3A_1562 = arith.mulf %mul3A_1561, %add3A_1549 : vector<16xf32>
        %add3A_1563 = arith.addf %mul3A_1559, %mul3A_1562 : vector<16xf32>
        %mul3A_1564 = arith.constant 768 : i32
        %mul3A_1565 = arith.muli %scan3A_34, %mul3A_1564 : i32
        %add3A_1566 = arith.constant 480 : i32
        %add3A_1567 = arith.addi %mul3A_1565, %add3A_1566 : i32
        %swap3A_1568 = arith.index_cast %add3A_1567 : i32 to index
        %swap3A_1569 = tpu.vector_load %arg11[%swap3A_1568] {strides = array<i32>} : memref<12288xf32, #tpu.memory_space<vmem>>, vector<16xf32>,
        %swap3A_1570 = vector.shape_cast %swap3A_1569 : vector<16xf32> to vector<16xf32>
        %swap3A_1571 = vector.shape_cast %add3A_1563 : vector<16xf32> to vector<16xf32>
        tpu.vector_store %arg11[%swap3A_1568], %swap3A_1571 {strides = array<i32>} : memref<12288xf32, #tpu.memory_space<vmem>>, vector<16xf32>,
        %mul3A_1572 = arith.constant 3 : i32
        %mul3A_1573 = arith.muli %mul3A_1572, %scan3A_34 : i32
        %get3A_1574 = arith.index_cast %mul3A_1573 : i32 to index
        %get3A_1575 = arith.constant 496 : index
        %get3A_1576 = tpu.vector_load %arg10[%get3A_1574, %get3A_1575] {strides = array<i32>} : memref<48x768xf32, #tpu.memory_space<vmem>>, vector<1x16xf32>,
        %get3A_1577 = vector.shape_cast %get3A_1576 : vector<1x16xf32> to vector<16xf32>
        %mul3A_1578 = arith.mulf %get3A_39, %get3A_1577 : vector<16xf32>
        %mul3A_1579 = arith.constant 3 : i32
        %mul3A_1580 = arith.muli %mul3A_1579, %scan3A_34 : i32
        %add3A_1581 = arith.constant 1 : i32
        %add3A_1582 = arith.addi %mul3A_1580, %add3A_1581 : i32
        %get3A_1583 = arith.index_cast %add3A_1582 : i32 to index
        %get3A_1584 = arith.constant 496 : index
        %get3A_1585 = tpu.vector_load %arg10[%get3A_1583, %get3A_1584] {strides = array<i32>} : memref<48x768xf32, #tpu.memory_space<vmem>>, vector<1x16xf32>,
        %get3A_1586 = vector.shape_cast %get3A_1585 : vector<1x16xf32> to vector<16xf32>
        %mul3A_1587 = arith.mulf %get3A_46, %get3A_1586 : vector<16xf32>
        %add3A_1588 = arith.addf %mul3A_1578, %mul3A_1587 : vector<16xf32>
        %mul3A_1589 = arith.constant 3 : i32
        %mul3A_1590 = arith.muli %mul3A_1589, %scan3A_34 : i32
        %add3A_1591 = arith.constant 2 : i32
        %add3A_1592 = arith.addi %mul3A_1590, %add3A_1591 : i32
        %get3A_1593 = arith.index_cast %add3A_1592 : i32 to index
        %get3A_1594 = arith.constant 496 : index
        %get3A_1595 = tpu.vector_load %arg10[%get3A_1593, %get3A_1594] {strides = array<i32>} : memref<48x768xf32, #tpu.memory_space<vmem>>, vector<1x16xf32>,
        %get3A_1596 = vector.shape_cast %get3A_1595 : vector<1x16xf32> to vector<16xf32>
        %mul3A_1597 = arith.mulf %get3A_53, %get3A_1596 : vector<16xf32>
        %add3A_1598 = arith.addf %add3A_1588, %mul3A_1597 : vector<16xf32>
        %mul3A_1599 = arith.constant 768 : i32
        %mul3A_1600 = arith.muli %scan3A_34, %mul3A_1599 : i32
        %add3A_1601 = arith.constant 496 : i32
        %add3A_1602 = arith.addi %mul3A_1600, %add3A_1601 : i32
        %get3A_1603 = arith.index_cast %add3A_1602 : i32 to index
        %get3A_1604 = tpu.vector_load %arg9[%get3A_1603] {strides = array<i32>} : memref<12288xf32, #tpu.memory_space<vmem>>, vector<16xf32>,
        %get3A_1605 = vector.shape_cast %get3A_1604 : vector<16xf32> to vector<16xf32>
        %mul3A_1606 = arith.constant 0.475020826 : f32
        %mul3A_1607 = vector.broadcast %mul3A_1606 : f32 to vector<16xf32>
        %mul3A_1608 = arith.mulf %mul3A_1607, %get3A_1605 : vector<16xf32>
        %mul3A_1609 = arith.constant 0.524979174 : f32
        %mul3A_1610 = vector.broadcast %mul3A_1609 : f32 to vector<16xf32>
        %mul3A_1611 = arith.mulf %mul3A_1610, %add3A_1598 : vector<16xf32>
        %add3A_1612 = arith.addf %mul3A_1608, %mul3A_1611 : vector<16xf32>
        %mul3A_1613 = arith.constant 768 : i32
        %mul3A_1614 = arith.muli %scan3A_34, %mul3A_1613 : i32
        %add3A_1615 = arith.constant 496 : i32
        %add3A_1616 = arith.addi %mul3A_1614, %add3A_1615 : i32
        %swap3A_1617 = arith.index_cast %add3A_1616 : i32 to index
        %swap3A_1618 = tpu.vector_load %arg11[%swap3A_1617] {strides = array<i32>} : memref<12288xf32, #tpu.memory_space<vmem>>, vector<16xf32>,
        %swap3A_1619 = vector.shape_cast %swap3A_1618 : vector<16xf32> to vector<16xf32>
        %swap3A_1620 = vector.shape_cast %add3A_1612 : vector<16xf32> to vector<16xf32>
        tpu.vector_store %arg11[%swap3A_1617], %swap3A_1620 {strides = array<i32>} : memref<12288xf32, #tpu.memory_space<vmem>>, vector<16xf32>,
        %mul3A_1621 = arith.constant 3 : i32
        %mul3A_1622 = arith.muli %mul3A_1621, %scan3A_34 : i32
        %get3A_1623 = arith.index_cast %mul3A_1622 : i32 to index
        %get3A_1624 = arith.constant 512 : index
        %get3A_1625 = tpu.vector_load %arg10[%get3A_1623, %get3A_1624] {strides = array<i32>} : memref<48x768xf32, #tpu.memory_space<vmem>>, vector<1x16xf32>,
        %get3A_1626 = vector.shape_cast %get3A_1625 : vector<1x16xf32> to vector<16xf32>
        %mul3A_1627 = arith.mulf %get3A_39, %get3A_1626 : vector<16xf32>
        %mul3A_1628 = arith.constant 3 : i32
        %mul3A_1629 = arith.muli %mul3A_1628, %scan3A_34 : i32
        %add3A_1630 = arith.constant 1 : i32
        %add3A_1631 = arith.addi %mul3A_1629, %add3A_1630 : i32
        %get3A_1632 = arith.index_cast %add3A_1631 : i32 to index
        %get3A_1633 = arith.constant 512 : index
        %get3A_1634 = tpu.vector_load %arg10[%get3A_1632, %get3A_1633] {strides = array<i32>} : memref<48x768xf32, #tpu.memory_space<vmem>>, vector<1x16xf32>,
        %get3A_1635 = vector.shape_cast %get3A_1634 : vector<1x16xf32> to vector<16xf32>
        %mul3A_1636 = arith.mulf %get3A_46, %get3A_1635 : vector<16xf32>
        %add3A_1637 = arith.addf %mul3A_1627, %mul3A_1636 : vector<16xf32>
        %mul3A_1638 = arith.constant 3 : i32
        %mul3A_1639 = arith.muli %mul3A_1638, %scan3A_34 : i32
        %add3A_1640 = arith.constant 2 : i32
        %add3A_1641 = arith.addi %mul3A_1639, %add3A_1640 : i32
        %get3A_1642 = arith.index_cast %add3A_1641 : i32 to index
        %get3A_1643 = arith.constant 512 : index
        %get3A_1644 = tpu.vector_load %arg10[%get3A_1642, %get3A_1643] {strides = array<i32>} : memref<48x768xf32, #tpu.memory_space<vmem>>, vector<1x16xf32>,
        %get3A_1645 = vector.shape_cast %get3A_1644 : vector<1x16xf32> to vector<16xf32>
        %mul3A_1646 = arith.mulf %get3A_53, %get3A_1645 : vector<16xf32>
        %add3A_1647 = arith.addf %add3A_1637, %mul3A_1646 : vector<16xf32>
        %mul3A_1648 = arith.constant 768 : i32
        %mul3A_1649 = arith.muli %scan3A_34, %mul3A_1648 : i32
        %add3A_1650 = arith.constant 512 : i32
        %add3A_1651 = arith.addi %mul3A_1649, %add3A_1650 : i32
        %get3A_1652 = arith.index_cast %add3A_1651 : i32 to index
        %get3A_1653 = tpu.vector_load %arg9[%get3A_1652] {strides = array<i32>} : memref<12288xf32, #tpu.memory_space<vmem>>, vector<16xf32>,
        %get3A_1654 = vector.shape_cast %get3A_1653 : vector<16xf32> to vector<16xf32>
        %mul3A_1655 = arith.constant 0.475020826 : f32
        %mul3A_1656 = vector.broadcast %mul3A_1655 : f32 to vector<16xf32>
        %mul3A_1657 = arith.mulf %mul3A_1656, %get3A_1654 : vector<16xf32>
        %mul3A_1658 = arith.constant 0.524979174 : f32
        %mul3A_1659 = vector.broadcast %mul3A_1658 : f32 to vector<16xf32>
        %mul3A_1660 = arith.mulf %mul3A_1659, %add3A_1647 : vector<16xf32>
        %add3A_1661 = arith.addf %mul3A_1657, %mul3A_1660 : vector<16xf32>
        %mul3A_1662 = arith.constant 768 : i32
        %mul3A_1663 = arith.muli %scan3A_34, %mul3A_1662 : i32
        %add3A_1664 = arith.constant 512 : i32
        %add3A_1665 = arith.addi %mul3A_1663, %add3A_1664 : i32
        %swap3A_1666 = arith.index_cast %add3A_1665 : i32 to index
        %swap3A_1667 = tpu.vector_load %arg11[%swap3A_1666] {strides = array<i32>} : memref<12288xf32, #tpu.memory_space<vmem>>, vector<16xf32>,
        %swap3A_1668 = vector.shape_cast %swap3A_1667 : vector<16xf32> to vector<16xf32>
        %swap3A_1669 = vector.shape_cast %add3A_1661 : vector<16xf32> to vector<16xf32>
        tpu.vector_store %arg11[%swap3A_1666], %swap3A_1669 {strides = array<i32>} : memref<12288xf32, #tpu.memory_space<vmem>>, vector<16xf32>,
        %mul3A_1670 = arith.constant 3 : i32
        %mul3A_1671 = arith.muli %mul3A_1670, %scan3A_34 : i32
        %get3A_1672 = arith.index_cast %mul3A_1671 : i32 to index
        %get3A_1673 = arith.constant 528 : index
        %get3A_1674 = tpu.vector_load %arg10[%get3A_1672, %get3A_1673] {strides = array<i32>} : memref<48x768xf32, #tpu.memory_space<vmem>>, vector<1x16xf32>,
        %get3A_1675 = vector.shape_cast %get3A_1674 : vector<1x16xf32> to vector<16xf32>
        %mul3A_1676 = arith.mulf %get3A_39, %get3A_1675 : vector<16xf32>
        %mul3A_1677 = arith.constant 3 : i32
        %mul3A_1678 = arith.muli %mul3A_1677, %scan3A_34 : i32
        %add3A_1679 = arith.constant 1 : i32
        %add3A_1680 = arith.addi %mul3A_1678, %add3A_1679 : i32
        %get3A_1681 = arith.index_cast %add3A_1680 : i32 to index
        %get3A_1682 = arith.constant 528 : index
        %get3A_1683 = tpu.vector_load %arg10[%get3A_1681, %get3A_1682] {strides = array<i32>} : memref<48x768xf32, #tpu.memory_space<vmem>>, vector<1x16xf32>,
        %get3A_1684 = vector.shape_cast %get3A_1683 : vector<1x16xf32> to vector<16xf32>
        %mul3A_1685 = arith.mulf %get3A_46, %get3A_1684 : vector<16xf32>
        %add3A_1686 = arith.addf %mul3A_1676, %mul3A_1685 : vector<16xf32>
        %mul3A_1687 = arith.constant 3 : i32
        %mul3A_1688 = arith.muli %mul3A_1687, %scan3A_34 : i32
        %add3A_1689 = arith.constant 2 : i32
        %add3A_1690 = arith.addi %mul3A_1688, %add3A_1689 : i32
        %get3A_1691 = arith.index_cast %add3A_1690 : i32 to index
        %get3A_1692 = arith.constant 528 : index
        %get3A_1693 = tpu.vector_load %arg10[%get3A_1691, %get3A_1692] {strides = array<i32>} : memref<48x768xf32, #tpu.memory_space<vmem>>, vector<1x16xf32>,
        %get3A_1694 = vector.shape_cast %get3A_1693 : vector<1x16xf32> to vector<16xf32>
        %mul3A_1695 = arith.mulf %get3A_53, %get3A_1694 : vector<16xf32>
        %add3A_1696 = arith.addf %add3A_1686, %mul3A_1695 : vector<16xf32>
        %mul3A_1697 = arith.constant 768 : i32
        %mul3A_1698 = arith.muli %scan3A_34, %mul3A_1697 : i32
        %add3A_1699 = arith.constant 528 : i32
        %add3A_1700 = arith.addi %mul3A_1698, %add3A_1699 : i32
        %get3A_1701 = arith.index_cast %add3A_1700 : i32 to index
        %get3A_1702 = tpu.vector_load %arg9[%get3A_1701] {strides = array<i32>} : memref<12288xf32, #tpu.memory_space<vmem>>, vector<16xf32>,
        %get3A_1703 = vector.shape_cast %get3A_1702 : vector<16xf32> to vector<16xf32>
        %mul3A_1704 = arith.constant 0.475020826 : f32
        %mul3A_1705 = vector.broadcast %mul3A_1704 : f32 to vector<16xf32>
        %mul3A_1706 = arith.mulf %mul3A_1705, %get3A_1703 : vector<16xf32>
        %mul3A_1707 = arith.constant 0.524979174 : f32
        %mul3A_1708 = vector.broadcast %mul3A_1707 : f32 to vector<16xf32>
        %mul3A_1709 = arith.mulf %mul3A_1708, %add3A_1696 : vector<16xf32>
        %add3A_1710 = arith.addf %mul3A_1706, %mul3A_1709 : vector<16xf32>
        %mul3A_1711 = arith.constant 768 : i32
        %mul3A_1712 = arith.muli %scan3A_34, %mul3A_1711 : i32
        %add3A_1713 = arith.constant 528 : i32
        %add3A_1714 = arith.addi %mul3A_1712, %add3A_1713 : i32
        %swap3A_1715 = arith.index_cast %add3A_1714 : i32 to index
        %swap3A_1716 = tpu.vector_load %arg11[%swap3A_1715] {strides = array<i32>} : memref<12288xf32, #tpu.memory_space<vmem>>, vector<16xf32>,
        %swap3A_1717 = vector.shape_cast %swap3A_1716 : vector<16xf32> to vector<16xf32>
        %swap3A_1718 = vector.shape_cast %add3A_1710 : vector<16xf32> to vector<16xf32>
        tpu.vector_store %arg11[%swap3A_1715], %swap3A_1718 {strides = array<i32>} : memref<12288xf32, #tpu.memory_space<vmem>>, vector<16xf32>,
        %mul3A_1719 = arith.constant 3 : i32
        %mul3A_1720 = arith.muli %mul3A_1719, %scan3A_34 : i32
        %get3A_1721 = arith.index_cast %mul3A_1720 : i32 to index
        %get3A_1722 = arith.constant 544 : index
        %get3A_1723 = tpu.vector_load %arg10[%get3A_1721, %get3A_1722] {strides = array<i32>} : memref<48x768xf32, #tpu.memory_space<vmem>>, vector<1x16xf32>,
        %get3A_1724 = vector.shape_cast %get3A_1723 : vector<1x16xf32> to vector<16xf32>
        %mul3A_1725 = arith.mulf %get3A_39, %get3A_1724 : vector<16xf32>
        %mul3A_1726 = arith.constant 3 : i32
        %mul3A_1727 = arith.muli %mul3A_1726, %scan3A_34 : i32
        %add3A_1728 = arith.constant 1 : i32
        %add3A_1729 = arith.addi %mul3A_1727, %add3A_1728 : i32
        %get3A_1730 = arith.index_cast %add3A_1729 : i32 to index
        %get3A_1731 = arith.constant 544 : index
        %get3A_1732 = tpu.vector_load %arg10[%get3A_1730, %get3A_1731] {strides = array<i32>} : memref<48x768xf32, #tpu.memory_space<vmem>>, vector<1x16xf32>,
        %get3A_1733 = vector.shape_cast %get3A_1732 : vector<1x16xf32> to vector<16xf32>
        %mul3A_1734 = arith.mulf %get3A_46, %get3A_1733 : vector<16xf32>
        %add3A_1735 = arith.addf %mul3A_1725, %mul3A_1734 : vector<16xf32>
        %mul3A_1736 = arith.constant 3 : i32
        %mul3A_1737 = arith.muli %mul3A_1736, %scan3A_34 : i32
        %add3A_1738 = arith.constant 2 : i32
        %add3A_1739 = arith.addi %mul3A_1737, %add3A_1738 : i32
        %get3A_1740 = arith.index_cast %add3A_1739 : i32 to index
        %get3A_1741 = arith.constant 544 : index
        %get3A_1742 = tpu.vector_load %arg10[%get3A_1740, %get3A_1741] {strides = array<i32>} : memref<48x768xf32, #tpu.memory_space<vmem>>, vector<1x16xf32>,
        %get3A_1743 = vector.shape_cast %get3A_1742 : vector<1x16xf32> to vector<16xf32>
        %mul3A_1744 = arith.mulf %get3A_53, %get3A_1743 : vector<16xf32>
        %add3A_1745 = arith.addf %add3A_1735, %mul3A_1744 : vector<16xf32>
        %mul3A_1746 = arith.constant 768 : i32
        %mul3A_1747 = arith.muli %scan3A_34, %mul3A_1746 : i32
        %add3A_1748 = arith.constant 544 : i32
        %add3A_1749 = arith.addi %mul3A_1747, %add3A_1748 : i32
        %get3A_1750 = arith.index_cast %add3A_1749 : i32 to index
        %get3A_1751 = tpu.vector_load %arg9[%get3A_1750] {strides = array<i32>} : memref<12288xf32, #tpu.memory_space<vmem>>, vector<16xf32>,
        %get3A_1752 = vector.shape_cast %get3A_1751 : vector<16xf32> to vector<16xf32>
        %mul3A_1753 = arith.constant 0.475020826 : f32
        %mul3A_1754 = vector.broadcast %mul3A_1753 : f32 to vector<16xf32>
        %mul3A_1755 = arith.mulf %mul3A_1754, %get3A_1752 : vector<16xf32>
        %mul3A_1756 = arith.constant 0.524979174 : f32
        %mul3A_1757 = vector.broadcast %mul3A_1756 : f32 to vector<16xf32>
        %mul3A_1758 = arith.mulf %mul3A_1757, %add3A_1745 : vector<16xf32>
        %add3A_1759 = arith.addf %mul3A_1755, %mul3A_1758 : vector<16xf32>
        %mul3A_1760 = arith.constant 768 : i32
        %mul3A_1761 = arith.muli %scan3A_34, %mul3A_1760 : i32
        %add3A_1762 = arith.constant 544 : i32
        %add3A_1763 = arith.addi %mul3A_1761, %add3A_1762 : i32
        %swap3A_1764 = arith.index_cast %add3A_1763 : i32 to index
        %swap3A_1765 = tpu.vector_load %arg11[%swap3A_1764] {strides = array<i32>} : memref<12288xf32, #tpu.memory_space<vmem>>, vector<16xf32>,
        %swap3A_1766 = vector.shape_cast %swap3A_1765 : vector<16xf32> to vector<16xf32>
        %swap3A_1767 = vector.shape_cast %add3A_1759 : vector<16xf32> to vector<16xf32>
        tpu.vector_store %arg11[%swap3A_1764], %swap3A_1767 {strides = array<i32>} : memref<12288xf32, #tpu.memory_space<vmem>>, vector<16xf32>,
        %mul3A_1768 = arith.constant 3 : i32
        %mul3A_1769 = arith.muli %mul3A_1768, %scan3A_34 : i32
        %get3A_1770 = arith.index_cast %mul3A_1769 : i32 to index
        %get3A_1771 = arith.constant 560 : index
        %get3A_1772 = tpu.vector_load %arg10[%get3A_1770, %get3A_1771] {strides = array<i32>} : memref<48x768xf32, #tpu.memory_space<vmem>>, vector<1x16xf32>,
        %get3A_1773 = vector.shape_cast %get3A_1772 : vector<1x16xf32> to vector<16xf32>
        %mul3A_1774 = arith.mulf %get3A_39, %get3A_1773 : vector<16xf32>
        %mul3A_1775 = arith.constant 3 : i32
        %mul3A_1776 = arith.muli %mul3A_1775, %scan3A_34 : i32
        %add3A_1777 = arith.constant 1 : i32
        %add3A_1778 = arith.addi %mul3A_1776, %add3A_1777 : i32
        %get3A_1779 = arith.index_cast %add3A_1778 : i32 to index
        %get3A_1780 = arith.constant 560 : index
        %get3A_1781 = tpu.vector_load %arg10[%get3A_1779, %get3A_1780] {strides = array<i32>} : memref<48x768xf32, #tpu.memory_space<vmem>>, vector<1x16xf32>,
        %get3A_1782 = vector.shape_cast %get3A_1781 : vector<1x16xf32> to vector<16xf32>
        %mul3A_1783 = arith.mulf %get3A_46, %get3A_1782 : vector<16xf32>
        %add3A_1784 = arith.addf %mul3A_1774, %mul3A_1783 : vector<16xf32>
        %mul3A_1785 = arith.constant 3 : i32
        %mul3A_1786 = arith.muli %mul3A_1785, %scan3A_34 : i32
        %add3A_1787 = arith.constant 2 : i32
        %add3A_1788 = arith.addi %mul3A_1786, %add3A_1787 : i32
        %get3A_1789 = arith.index_cast %add3A_1788 : i32 to index
        %get3A_1790 = arith.constant 560 : index
        %get3A_1791 = tpu.vector_load %arg10[%get3A_1789, %get3A_1790] {strides = array<i32>} : memref<48x768xf32, #tpu.memory_space<vmem>>, vector<1x16xf32>,
        %get3A_1792 = vector.shape_cast %get3A_1791 : vector<1x16xf32> to vector<16xf32>
        %mul3A_1793 = arith.mulf %get3A_53, %get3A_1792 : vector<16xf32>
        %add3A_1794 = arith.addf %add3A_1784, %mul3A_1793 : vector<16xf32>
        %mul3A_1795 = arith.constant 768 : i32
        %mul3A_1796 = arith.muli %scan3A_34, %mul3A_1795 : i32
        %add3A_1797 = arith.constant 560 : i32
        %add3A_1798 = arith.addi %mul3A_1796, %add3A_1797 : i32
        %get3A_1799 = arith.index_cast %add3A_1798 : i32 to index
        %get3A_1800 = tpu.vector_load %arg9[%get3A_1799] {strides = array<i32>} : memref<12288xf32, #tpu.memory_space<vmem>>, vector<16xf32>,
        %get3A_1801 = vector.shape_cast %get3A_1800 : vector<16xf32> to vector<16xf32>
        %mul3A_1802 = arith.constant 0.475020826 : f32
        %mul3A_1803 = vector.broadcast %mul3A_1802 : f32 to vector<16xf32>
        %mul3A_1804 = arith.mulf %mul3A_1803, %get3A_1801 : vector<16xf32>
        %mul3A_1805 = arith.constant 0.524979174 : f32
        %mul3A_1806 = vector.broadcast %mul3A_1805 : f32 to vector<16xf32>
        %mul3A_1807 = arith.mulf %mul3A_1806, %add3A_1794 : vector<16xf32>
        %add3A_1808 = arith.addf %mul3A_1804, %mul3A_1807 : vector<16xf32>
        %mul3A_1809 = arith.constant 768 : i32
        %mul3A_1810 = arith.muli %scan3A_34, %mul3A_1809 : i32
        %add3A_1811 = arith.constant 560 : i32
        %add3A_1812 = arith.addi %mul3A_1810, %add3A_1811 : i32
        %swap3A_1813 = arith.index_cast %add3A_1812 : i32 to index
        %swap3A_1814 = tpu.vector_load %arg11[%swap3A_1813] {strides = array<i32>} : memref<12288xf32, #tpu.memory_space<vmem>>, vector<16xf32>,
        %swap3A_1815 = vector.shape_cast %swap3A_1814 : vector<16xf32> to vector<16xf32>
        %swap3A_1816 = vector.shape_cast %add3A_1808 : vector<16xf32> to vector<16xf32>
        tpu.vector_store %arg11[%swap3A_1813], %swap3A_1816 {strides = array<i32>} : memref<12288xf32, #tpu.memory_space<vmem>>, vector<16xf32>,
        %mul3A_1817 = arith.constant 3 : i32
        %mul3A_1818 = arith.muli %mul3A_1817, %scan3A_34 : i32
        %get3A_1819 = arith.index_cast %mul3A_1818 : i32 to index
        %get3A_1820 = arith.constant 576 : index
        %get3A_1821 = tpu.vector_load %arg10[%get3A_1819, %get3A_1820] {strides = array<i32>} : memref<48x768xf32, #tpu.memory_space<vmem>>, vector<1x16xf32>,
        %get3A_1822 = vector.shape_cast %get3A_1821 : vector<1x16xf32> to vector<16xf32>
        %mul3A_1823 = arith.mulf %get3A_39, %get3A_1822 : vector<16xf32>
        %mul3A_1824 = arith.constant 3 : i32
        %mul3A_1825 = arith.muli %mul3A_1824, %scan3A_34 : i32
        %add3A_1826 = arith.constant 1 : i32
        %add3A_1827 = arith.addi %mul3A_1825, %add3A_1826 : i32
        %get3A_1828 = arith.index_cast %add3A_1827 : i32 to index
        %get3A_1829 = arith.constant 576 : index
        %get3A_1830 = tpu.vector_load %arg10[%get3A_1828, %get3A_1829] {strides = array<i32>} : memref<48x768xf32, #tpu.memory_space<vmem>>, vector<1x16xf32>,
        %get3A_1831 = vector.shape_cast %get3A_1830 : vector<1x16xf32> to vector<16xf32>
        %mul3A_1832 = arith.mulf %get3A_46, %get3A_1831 : vector<16xf32>
        %add3A_1833 = arith.addf %mul3A_1823, %mul3A_1832 : vector<16xf32>
        %mul3A_1834 = arith.constant 3 : i32
        %mul3A_1835 = arith.muli %mul3A_1834, %scan3A_34 : i32
        %add3A_1836 = arith.constant 2 : i32
        %add3A_1837 = arith.addi %mul3A_1835, %add3A_1836 : i32
        %get3A_1838 = arith.index_cast %add3A_1837 : i32 to index
        %get3A_1839 = arith.constant 576 : index
        %get3A_1840 = tpu.vector_load %arg10[%get3A_1838, %get3A_1839] {strides = array<i32>} : memref<48x768xf32, #tpu.memory_space<vmem>>, vector<1x16xf32>,
        %get3A_1841 = vector.shape_cast %get3A_1840 : vector<1x16xf32> to vector<16xf32>
        %mul3A_1842 = arith.mulf %get3A_53, %get3A_1841 : vector<16xf32>
        %add3A_1843 = arith.addf %add3A_1833, %mul3A_1842 : vector<16xf32>
        %mul3A_1844 = arith.constant 768 : i32
        %mul3A_1845 = arith.muli %scan3A_34, %mul3A_1844 : i32
        %add3A_1846 = arith.constant 576 : i32
        %add3A_1847 = arith.addi %mul3A_1845, %add3A_1846 : i32
        %get3A_1848 = arith.index_cast %add3A_1847 : i32 to index
        %get3A_1849 = tpu.vector_load %arg9[%get3A_1848] {strides = array<i32>} : memref<12288xf32, #tpu.memory_space<vmem>>, vector<16xf32>,
        %get3A_1850 = vector.shape_cast %get3A_1849 : vector<16xf32> to vector<16xf32>
        %mul3A_1851 = arith.constant 0.475020826 : f32
        %mul3A_1852 = vector.broadcast %mul3A_1851 : f32 to vector<16xf32>
        %mul3A_1853 = arith.mulf %mul3A_1852, %get3A_1850 : vector<16xf32>
        %mul3A_1854 = arith.constant 0.524979174 : f32
        %mul3A_1855 = vector.broadcast %mul3A_1854 : f32 to vector<16xf32>
        %mul3A_1856 = arith.mulf %mul3A_1855, %add3A_1843 : vector<16xf32>
        %add3A_1857 = arith.addf %mul3A_1853, %mul3A_1856 : vector<16xf32>
        %mul3A_1858 = arith.constant 768 : i32
        %mul3A_1859 = arith.muli %scan3A_34, %mul3A_1858 : i32
        %add3A_1860 = arith.constant 576 : i32
        %add3A_1861 = arith.addi %mul3A_1859, %add3A_1860 : i32
        %swap3A_1862 = arith.index_cast %add3A_1861 : i32 to index
        %swap3A_1863 = tpu.vector_load %arg11[%swap3A_1862] {strides = array<i32>} : memref<12288xf32, #tpu.memory_space<vmem>>, vector<16xf32>,
        %swap3A_1864 = vector.shape_cast %swap3A_1863 : vector<16xf32> to vector<16xf32>
        %swap3A_1865 = vector.shape_cast %add3A_1857 : vector<16xf32> to vector<16xf32>
        tpu.vector_store %arg11[%swap3A_1862], %swap3A_1865 {strides = array<i32>} : memref<12288xf32, #tpu.memory_space<vmem>>, vector<16xf32>,
        %mul3A_1866 = arith.constant 3 : i32
        %mul3A_1867 = arith.muli %mul3A_1866, %scan3A_34 : i32
        %get3A_1868 = arith.index_cast %mul3A_1867 : i32 to index
        %get3A_1869 = arith.constant 592 : index
        %get3A_1870 = tpu.vector_load %arg10[%get3A_1868, %get3A_1869] {strides = array<i32>} : memref<48x768xf32, #tpu.memory_space<vmem>>, vector<1x16xf32>,
        %get3A_1871 = vector.shape_cast %get3A_1870 : vector<1x16xf32> to vector<16xf32>
        %mul3A_1872 = arith.mulf %get3A_39, %get3A_1871 : vector<16xf32>
        %mul3A_1873 = arith.constant 3 : i32
        %mul3A_1874 = arith.muli %mul3A_1873, %scan3A_34 : i32
        %add3A_1875 = arith.constant 1 : i32
        %add3A_1876 = arith.addi %mul3A_1874, %add3A_1875 : i32
        %get3A_1877 = arith.index_cast %add3A_1876 : i32 to index
        %get3A_1878 = arith.constant 592 : index
        %get3A_1879 = tpu.vector_load %arg10[%get3A_1877, %get3A_1878] {strides = array<i32>} : memref<48x768xf32, #tpu.memory_space<vmem>>, vector<1x16xf32>,
        %get3A_1880 = vector.shape_cast %get3A_1879 : vector<1x16xf32> to vector<16xf32>
        %mul3A_1881 = arith.mulf %get3A_46, %get3A_1880 : vector<16xf32>
        %add3A_1882 = arith.addf %mul3A_1872, %mul3A_1881 : vector<16xf32>
        %mul3A_1883 = arith.constant 3 : i32
        %mul3A_1884 = arith.muli %mul3A_1883, %scan3A_34 : i32
        %add3A_1885 = arith.constant 2 : i32
        %add3A_1886 = arith.addi %mul3A_1884, %add3A_1885 : i32
        %get3A_1887 = arith.index_cast %add3A_1886 : i32 to index
        %get3A_1888 = arith.constant 592 : index
        %get3A_1889 = tpu.vector_load %arg10[%get3A_1887, %get3A_1888] {strides = array<i32>} : memref<48x768xf32, #tpu.memory_space<vmem>>, vector<1x16xf32>,
        %get3A_1890 = vector.shape_cast %get3A_1889 : vector<1x16xf32> to vector<16xf32>
        %mul3A_1891 = arith.mulf %get3A_53, %get3A_1890 : vector<16xf32>
        %add3A_1892 = arith.addf %add3A_1882, %mul3A_1891 : vector<16xf32>
        %mul3A_1893 = arith.constant 768 : i32
        %mul3A_1894 = arith.muli %scan3A_34, %mul3A_1893 : i32
        %add3A_1895 = arith.constant 592 : i32
        %add3A_1896 = arith.addi %mul3A_1894, %add3A_1895 : i32
        %get3A_1897 = arith.index_cast %add3A_1896 : i32 to index
        %get3A_1898 = tpu.vector_load %arg9[%get3A_1897] {strides = array<i32>} : memref<12288xf32, #tpu.memory_space<vmem>>, vector<16xf32>,
        %get3A_1899 = vector.shape_cast %get3A_1898 : vector<16xf32> to vector<16xf32>
        %mul3A_1900 = arith.constant 0.475020826 : f32
        %mul3A_1901 = vector.broadcast %mul3A_1900 : f32 to vector<16xf32>
        %mul3A_1902 = arith.mulf %mul3A_1901, %get3A_1899 : vector<16xf32>
        %mul3A_1903 = arith.constant 0.524979174 : f32
        %mul3A_1904 = vector.broadcast %mul3A_1903 : f32 to vector<16xf32>
        %mul3A_1905 = arith.mulf %mul3A_1904, %add3A_1892 : vector<16xf32>
        %add3A_1906 = arith.addf %mul3A_1902, %mul3A_1905 : vector<16xf32>
        %mul3A_1907 = arith.constant 768 : i32
        %mul3A_1908 = arith.muli %scan3A_34, %mul3A_1907 : i32
        %add3A_1909 = arith.constant 592 : i32
        %add3A_1910 = arith.addi %mul3A_1908, %add3A_1909 : i32
        %swap3A_1911 = arith.index_cast %add3A_1910 : i32 to index
        %swap3A_1912 = tpu.vector_load %arg11[%swap3A_1911] {strides = array<i32>} : memref<12288xf32, #tpu.memory_space<vmem>>, vector<16xf32>,
        %swap3A_1913 = vector.shape_cast %swap3A_1912 : vector<16xf32> to vector<16xf32>
        %swap3A_1914 = vector.shape_cast %add3A_1906 : vector<16xf32> to vector<16xf32>
        tpu.vector_store %arg11[%swap3A_1911], %swap3A_1914 {strides = array<i32>} : memref<12288xf32, #tpu.memory_space<vmem>>, vector<16xf32>,
        %mul3A_1915 = arith.constant 3 : i32
        %mul3A_1916 = arith.muli %mul3A_1915, %scan3A_34 : i32
        %get3A_1917 = arith.index_cast %mul3A_1916 : i32 to index
        %get3A_1918 = arith.constant 608 : index
        %get3A_1919 = tpu.vector_load %arg10[%get3A_1917, %get3A_1918] {strides = array<i32>} : memref<48x768xf32, #tpu.memory_space<vmem>>, vector<1x16xf32>,
        %get3A_1920 = vector.shape_cast %get3A_1919 : vector<1x16xf32> to vector<16xf32>
        %mul3A_1921 = arith.mulf %get3A_39, %get3A_1920 : vector<16xf32>
        %mul3A_1922 = arith.constant 3 : i32
        %mul3A_1923 = arith.muli %mul3A_1922, %scan3A_34 : i32
        %add3A_1924 = arith.constant 1 : i32
        %add3A_1925 = arith.addi %mul3A_1923, %add3A_1924 : i32
        %get3A_1926 = arith.index_cast %add3A_1925 : i32 to index
        %get3A_1927 = arith.constant 608 : index
        %get3A_1928 = tpu.vector_load %arg10[%get3A_1926, %get3A_1927] {strides = array<i32>} : memref<48x768xf32, #tpu.memory_space<vmem>>, vector<1x16xf32>,
        %get3A_1929 = vector.shape_cast %get3A_1928 : vector<1x16xf32> to vector<16xf32>
        %mul3A_1930 = arith.mulf %get3A_46, %get3A_1929 : vector<16xf32>
        %add3A_1931 = arith.addf %mul3A_1921, %mul3A_1930 : vector<16xf32>
        %mul3A_1932 = arith.constant 3 : i32
        %mul3A_1933 = arith.muli %mul3A_1932, %scan3A_34 : i32
        %add3A_1934 = arith.constant 2 : i32
        %add3A_1935 = arith.addi %mul3A_1933, %add3A_1934 : i32
        %get3A_1936 = arith.index_cast %add3A_1935 : i32 to index
        %get3A_1937 = arith.constant 608 : index
        %get3A_1938 = tpu.vector_load %arg10[%get3A_1936, %get3A_1937] {strides = array<i32>} : memref<48x768xf32, #tpu.memory_space<vmem>>, vector<1x16xf32>,
        %get3A_1939 = vector.shape_cast %get3A_1938 : vector<1x16xf32> to vector<16xf32>
        %mul3A_1940 = arith.mulf %get3A_53, %get3A_1939 : vector<16xf32>
        %add3A_1941 = arith.addf %add3A_1931, %mul3A_1940 : vector<16xf32>
        %mul3A_1942 = arith.constant 768 : i32
        %mul3A_1943 = arith.muli %scan3A_34, %mul3A_1942 : i32
        %add3A_1944 = arith.constant 608 : i32
        %add3A_1945 = arith.addi %mul3A_1943, %add3A_1944 : i32
        %get3A_1946 = arith.index_cast %add3A_1945 : i32 to index
        %get3A_1947 = tpu.vector_load %arg9[%get3A_1946] {strides = array<i32>} : memref<12288xf32, #tpu.memory_space<vmem>>, vector<16xf32>,
        %get3A_1948 = vector.shape_cast %get3A_1947 : vector<16xf32> to vector<16xf32>
        %mul3A_1949 = arith.constant 0.475020826 : f32
        %mul3A_1950 = vector.broadcast %mul3A_1949 : f32 to vector<16xf32>
        %mul3A_1951 = arith.mulf %mul3A_1950, %get3A_1948 : vector<16xf32>
        %mul3A_1952 = arith.constant 0.524979174 : f32
        %mul3A_1953 = vector.broadcast %mul3A_1952 : f32 to vector<16xf32>
        %mul3A_1954 = arith.mulf %mul3A_1953, %add3A_1941 : vector<16xf32>
        %add3A_1955 = arith.addf %mul3A_1951, %mul3A_1954 : vector<16xf32>
        %mul3A_1956 = arith.constant 768 : i32
        %mul3A_1957 = arith.muli %scan3A_34, %mul3A_1956 : i32
        %add3A_1958 = arith.constant 608 : i32
        %add3A_1959 = arith.addi %mul3A_1957, %add3A_1958 : i32
        %swap3A_1960 = arith.index_cast %add3A_1959 : i32 to index
        %swap3A_1961 = tpu.vector_load %arg11[%swap3A_1960] {strides = array<i32>} : memref<12288xf32, #tpu.memory_space<vmem>>, vector<16xf32>,
        %swap3A_1962 = vector.shape_cast %swap3A_1961 : vector<16xf32> to vector<16xf32>
        %swap3A_1963 = vector.shape_cast %add3A_1955 : vector<16xf32> to vector<16xf32>
        tpu.vector_store %arg11[%swap3A_1960], %swap3A_1963 {strides = array<i32>} : memref<12288xf32, #tpu.memory_space<vmem>>, vector<16xf32>,
        %mul3A_1964 = arith.constant 3 : i32
        %mul3A_1965 = arith.muli %mul3A_1964, %scan3A_34 : i32
        %get3A_1966 = arith.index_cast %mul3A_1965 : i32 to index
        %get3A_1967 = arith.constant 624 : index
        %get3A_1968 = tpu.vector_load %arg10[%get3A_1966, %get3A_1967] {strides = array<i32>} : memref<48x768xf32, #tpu.memory_space<vmem>>, vector<1x16xf32>,
        %get3A_1969 = vector.shape_cast %get3A_1968 : vector<1x16xf32> to vector<16xf32>
        %mul3A_1970 = arith.mulf %get3A_39, %get3A_1969 : vector<16xf32>
        %mul3A_1971 = arith.constant 3 : i32
        %mul3A_1972 = arith.muli %mul3A_1971, %scan3A_34 : i32
        %add3A_1973 = arith.constant 1 : i32
        %add3A_1974 = arith.addi %mul3A_1972, %add3A_1973 : i32
        %get3A_1975 = arith.index_cast %add3A_1974 : i32 to index
        %get3A_1976 = arith.constant 624 : index
        %get3A_1977 = tpu.vector_load %arg10[%get3A_1975, %get3A_1976] {strides = array<i32>} : memref<48x768xf32, #tpu.memory_space<vmem>>, vector<1x16xf32>,
        %get3A_1978 = vector.shape_cast %get3A_1977 : vector<1x16xf32> to vector<16xf32>
        %mul3A_1979 = arith.mulf %get3A_46, %get3A_1978 : vector<16xf32>
        %add3A_1980 = arith.addf %mul3A_1970, %mul3A_1979 : vector<16xf32>
        %mul3A_1981 = arith.constant 3 : i32
        %mul3A_1982 = arith.muli %mul3A_1981, %scan3A_34 : i32
        %add3A_1983 = arith.constant 2 : i32
        %add3A_1984 = arith.addi %mul3A_1982, %add3A_1983 : i32
        %get3A_1985 = arith.index_cast %add3A_1984 : i32 to index
        %get3A_1986 = arith.constant 624 : index
        %get3A_1987 = tpu.vector_load %arg10[%get3A_1985, %get3A_1986] {strides = array<i32>} : memref<48x768xf32, #tpu.memory_space<vmem>>, vector<1x16xf32>,
        %get3A_1988 = vector.shape_cast %get3A_1987 : vector<1x16xf32> to vector<16xf32>
        %mul3A_1989 = arith.mulf %get3A_53, %get3A_1988 : vector<16xf32>
        %add3A_1990 = arith.addf %add3A_1980, %mul3A_1989 : vector<16xf32>
        %mul3A_1991 = arith.constant 768 : i32
        %mul3A_1992 = arith.muli %scan3A_34, %mul3A_1991 : i32
        %add3A_1993 = arith.constant 624 : i32
        %add3A_1994 = arith.addi %mul3A_1992, %add3A_1993 : i32
        %get3A_1995 = arith.index_cast %add3A_1994 : i32 to index
        %get3A_1996 = tpu.vector_load %arg9[%get3A_1995] {strides = array<i32>} : memref<12288xf32, #tpu.memory_space<vmem>>, vector<16xf32>,
        %get3A_1997 = vector.shape_cast %get3A_1996 : vector<16xf32> to vector<16xf32>
        %mul3A_1998 = arith.constant 0.475020826 : f32
        %mul3A_1999 = vector.broadcast %mul3A_1998 : f32 to vector<16xf32>
        %mul3A_2000 = arith.mulf %mul3A_1999, %get3A_1997 : vector<16xf32>
        %mul3A_2001 = arith.constant 0.524979174 : f32
        %mul3A_2002 = vector.broadcast %mul3A_2001 : f32 to vector<16xf32>
        %mul3A_2003 = arith.mulf %mul3A_2002, %add3A_1990 : vector<16xf32>
        %add3A_2004 = arith.addf %mul3A_2000, %mul3A_2003 : vector<16xf32>
        %mul3A_2005 = arith.constant 768 : i32
        %mul3A_2006 = arith.muli %scan3A_34, %mul3A_2005 : i32
        %add3A_2007 = arith.constant 624 : i32
        %add3A_2008 = arith.addi %mul3A_2006, %add3A_2007 : i32
        %swap3A_2009 = arith.index_cast %add3A_2008 : i32 to index
        %swap3A_2010 = tpu.vector_load %arg11[%swap3A_2009] {strides = array<i32>} : memref<12288xf32, #tpu.memory_space<vmem>>, vector<16xf32>,
        %swap3A_2011 = vector.shape_cast %swap3A_2010 : vector<16xf32> to vector<16xf32>
        %swap3A_2012 = vector.shape_cast %add3A_2004 : vector<16xf32> to vector<16xf32>
        tpu.vector_store %arg11[%swap3A_2009], %swap3A_2012 {strides = array<i32>} : memref<12288xf32, #tpu.memory_space<vmem>>, vector<16xf32>,
        %mul3A_2013 = arith.constant 3 : i32
        %mul3A_2014 = arith.muli %mul3A_2013, %scan3A_34 : i32
        %get3A_2015 = arith.index_cast %mul3A_2014 : i32 to index
        %get3A_2016 = arith.constant 640 : index
        %get3A_2017 = tpu.vector_load %arg10[%get3A_2015, %get3A_2016] {strides = array<i32>} : memref<48x768xf32, #tpu.memory_space<vmem>>, vector<1x16xf32>,
        %get3A_2018 = vector.shape_cast %get3A_2017 : vector<1x16xf32> to vector<16xf32>
        %mul3A_2019 = arith.mulf %get3A_39, %get3A_2018 : vector<16xf32>
        %mul3A_2020 = arith.constant 3 : i32
        %mul3A_2021 = arith.muli %mul3A_2020, %scan3A_34 : i32
        %add3A_2022 = arith.constant 1 : i32
        %add3A_2023 = arith.addi %mul3A_2021, %add3A_2022 : i32
        %get3A_2024 = arith.index_cast %add3A_2023 : i32 to index
        %get3A_2025 = arith.constant 640 : index
        %get3A_2026 = tpu.vector_load %arg10[%get3A_2024, %get3A_2025] {strides = array<i32>} : memref<48x768xf32, #tpu.memory_space<vmem>>, vector<1x16xf32>,
        %get3A_2027 = vector.shape_cast %get3A_2026 : vector<1x16xf32> to vector<16xf32>
        %mul3A_2028 = arith.mulf %get3A_46, %get3A_2027 : vector<16xf32>
        %add3A_2029 = arith.addf %mul3A_2019, %mul3A_2028 : vector<16xf32>
        %mul3A_2030 = arith.constant 3 : i32
        %mul3A_2031 = arith.muli %mul3A_2030, %scan3A_34 : i32
        %add3A_2032 = arith.constant 2 : i32
        %add3A_2033 = arith.addi %mul3A_2031, %add3A_2032 : i32
        %get3A_2034 = arith.index_cast %add3A_2033 : i32 to index
        %get3A_2035 = arith.constant 640 : index
        %get3A_2036 = tpu.vector_load %arg10[%get3A_2034, %get3A_2035] {strides = array<i32>} : memref<48x768xf32, #tpu.memory_space<vmem>>, vector<1x16xf32>,
        %get3A_2037 = vector.shape_cast %get3A_2036 : vector<1x16xf32> to vector<16xf32>
        %mul3A_2038 = arith.mulf %get3A_53, %get3A_2037 : vector<16xf32>
        %add3A_2039 = arith.addf %add3A_2029, %mul3A_2038 : vector<16xf32>
        %mul3A_2040 = arith.constant 768 : i32
        %mul3A_2041 = arith.muli %scan3A_34, %mul3A_2040 : i32
        %add3A_2042 = arith.constant 640 : i32
        %add3A_2043 = arith.addi %mul3A_2041, %add3A_2042 : i32
        %get3A_2044 = arith.index_cast %add3A_2043 : i32 to index
        %get3A_2045 = tpu.vector_load %arg9[%get3A_2044] {strides = array<i32>} : memref<12288xf32, #tpu.memory_space<vmem>>, vector<16xf32>,
        %get3A_2046 = vector.shape_cast %get3A_2045 : vector<16xf32> to vector<16xf32>
        %mul3A_2047 = arith.constant 0.475020826 : f32
        %mul3A_2048 = vector.broadcast %mul3A_2047 : f32 to vector<16xf32>
        %mul3A_2049 = arith.mulf %mul3A_2048, %get3A_2046 : vector<16xf32>
        %mul3A_2050 = arith.constant 0.524979174 : f32
        %mul3A_2051 = vector.broadcast %mul3A_2050 : f32 to vector<16xf32>
        %mul3A_2052 = arith.mulf %mul3A_2051, %add3A_2039 : vector<16xf32>
        %add3A_2053 = arith.addf %mul3A_2049, %mul3A_2052 : vector<16xf32>
        %mul3A_2054 = arith.constant 768 : i32
        %mul3A_2055 = arith.muli %scan3A_34, %mul3A_2054 : i32
        %add3A_2056 = arith.constant 640 : i32
        %add3A_2057 = arith.addi %mul3A_2055, %add3A_2056 : i32
        %swap3A_2058 = arith.index_cast %add3A_2057 : i32 to index
        %swap3A_2059 = tpu.vector_load %arg11[%swap3A_2058] {strides = array<i32>} : memref<12288xf32, #tpu.memory_space<vmem>>, vector<16xf32>,
        %swap3A_2060 = vector.shape_cast %swap3A_2059 : vector<16xf32> to vector<16xf32>
        %swap3A_2061 = vector.shape_cast %add3A_2053 : vector<16xf32> to vector<16xf32>
        tpu.vector_store %arg11[%swap3A_2058], %swap3A_2061 {strides = array<i32>} : memref<12288xf32, #tpu.memory_space<vmem>>, vector<16xf32>,
        %mul3A_2062 = arith.constant 3 : i32
        %mul3A_2063 = arith.muli %mul3A_2062, %scan3A_34 : i32
        %get3A_2064 = arith.index_cast %mul3A_2063 : i32 to index
        %get3A_2065 = arith.constant 656 : index
        %get3A_2066 = tpu.vector_load %arg10[%get3A_2064, %get3A_2065] {strides = array<i32>} : memref<48x768xf32, #tpu.memory_space<vmem>>, vector<1x16xf32>,
        %get3A_2067 = vector.shape_cast %get3A_2066 : vector<1x16xf32> to vector<16xf32>
        %mul3A_2068 = arith.mulf %get3A_39, %get3A_2067 : vector<16xf32>
        %mul3A_2069 = arith.constant 3 : i32
        %mul3A_2070 = arith.muli %mul3A_2069, %scan3A_34 : i32
        %add3A_2071 = arith.constant 1 : i32
        %add3A_2072 = arith.addi %mul3A_2070, %add3A_2071 : i32
        %get3A_2073 = arith.index_cast %add3A_2072 : i32 to index
        %get3A_2074 = arith.constant 656 : index
        %get3A_2075 = tpu.vector_load %arg10[%get3A_2073, %get3A_2074] {strides = array<i32>} : memref<48x768xf32, #tpu.memory_space<vmem>>, vector<1x16xf32>,
        %get3A_2076 = vector.shape_cast %get3A_2075 : vector<1x16xf32> to vector<16xf32>
        %mul3A_2077 = arith.mulf %get3A_46, %get3A_2076 : vector<16xf32>
        %add3A_2078 = arith.addf %mul3A_2068, %mul3A_2077 : vector<16xf32>
        %mul3A_2079 = arith.constant 3 : i32
        %mul3A_2080 = arith.muli %mul3A_2079, %scan3A_34 : i32
        %add3A_2081 = arith.constant 2 : i32
        %add3A_2082 = arith.addi %mul3A_2080, %add3A_2081 : i32
        %get3A_2083 = arith.index_cast %add3A_2082 : i32 to index
        %get3A_2084 = arith.constant 656 : index
        %get3A_2085 = tpu.vector_load %arg10[%get3A_2083, %get3A_2084] {strides = array<i32>} : memref<48x768xf32, #tpu.memory_space<vmem>>, vector<1x16xf32>,
        %get3A_2086 = vector.shape_cast %get3A_2085 : vector<1x16xf32> to vector<16xf32>
        %mul3A_2087 = arith.mulf %get3A_53, %get3A_2086 : vector<16xf32>
        %add3A_2088 = arith.addf %add3A_2078, %mul3A_2087 : vector<16xf32>
        %mul3A_2089 = arith.constant 768 : i32
        %mul3A_2090 = arith.muli %scan3A_34, %mul3A_2089 : i32
        %add3A_2091 = arith.constant 656 : i32
        %add3A_2092 = arith.addi %mul3A_2090, %add3A_2091 : i32
        %get3A_2093 = arith.index_cast %add3A_2092 : i32 to index
        %get3A_2094 = tpu.vector_load %arg9[%get3A_2093] {strides = array<i32>} : memref<12288xf32, #tpu.memory_space<vmem>>, vector<16xf32>,
        %get3A_2095 = vector.shape_cast %get3A_2094 : vector<16xf32> to vector<16xf32>
        %mul3A_2096 = arith.constant 0.475020826 : f32
        %mul3A_2097 = vector.broadcast %mul3A_2096 : f32 to vector<16xf32>
        %mul3A_2098 = arith.mulf %mul3A_2097, %get3A_2095 : vector<16xf32>
        %mul3A_2099 = arith.constant 0.524979174 : f32
        %mul3A_2100 = vector.broadcast %mul3A_2099 : f32 to vector<16xf32>
        %mul3A_2101 = arith.mulf %mul3A_2100, %add3A_2088 : vector<16xf32>
        %add3A_2102 = arith.addf %mul3A_2098, %mul3A_2101 : vector<16xf32>
        %mul3A_2103 = arith.constant 768 : i32
        %mul3A_2104 = arith.muli %scan3A_34, %mul3A_2103 : i32
        %add3A_2105 = arith.constant 656 : i32
        %add3A_2106 = arith.addi %mul3A_2104, %add3A_2105 : i32
        %swap3A_2107 = arith.index_cast %add3A_2106 : i32 to index
        %swap3A_2108 = tpu.vector_load %arg11[%swap3A_2107] {strides = array<i32>} : memref<12288xf32, #tpu.memory_space<vmem>>, vector<16xf32>,
        %swap3A_2109 = vector.shape_cast %swap3A_2108 : vector<16xf32> to vector<16xf32>
        %swap3A_2110 = vector.shape_cast %add3A_2102 : vector<16xf32> to vector<16xf32>
        tpu.vector_store %arg11[%swap3A_2107], %swap3A_2110 {strides = array<i32>} : memref<12288xf32, #tpu.memory_space<vmem>>, vector<16xf32>,
        %mul3A_2111 = arith.constant 3 : i32
        %mul3A_2112 = arith.muli %mul3A_2111, %scan3A_34 : i32
        %get3A_2113 = arith.index_cast %mul3A_2112 : i32 to index
        %get3A_2114 = arith.constant 672 : index
        %get3A_2115 = tpu.vector_load %arg10[%get3A_2113, %get3A_2114] {strides = array<i32>} : memref<48x768xf32, #tpu.memory_space<vmem>>, vector<1x16xf32>,
        %get3A_2116 = vector.shape_cast %get3A_2115 : vector<1x16xf32> to vector<16xf32>
        %mul3A_2117 = arith.mulf %get3A_39, %get3A_2116 : vector<16xf32>
        %mul3A_2118 = arith.constant 3 : i32
        %mul3A_2119 = arith.muli %mul3A_2118, %scan3A_34 : i32
        %add3A_2120 = arith.constant 1 : i32
        %add3A_2121 = arith.addi %mul3A_2119, %add3A_2120 : i32
        %get3A_2122 = arith.index_cast %add3A_2121 : i32 to index
        %get3A_2123 = arith.constant 672 : index
        %get3A_2124 = tpu.vector_load %arg10[%get3A_2122, %get3A_2123] {strides = array<i32>} : memref<48x768xf32, #tpu.memory_space<vmem>>, vector<1x16xf32>,
        %get3A_2125 = vector.shape_cast %get3A_2124 : vector<1x16xf32> to vector<16xf32>
        %mul3A_2126 = arith.mulf %get3A_46, %get3A_2125 : vector<16xf32>
        %add3A_2127 = arith.addf %mul3A_2117, %mul3A_2126 : vector<16xf32>
        %mul3A_2128 = arith.constant 3 : i32
        %mul3A_2129 = arith.muli %mul3A_2128, %scan3A_34 : i32
        %add3A_2130 = arith.constant 2 : i32
        %add3A_2131 = arith.addi %mul3A_2129, %add3A_2130 : i32
        %get3A_2132 = arith.index_cast %add3A_2131 : i32 to index
        %get3A_2133 = arith.constant 672 : index
        %get3A_2134 = tpu.vector_load %arg10[%get3A_2132, %get3A_2133] {strides = array<i32>} : memref<48x768xf32, #tpu.memory_space<vmem>>, vector<1x16xf32>,
        %get3A_2135 = vector.shape_cast %get3A_2134 : vector<1x16xf32> to vector<16xf32>
        %mul3A_2136 = arith.mulf %get3A_53, %get3A_2135 : vector<16xf32>
        %add3A_2137 = arith.addf %add3A_2127, %mul3A_2136 : vector<16xf32>
        %mul3A_2138 = arith.constant 768 : i32
        %mul3A_2139 = arith.muli %scan3A_34, %mul3A_2138 : i32
        %add3A_2140 = arith.constant 672 : i32
        %add3A_2141 = arith.addi %mul3A_2139, %add3A_2140 : i32
        %get3A_2142 = arith.index_cast %add3A_2141 : i32 to index
        %get3A_2143 = tpu.vector_load %arg9[%get3A_2142] {strides = array<i32>} : memref<12288xf32, #tpu.memory_space<vmem>>, vector<16xf32>,
        %get3A_2144 = vector.shape_cast %get3A_2143 : vector<16xf32> to vector<16xf32>
        %mul3A_2145 = arith.constant 0.475020826 : f32
        %mul3A_2146 = vector.broadcast %mul3A_2145 : f32 to vector<16xf32>
        %mul3A_2147 = arith.mulf %mul3A_2146, %get3A_2144 : vector<16xf32>
        %mul3A_2148 = arith.constant 0.524979174 : f32
        %mul3A_2149 = vector.broadcast %mul3A_2148 : f32 to vector<16xf32>
        %mul3A_2150 = arith.mulf %mul3A_2149, %add3A_2137 : vector<16xf32>
        %add3A_2151 = arith.addf %mul3A_2147, %mul3A_2150 : vector<16xf32>
        %mul3A_2152 = arith.constant 768 : i32
        %mul3A_2153 = arith.muli %scan3A_34, %mul3A_2152 : i32
        %add3A_2154 = arith.constant 672 : i32
        %add3A_2155 = arith.addi %mul3A_2153, %add3A_2154 : i32
        %swap3A_2156 = arith.index_cast %add3A_2155 : i32 to index
        %swap3A_2157 = tpu.vector_load %arg11[%swap3A_2156] {strides = array<i32>} : memref<12288xf32, #tpu.memory_space<vmem>>, vector<16xf32>,
        %swap3A_2158 = vector.shape_cast %swap3A_2157 : vector<16xf32> to vector<16xf32>
        %swap3A_2159 = vector.shape_cast %add3A_2151 : vector<16xf32> to vector<16xf32>
        tpu.vector_store %arg11[%swap3A_2156], %swap3A_2159 {strides = array<i32>} : memref<12288xf32, #tpu.memory_space<vmem>>, vector<16xf32>,
        %mul3A_2160 = arith.constant 3 : i32
        %mul3A_2161 = arith.muli %mul3A_2160, %scan3A_34 : i32
        %get3A_2162 = arith.index_cast %mul3A_2161 : i32 to index
        %get3A_2163 = arith.constant 688 : index
        %get3A_2164 = tpu.vector_load %arg10[%get3A_2162, %get3A_2163] {strides = array<i32>} : memref<48x768xf32, #tpu.memory_space<vmem>>, vector<1x16xf32>,
        %get3A_2165 = vector.shape_cast %get3A_2164 : vector<1x16xf32> to vector<16xf32>
        %mul3A_2166 = arith.mulf %get3A_39, %get3A_2165 : vector<16xf32>
        %mul3A_2167 = arith.constant 3 : i32
        %mul3A_2168 = arith.muli %mul3A_2167, %scan3A_34 : i32
        %add3A_2169 = arith.constant 1 : i32
        %add3A_2170 = arith.addi %mul3A_2168, %add3A_2169 : i32
        %get3A_2171 = arith.index_cast %add3A_2170 : i32 to index
        %get3A_2172 = arith.constant 688 : index
        %get3A_2173 = tpu.vector_load %arg10[%get3A_2171, %get3A_2172] {strides = array<i32>} : memref<48x768xf32, #tpu.memory_space<vmem>>, vector<1x16xf32>,
        %get3A_2174 = vector.shape_cast %get3A_2173 : vector<1x16xf32> to vector<16xf32>
        %mul3A_2175 = arith.mulf %get3A_46, %get3A_2174 : vector<16xf32>
        %add3A_2176 = arith.addf %mul3A_2166, %mul3A_2175 : vector<16xf32>
        %mul3A_2177 = arith.constant 3 : i32
        %mul3A_2178 = arith.muli %mul3A_2177, %scan3A_34 : i32
        %add3A_2179 = arith.constant 2 : i32
        %add3A_2180 = arith.addi %mul3A_2178, %add3A_2179 : i32
        %get3A_2181 = arith.index_cast %add3A_2180 : i32 to index
        %get3A_2182 = arith.constant 688 : index
        %get3A_2183 = tpu.vector_load %arg10[%get3A_2181, %get3A_2182] {strides = array<i32>} : memref<48x768xf32, #tpu.memory_space<vmem>>, vector<1x16xf32>,
        %get3A_2184 = vector.shape_cast %get3A_2183 : vector<1x16xf32> to vector<16xf32>
        %mul3A_2185 = arith.mulf %get3A_53, %get3A_2184 : vector<16xf32>
        %add3A_2186 = arith.addf %add3A_2176, %mul3A_2185 : vector<16xf32>
        %mul3A_2187 = arith.constant 768 : i32
        %mul3A_2188 = arith.muli %scan3A_34, %mul3A_2187 : i32
        %add3A_2189 = arith.constant 688 : i32
        %add3A_2190 = arith.addi %mul3A_2188, %add3A_2189 : i32
        %get3A_2191 = arith.index_cast %add3A_2190 : i32 to index
        %get3A_2192 = tpu.vector_load %arg9[%get3A_2191] {strides = array<i32>} : memref<12288xf32, #tpu.memory_space<vmem>>, vector<16xf32>,
        %get3A_2193 = vector.shape_cast %get3A_2192 : vector<16xf32> to vector<16xf32>
        %mul3A_2194 = arith.constant 0.475020826 : f32
        %mul3A_2195 = vector.broadcast %mul3A_2194 : f32 to vector<16xf32>
        %mul3A_2196 = arith.mulf %mul3A_2195, %get3A_2193 : vector<16xf32>
        %mul3A_2197 = arith.constant 0.524979174 : f32
        %mul3A_2198 = vector.broadcast %mul3A_2197 : f32 to vector<16xf32>
        %mul3A_2199 = arith.mulf %mul3A_2198, %add3A_2186 : vector<16xf32>
        %add3A_2200 = arith.addf %mul3A_2196, %mul3A_2199 : vector<16xf32>
        %mul3A_2201 = arith.constant 768 : i32
        %mul3A_2202 = arith.muli %scan3A_34, %mul3A_2201 : i32
        %add3A_2203 = arith.constant 688 : i32
        %add3A_2204 = arith.addi %mul3A_2202, %add3A_2203 : i32
        %swap3A_2205 = arith.index_cast %add3A_2204 : i32 to index
        %swap3A_2206 = tpu.vector_load %arg11[%swap3A_2205] {strides = array<i32>} : memref<12288xf32, #tpu.memory_space<vmem>>, vector<16xf32>,
        %swap3A_2207 = vector.shape_cast %swap3A_2206 : vector<16xf32> to vector<16xf32>
        %swap3A_2208 = vector.shape_cast %add3A_2200 : vector<16xf32> to vector<16xf32>
        tpu.vector_store %arg11[%swap3A_2205], %swap3A_2208 {strides = array<i32>} : memref<12288xf32, #tpu.memory_space<vmem>>, vector<16xf32>,
        %mul3A_2209 = arith.constant 3 : i32
        %mul3A_2210 = arith.muli %mul3A_2209, %scan3A_34 : i32
        %get3A_2211 = arith.index_cast %mul3A_2210 : i32 to index
        %get3A_2212 = arith.constant 704 : index
        %get3A_2213 = tpu.vector_load %arg10[%get3A_2211, %get3A_2212] {strides = array<i32>} : memref<48x768xf32, #tpu.memory_space<vmem>>, vector<1x16xf32>,
        %get3A_2214 = vector.shape_cast %get3A_2213 : vector<1x16xf32> to vector<16xf32>
        %mul3A_2215 = arith.mulf %get3A_39, %get3A_2214 : vector<16xf32>
        %mul3A_2216 = arith.constant 3 : i32
        %mul3A_2217 = arith.muli %mul3A_2216, %scan3A_34 : i32
        %add3A_2218 = arith.constant 1 : i32
        %add3A_2219 = arith.addi %mul3A_2217, %add3A_2218 : i32
        %get3A_2220 = arith.index_cast %add3A_2219 : i32 to index
        %get3A_2221 = arith.constant 704 : index
        %get3A_2222 = tpu.vector_load %arg10[%get3A_2220, %get3A_2221] {strides = array<i32>} : memref<48x768xf32, #tpu.memory_space<vmem>>, vector<1x16xf32>,
        %get3A_2223 = vector.shape_cast %get3A_2222 : vector<1x16xf32> to vector<16xf32>
        %mul3A_2224 = arith.mulf %get3A_46, %get3A_2223 : vector<16xf32>
        %add3A_2225 = arith.addf %mul3A_2215, %mul3A_2224 : vector<16xf32>
        %mul3A_2226 = arith.constant 3 : i32
        %mul3A_2227 = arith.muli %mul3A_2226, %scan3A_34 : i32
        %add3A_2228 = arith.constant 2 : i32
        %add3A_2229 = arith.addi %mul3A_2227, %add3A_2228 : i32
        %get3A_2230 = arith.index_cast %add3A_2229 : i32 to index
        %get3A_2231 = arith.constant 704 : index
        %get3A_2232 = tpu.vector_load %arg10[%get3A_2230, %get3A_2231] {strides = array<i32>} : memref<48x768xf32, #tpu.memory_space<vmem>>, vector<1x16xf32>,
        %get3A_2233 = vector.shape_cast %get3A_2232 : vector<1x16xf32> to vector<16xf32>
        %mul3A_2234 = arith.mulf %get3A_53, %get3A_2233 : vector<16xf32>
        %add3A_2235 = arith.addf %add3A_2225, %mul3A_2234 : vector<16xf32>
        %mul3A_2236 = arith.constant 768 : i32
        %mul3A_2237 = arith.muli %scan3A_34, %mul3A_2236 : i32
        %add3A_2238 = arith.constant 704 : i32
        %add3A_2239 = arith.addi %mul3A_2237, %add3A_2238 : i32
        %get3A_2240 = arith.index_cast %add3A_2239 : i32 to index
        %get3A_2241 = tpu.vector_load %arg9[%get3A_2240] {strides = array<i32>} : memref<12288xf32, #tpu.memory_space<vmem>>, vector<16xf32>,
        %get3A_2242 = vector.shape_cast %get3A_2241 : vector<16xf32> to vector<16xf32>
        %mul3A_2243 = arith.constant 0.475020826 : f32
        %mul3A_2244 = vector.broadcast %mul3A_2243 : f32 to vector<16xf32>
        %mul3A_2245 = arith.mulf %mul3A_2244, %get3A_2242 : vector<16xf32>
        %mul3A_2246 = arith.constant 0.524979174 : f32
        %mul3A_2247 = vector.broadcast %mul3A_2246 : f32 to vector<16xf32>
        %mul3A_2248 = arith.mulf %mul3A_2247, %add3A_2235 : vector<16xf32>
        %add3A_2249 = arith.addf %mul3A_2245, %mul3A_2248 : vector<16xf32>
        %mul3A_2250 = arith.constant 768 : i32
        %mul3A_2251 = arith.muli %scan3A_34, %mul3A_2250 : i32
        %add3A_2252 = arith.constant 704 : i32
        %add3A_2253 = arith.addi %mul3A_2251, %add3A_2252 : i32
        %swap3A_2254 = arith.index_cast %add3A_2253 : i32 to index
        %swap3A_2255 = tpu.vector_load %arg11[%swap3A_2254] {strides = array<i32>} : memref<12288xf32, #tpu.memory_space<vmem>>, vector<16xf32>,
        %swap3A_2256 = vector.shape_cast %swap3A_2255 : vector<16xf32> to vector<16xf32>
        %swap3A_2257 = vector.shape_cast %add3A_2249 : vector<16xf32> to vector<16xf32>
        tpu.vector_store %arg11[%swap3A_2254], %swap3A_2257 {strides = array<i32>} : memref<12288xf32, #tpu.memory_space<vmem>>, vector<16xf32>,
        %mul3A_2258 = arith.constant 3 : i32
        %mul3A_2259 = arith.muli %mul3A_2258, %scan3A_34 : i32
        %get3A_2260 = arith.index_cast %mul3A_2259 : i32 to index
        %get3A_2261 = arith.constant 720 : index
        %get3A_2262 = tpu.vector_load %arg10[%get3A_2260, %get3A_2261] {strides = array<i32>} : memref<48x768xf32, #tpu.memory_space<vmem>>, vector<1x16xf32>,
        %get3A_2263 = vector.shape_cast %get3A_2262 : vector<1x16xf32> to vector<16xf32>
        %mul3A_2264 = arith.mulf %get3A_39, %get3A_2263 : vector<16xf32>
        %mul3A_2265 = arith.constant 3 : i32
        %mul3A_2266 = arith.muli %mul3A_2265, %scan3A_34 : i32
        %add3A_2267 = arith.constant 1 : i32
        %add3A_2268 = arith.addi %mul3A_2266, %add3A_2267 : i32
        %get3A_2269 = arith.index_cast %add3A_2268 : i32 to index
        %get3A_2270 = arith.constant 720 : index
        %get3A_2271 = tpu.vector_load %arg10[%get3A_2269, %get3A_2270] {strides = array<i32>} : memref<48x768xf32, #tpu.memory_space<vmem>>, vector<1x16xf32>,
        %get3A_2272 = vector.shape_cast %get3A_2271 : vector<1x16xf32> to vector<16xf32>
        %mul3A_2273 = arith.mulf %get3A_46, %get3A_2272 : vector<16xf32>
        %add3A_2274 = arith.addf %mul3A_2264, %mul3A_2273 : vector<16xf32>
        %mul3A_2275 = arith.constant 3 : i32
        %mul3A_2276 = arith.muli %mul3A_2275, %scan3A_34 : i32
        %add3A_2277 = arith.constant 2 : i32
        %add3A_2278 = arith.addi %mul3A_2276, %add3A_2277 : i32
        %get3A_2279 = arith.index_cast %add3A_2278 : i32 to index
        %get3A_2280 = arith.constant 720 : index
        %get3A_2281 = tpu.vector_load %arg10[%get3A_2279, %get3A_2280] {strides = array<i32>} : memref<48x768xf32, #tpu.memory_space<vmem>>, vector<1x16xf32>,
        %get3A_2282 = vector.shape_cast %get3A_2281 : vector<1x16xf32> to vector<16xf32>
        %mul3A_2283 = arith.mulf %get3A_53, %get3A_2282 : vector<16xf32>
        %add3A_2284 = arith.addf %add3A_2274, %mul3A_2283 : vector<16xf32>
        %mul3A_2285 = arith.constant 768 : i32
        %mul3A_2286 = arith.muli %scan3A_34, %mul3A_2285 : i32
        %add3A_2287 = arith.constant 720 : i32
        %add3A_2288 = arith.addi %mul3A_2286, %add3A_2287 : i32
        %get3A_2289 = arith.index_cast %add3A_2288 : i32 to index
        %get3A_2290 = tpu.vector_load %arg9[%get3A_2289] {strides = array<i32>} : memref<12288xf32, #tpu.memory_space<vmem>>, vector<16xf32>,
        %get3A_2291 = vector.shape_cast %get3A_2290 : vector<16xf32> to vector<16xf32>
        %mul3A_2292 = arith.constant 0.475020826 : f32
        %mul3A_2293 = vector.broadcast %mul3A_2292 : f32 to vector<16xf32>
        %mul3A_2294 = arith.mulf %mul3A_2293, %get3A_2291 : vector<16xf32>
        %mul3A_2295 = arith.constant 0.524979174 : f32
        %mul3A_2296 = vector.broadcast %mul3A_2295 : f32 to vector<16xf32>
        %mul3A_2297 = arith.mulf %mul3A_2296, %add3A_2284 : vector<16xf32>
        %add3A_2298 = arith.addf %mul3A_2294, %mul3A_2297 : vector<16xf32>
        %mul3A_2299 = arith.constant 768 : i32
        %mul3A_2300 = arith.muli %scan3A_34, %mul3A_2299 : i32
        %add3A_2301 = arith.constant 720 : i32
        %add3A_2302 = arith.addi %mul3A_2300, %add3A_2301 : i32
        %swap3A_2303 = arith.index_cast %add3A_2302 : i32 to index
        %swap3A_2304 = tpu.vector_load %arg11[%swap3A_2303] {strides = array<i32>} : memref<12288xf32, #tpu.memory_space<vmem>>, vector<16xf32>,
        %swap3A_2305 = vector.shape_cast %swap3A_2304 : vector<16xf32> to vector<16xf32>
        %swap3A_2306 = vector.shape_cast %add3A_2298 : vector<16xf32> to vector<16xf32>
        tpu.vector_store %arg11[%swap3A_2303], %swap3A_2306 {strides = array<i32>} : memref<12288xf32, #tpu.memory_space<vmem>>, vector<16xf32>,
        %mul3A_2307 = arith.constant 3 : i32
        %mul3A_2308 = arith.muli %mul3A_2307, %scan3A_34 : i32
        %get3A_2309 = arith.index_cast %mul3A_2308 : i32 to index
        %get3A_2310 = arith.constant 736 : index
        %get3A_2311 = tpu.vector_load %arg10[%get3A_2309, %get3A_2310] {strides = array<i32>} : memref<48x768xf32, #tpu.memory_space<vmem>>, vector<1x16xf32>,
        %get3A_2312 = vector.shape_cast %get3A_2311 : vector<1x16xf32> to vector<16xf32>
        %mul3A_2313 = arith.mulf %get3A_39, %get3A_2312 : vector<16xf32>
        %mul3A_2314 = arith.constant 3 : i32
        %mul3A_2315 = arith.muli %mul3A_2314, %scan3A_34 : i32
        %add3A_2316 = arith.constant 1 : i32
        %add3A_2317 = arith.addi %mul3A_2315, %add3A_2316 : i32
        %get3A_2318 = arith.index_cast %add3A_2317 : i32 to index
        %get3A_2319 = arith.constant 736 : index
        %get3A_2320 = tpu.vector_load %arg10[%get3A_2318, %get3A_2319] {strides = array<i32>} : memref<48x768xf32, #tpu.memory_space<vmem>>, vector<1x16xf32>,
        %get3A_2321 = vector.shape_cast %get3A_2320 : vector<1x16xf32> to vector<16xf32>
        %mul3A_2322 = arith.mulf %get3A_46, %get3A_2321 : vector<16xf32>
        %add3A_2323 = arith.addf %mul3A_2313, %mul3A_2322 : vector<16xf32>
        %mul3A_2324 = arith.constant 3 : i32
        %mul3A_2325 = arith.muli %mul3A_2324, %scan3A_34 : i32
        %add3A_2326 = arith.constant 2 : i32
        %add3A_2327 = arith.addi %mul3A_2325, %add3A_2326 : i32
        %get3A_2328 = arith.index_cast %add3A_2327 : i32 to index
        %get3A_2329 = arith.constant 736 : index
        %get3A_2330 = tpu.vector_load %arg10[%get3A_2328, %get3A_2329] {strides = array<i32>} : memref<48x768xf32, #tpu.memory_space<vmem>>, vector<1x16xf32>,
        %get3A_2331 = vector.shape_cast %get3A_2330 : vector<1x16xf32> to vector<16xf32>
        %mul3A_2332 = arith.mulf %get3A_53, %get3A_2331 : vector<16xf32>
        %add3A_2333 = arith.addf %add3A_2323, %mul3A_2332 : vector<16xf32>
        %mul3A_2334 = arith.constant 768 : i32
        %mul3A_2335 = arith.muli %scan3A_34, %mul3A_2334 : i32
        %add3A_2336 = arith.constant 736 : i32
        %add3A_2337 = arith.addi %mul3A_2335, %add3A_2336 : i32
        %get3A_2338 = arith.index_cast %add3A_2337 : i32 to index
        %get3A_2339 = tpu.vector_load %arg9[%get3A_2338] {strides = array<i32>} : memref<12288xf32, #tpu.memory_space<vmem>>, vector<16xf32>,
        %get3A_2340 = vector.shape_cast %get3A_2339 : vector<16xf32> to vector<16xf32>
        %mul3A_2341 = arith.constant 0.475020826 : f32
        %mul3A_2342 = vector.broadcast %mul3A_2341 : f32 to vector<16xf32>
        %mul3A_2343 = arith.mulf %mul3A_2342, %get3A_2340 : vector<16xf32>
        %mul3A_2344 = arith.constant 0.524979174 : f32
        %mul3A_2345 = vector.broadcast %mul3A_2344 : f32 to vector<16xf32>
        %mul3A_2346 = arith.mulf %mul3A_2345, %add3A_2333 : vector<16xf32>
        %add3A_2347 = arith.addf %mul3A_2343, %mul3A_2346 : vector<16xf32>
        %mul3A_2348 = arith.constant 768 : i32
        %mul3A_2349 = arith.muli %scan3A_34, %mul3A_2348 : i32
        %add3A_2350 = arith.constant 736 : i32
        %add3A_2351 = arith.addi %mul3A_2349, %add3A_2350 : i32
        %swap3A_2352 = arith.index_cast %add3A_2351 : i32 to index
        %swap3A_2353 = tpu.vector_load %arg11[%swap3A_2352] {strides = array<i32>} : memref<12288xf32, #tpu.memory_space<vmem>>, vector<16xf32>,
        %swap3A_2354 = vector.shape_cast %swap3A_2353 : vector<16xf32> to vector<16xf32>
        %swap3A_2355 = vector.shape_cast %add3A_2347 : vector<16xf32> to vector<16xf32>
        tpu.vector_store %arg11[%swap3A_2352], %swap3A_2355 {strides = array<i32>} : memref<12288xf32, #tpu.memory_space<vmem>>, vector<16xf32>,
        %mul3A_2356 = arith.constant 3 : i32
        %mul3A_2357 = arith.muli %mul3A_2356, %scan3A_34 : i32
        %get3A_2358 = arith.index_cast %mul3A_2357 : i32 to index
        %get3A_2359 = arith.constant 752 : index
        %get3A_2360 = tpu.vector_load %arg10[%get3A_2358, %get3A_2359] {strides = array<i32>} : memref<48x768xf32, #tpu.memory_space<vmem>>, vector<1x16xf32>,
        %get3A_2361 = vector.shape_cast %get3A_2360 : vector<1x16xf32> to vector<16xf32>
        %mul3A_2362 = arith.mulf %get3A_39, %get3A_2361 : vector<16xf32>
        %mul3A_2363 = arith.constant 3 : i32
        %mul3A_2364 = arith.muli %mul3A_2363, %scan3A_34 : i32
        %add3A_2365 = arith.constant 1 : i32
        %add3A_2366 = arith.addi %mul3A_2364, %add3A_2365 : i32
        %get3A_2367 = arith.index_cast %add3A_2366 : i32 to index
        %get3A_2368 = arith.constant 752 : index
        %get3A_2369 = tpu.vector_load %arg10[%get3A_2367, %get3A_2368] {strides = array<i32>} : memref<48x768xf32, #tpu.memory_space<vmem>>, vector<1x16xf32>,
        %get3A_2370 = vector.shape_cast %get3A_2369 : vector<1x16xf32> to vector<16xf32>
        %mul3A_2371 = arith.mulf %get3A_46, %get3A_2370 : vector<16xf32>
        %add3A_2372 = arith.addf %mul3A_2362, %mul3A_2371 : vector<16xf32>
        %mul3A_2373 = arith.constant 3 : i32
        %mul3A_2374 = arith.muli %mul3A_2373, %scan3A_34 : i32
        %add3A_2375 = arith.constant 2 : i32
        %add3A_2376 = arith.addi %mul3A_2374, %add3A_2375 : i32
        %get3A_2377 = arith.index_cast %add3A_2376 : i32 to index
        %get3A_2378 = arith.constant 752 : index
        %get3A_2379 = tpu.vector_load %arg10[%get3A_2377, %get3A_2378] {strides = array<i32>} : memref<48x768xf32, #tpu.memory_space<vmem>>, vector<1x16xf32>,
        %get3A_2380 = vector.shape_cast %get3A_2379 : vector<1x16xf32> to vector<16xf32>
        %mul3A_2381 = arith.mulf %get3A_53, %get3A_2380 : vector<16xf32>
        %add3A_2382 = arith.addf %add3A_2372, %mul3A_2381 : vector<16xf32>
        %mul3A_2383 = arith.constant 768 : i32
        %mul3A_2384 = arith.muli %scan3A_34, %mul3A_2383 : i32
        %add3A_2385 = arith.constant 752 : i32
        %add3A_2386 = arith.addi %mul3A_2384, %add3A_2385 : i32
        %get3A_2387 = arith.index_cast %add3A_2386 : i32 to index
        %get3A_2388 = tpu.vector_load %arg9[%get3A_2387] {strides = array<i32>} : memref<12288xf32, #tpu.memory_space<vmem>>, vector<16xf32>,
        %get3A_2389 = vector.shape_cast %get3A_2388 : vector<16xf32> to vector<16xf32>
        %mul3A_2390 = arith.constant 0.475020826 : f32
        %mul3A_2391 = vector.broadcast %mul3A_2390 : f32 to vector<16xf32>
        %mul3A_2392 = arith.mulf %mul3A_2391, %get3A_2389 : vector<16xf32>
        %mul3A_2393 = arith.constant 0.524979174 : f32
        %mul3A_2394 = vector.broadcast %mul3A_2393 : f32 to vector<16xf32>
        %mul3A_2395 = arith.mulf %mul3A_2394, %add3A_2382 : vector<16xf32>
        %add3A_2396 = arith.addf %mul3A_2392, %mul3A_2395 : vector<16xf32>
        %mul3A_2397 = arith.constant 768 : i32
        %mul3A_2398 = arith.muli %scan3A_34, %mul3A_2397 : i32
        %add3A_2399 = arith.constant 752 : i32
        %add3A_2400 = arith.addi %mul3A_2398, %add3A_2399 : i32
        %swap3A_2401 = arith.index_cast %add3A_2400 : i32 to index
        %swap3A_2402 = tpu.vector_load %arg11[%swap3A_2401] {strides = array<i32>} : memref<12288xf32, #tpu.memory_space<vmem>>, vector<16xf32>,
        %swap3A_2403 = vector.shape_cast %swap3A_2402 : vector<16xf32> to vector<16xf32>
        %swap3A_2404 = vector.shape_cast %add3A_2396 : vector<16xf32> to vector<16xf32>
        tpu.vector_store %arg11[%swap3A_2401], %swap3A_2404 {strides = array<i32>} : memref<12288xf32, #tpu.memory_space<vmem>>, vector<16xf32>,
        %scan3A_2405 = arith.constant 0 : i32
        scf.yield %scan3A_2405 : i32
      }
      %scan3A_30 = arith.constant 16 : i32
      %mul3A_31 = arith.constant 768 : i32
      %mul3A_32 = arith.muli %add3A_13, %mul3A_31 : i32
      "tpu.region"() ({
        %run_scoped3A = tpu.sem_alloc : memref<!tpu.dma_semaphore, #tpu.memory_space<semaphore_mem>>
        %dma_start3A_34 = tpu.memref_slice %arg6[%mul3A_32] : memref<6291456xf32, #tpu.memory_space<hbm>> -> memref<12288xf32, #tpu.memory_space<hbm>>
        %dma_start3A_35 = tpu.memref_slice %arg6[%mul3A_32] : memref<6291456xf32, #tpu.memory_space<hbm>> -> memref<12288xf32, #tpu.memory_space<hbm>>
        tpu.enqueue_dma source(%arg11 : memref<12288xf32, #tpu.memory_space<vmem>>) target(%dma_start3A_35 : memref<12288xf32, #tpu.memory_space<hbm>>) target_semaphore(%run_scoped3A : memref<!tpu.dma_semaphore, #tpu.memory_space<semaphore_mem>>)
        %dma_wait3A_36 = tpu.memref_slice %arg6[%mul3A_32] : memref<6291456xf32, #tpu.memory_space<hbm>> -> memref<12288xf32, #tpu.memory_space<hbm>>
        %dma_wait3A_37 = tpu.memref_slice %arg6[%mul3A_32] : memref<6291456xf32, #tpu.memory_space<hbm>> -> memref<12288xf32, #tpu.memory_space<hbm>>
        tpu.wait_dma2 semaphore(%run_scoped3A : memref<!tpu.dma_semaphore, #tpu.memory_space<semaphore_mem>>) src(%arg11 : memref<12288xf32, #tpu.memory_space<vmem>>) dst(%dma_wait3A_37 : memref<12288xf32, #tpu.memory_space<hbm>>)
        tpu.yield
      }) : () -> ()
      %scan3A_33 = arith.constant 0 : i32
      scf.yield %scan3A_33 : i32
    }
    %scan3A_8 = arith.constant 16 : i32
    return
  }
}

module attributes {stable_mosaic.version = 14 : i64} {
  func.func @_tc_body(%arg0: i32, %arg1: memref<512x768xf32, #tpu.memory_space<vmem>>, %arg2: memref<1024x768xf32, #tpu.memory_space<vmem>>, %arg3: memref<1x1024xf32, #tpu.memory_space<vmem>>, %arg4: memref<768x768xf32, #tpu.memory_space<vmem>>, %arg5: memref<1x768xf32, #tpu.memory_space<vmem>>, %arg6: memref<512x3xi32, #tpu.memory_space<vmem>>, %arg7: memref<512x48xf32, #tpu.memory_space<vmem>>, %arg8: memref<2x1024xf32, #tpu.memory_space<vmem>>) attributes {dimension_semantics = [#tpu.dimension_semantics<arbitrary>], iteration_bounds = array<i64: 16>, scalar_prefetch = 0 : i64, scratch_operands = 1 : i64, tpu.core_type = #tpu.core_type<tc>, window_params = [{transform_indices = @transform_0, window_bounds = array<i64: 512, 768>}, {pipeline_mode = #tpu.pipeline_mode<synchronous>, transform_indices = @transform_1, window_bounds = array<i64: 1024, 768>}, {pipeline_mode = #tpu.pipeline_mode<synchronous>, transform_indices = @transform_2, window_bounds = array<i64: 1, 1024>}, {pipeline_mode = #tpu.pipeline_mode<synchronous>, transform_indices = @transform_3, window_bounds = array<i64: 768, 768>}, {pipeline_mode = #tpu.pipeline_mode<synchronous>, transform_indices = @transform_4, window_bounds = array<i64: 1, 768>}, {transform_indices = @transform_5, window_bounds = array<i64: 512, 3>}, {transform_indices = @transform_6, window_bounds = array<i64: 512, 48>}]} {
    %eq3A = arith.constant 0 : i32
    %eq3A_0 = arith.cmpi eq, %arg0, %eq3A : i32
    %convert_element_type3A = arith.extui %eq3A_0 : i1 to i32
    %cond3A = arith.constant 0 : i32
    %cond3A_1 = arith.cmpi ne, %convert_element_type3A, %cond3A : i32
    scf.if %cond3A_1 {
      %get3A_123 = arith.constant 0 : index
      %get3A_124 = arith.constant 0 : index
      %get3A_125 = vector.load %arg3[%get3A_123, %get3A_124] : memref<1x1024xf32, #tpu.memory_space<vmem>>, vector<1x1024xf32>
      %custom_jvp_call3A = arith.constant 0.000000e+00 : f32
      %max3A_126 = vector.broadcast %custom_jvp_call3A : f32 to vector<1x1024xf32>
      %max3A_127 = arith.maximumf %get3A_125, %max3A_126 : vector<1x1024xf32>
      %sub3A_128 = vector.broadcast %custom_jvp_call3A : f32 to vector<1x1024xf32>
      %sub3A_129 = arith.subf %get3A_125, %sub3A_128 : vector<1x1024xf32>
      %ne3A = arith.cmpf one, %sub3A_129, %sub3A_129 : vector<1x1024xf32>
      %add3A_130 = vector.broadcast %custom_jvp_call3A : f32 to vector<1x1024xf32>
      %add3A_131 = arith.addf %get3A_125, %add3A_130 : vector<1x1024xf32>
      %abs3A = math.absf %sub3A_129 : vector<1x1024xf32>
      %neg3A_132 = arith.constant 0.000000e+00 : f32
      %neg3A_133 = vector.broadcast %neg3A_132 : f32 to vector<1x1024xf32>
      %neg3A_134 = arith.subf %neg3A_133, %abs3A : vector<1x1024xf32>
      %exp3A_135 = math.exp %neg3A_134 : vector<1x1024xf32>
      %log1p3A = math.log1p %exp3A_135 : vector<1x1024xf32>
      %add3A_136 = arith.addf %max3A_127, %log1p3A : vector<1x1024xf32>
      %select_n3A_137 = arith.select %ne3A, %add3A_131, %add3A_136 : vector<1x1024xi1>, vector<1x1024xf32>
      %add3A_138 = arith.constant 1.000000e-01 : f32
      %add3A_139 = vector.broadcast %add3A_138 : f32 to vector<1x1024xf32>
      %add3A_140 = arith.addf %select_n3A_137, %add3A_139 : vector<1x1024xf32>
      %get3A_141 = arith.constant 0 : index
      %get3A_142 = arith.constant 0 : index
      %get3A_143 = vector.load %arg2[%get3A_141, %get3A_142] : memref<1024x768xf32, #tpu.memory_space<vmem>>, vector<1024x768xf32>
      %mul3A_144 = arith.mulf %add3A_140, %add3A_140 : vector<1x1024xf32>
      %div3A_145 = arith.constant 1.000000e+00 : f32
      %div3A_146 = vector.broadcast %div3A_145 : f32 to vector<1x1024xf32>
      %div3A_147 = arith.divf %div3A_146, %mul3A_144 : vector<1x1024xf32>
      %swap3A_148 = arith.constant 0 : index
      %swap3A_149 = arith.constant 0 : index
      %swap3A_150 = vector.load %arg8[%swap3A_148, %swap3A_149] : memref<2x1024xf32, #tpu.memory_space<vmem>>, vector<1x1024xf32>
      tpu.vector_store %arg8[%swap3A_148, %swap3A_149], %div3A_147 {strides = array<i32>} : memref<2x1024xf32, #tpu.memory_space<vmem>>, vector<1x1024xf32>,
      %mul3A_151 = arith.mulf %get3A_143, %get3A_143 : vector<1024x768xf32>
      %reduce_sum3A_152 = arith.constant dense<0.000000e+00> : vector<1024xf32>
      %reduce_sum3A_153 = vector.multi_reduction <add>, %mul3A_151, %reduce_sum3A_152 [1] : vector<1024x768xf32> to vector<1024xf32>
      %broadcast_in_dim3A_154 = vector.shape_cast %reduce_sum3A_153 : vector<1024xf32> to vector<1x1024xf32>
      %swap3A_155 = arith.constant 1 : index
      %swap3A_156 = arith.constant 0 : index
      %swap3A_157 = vector.load %arg8[%swap3A_155, %swap3A_156] : memref<2x1024xf32, #tpu.memory_space<vmem>>, vector<1x1024xf32>
      tpu.vector_store %arg8[%swap3A_155, %swap3A_156], %broadcast_in_dim3A_154 {strides = array<i32>} : memref<2x1024xf32, #tpu.memory_space<vmem>>, vector<1x1024xf32>,
    } else {
    }
    %get3A = arith.constant 0 : index
    %get3A_2 = arith.constant 0 : index
    %get3A_3 = vector.load %arg1[%get3A, %get3A_2] : memref<512x768xf32, #tpu.memory_space<vmem>>, vector<512x768xf32>
    %get3A_4 = arith.constant 0 : index
    %get3A_5 = arith.constant 0 : index
    %get3A_6 = vector.load %arg4[%get3A_4, %get3A_5] : memref<768x768xf32, #tpu.memory_space<vmem>>, vector<768x768xf32>
    %dot_general3A = arith.constant dense<0.000000e+00> : vector<512x768xf32>
    %dot_general3A_7 = tpu.matmul %get3A_3, %get3A_6, %dot_general3A {dimension_numbers = #tpu.dot_dimension_numbers<[1], [1], [0], [0], [0, 0, 1, 0], [], []>, transpose_lhs_hint = false} : vector<512x768xf32>, vector<768x768xf32>, vector<512x768xf32> -> vector<512x768xf32>
    %get3A_8 = arith.constant 0 : index
    %get3A_9 = arith.constant 0 : index
    %get3A_10 = vector.load %arg5[%get3A_8, %get3A_9] : memref<1x768xf32, #tpu.memory_space<vmem>>, vector<1x768xf32>
    %add3A = vector.broadcast %get3A_10 : vector<1x768xf32> to vector<512x768xf32>
    %add3A_11 = arith.addf %dot_general3A_7, %add3A : vector<512x768xf32>
    %get3A_12 = arith.constant 0 : index
    %get3A_13 = arith.constant 0 : index
    %get3A_14 = vector.load %arg2[%get3A_12, %get3A_13] : memref<1024x768xf32, #tpu.memory_space<vmem>>, vector<1024x768xf32>
    %dot_general3A_15 = arith.constant dense<0.000000e+00> : vector<512x1024xf32>
    %dot_general3A_16 = tpu.matmul %add3A_11, %get3A_14, %dot_general3A_15 {dimension_numbers = #tpu.dot_dimension_numbers<[1], [1], [0], [0], [0, 0, 1, 0], [], []>, transpose_lhs_hint = false} : vector<512x768xf32>, vector<1024x768xf32>, vector<512x1024xf32> -> vector<512x1024xf32>
    %mul3A = arith.mulf %add3A_11, %add3A_11 : vector<512x768xf32>
    %reduce_sum3A = arith.constant dense<0.000000e+00> : vector<512xf32>
    %reduce_sum3A_17 = vector.multi_reduction <add>, %mul3A, %reduce_sum3A [1] : vector<512x768xf32> to vector<512xf32>
    %broadcast_in_dim3A = vector.shape_cast %reduce_sum3A_17 : vector<512xf32> to vector<512x1xf32>
    %get3A_18 = arith.constant 0 : index
    %get3A_19 = arith.constant 0 : index
    %get3A_20 = vector.load %arg8[%get3A_18, %get3A_19] : memref<2x1024xf32, #tpu.memory_space<vmem>>, vector<1x1024xf32>
    %get3A_21 = arith.constant 1 : index
    %get3A_22 = arith.constant 0 : index
    %get3A_23 = vector.load %arg8[%get3A_21, %get3A_22] : memref<2x1024xf32, #tpu.memory_space<vmem>>, vector<1x1024xf32>
    %add3A_24 = vector.broadcast %broadcast_in_dim3A : vector<512x1xf32> to vector<512x1024xf32>
    %add3A_25 = vector.broadcast %get3A_23 : vector<1x1024xf32> to vector<512x1024xf32>
    %add3A_26 = arith.addf %add3A_24, %add3A_25 : vector<512x1024xf32>
    %mul3A_27 = arith.constant 2.000000e+00 : f32
    %mul3A_28 = vector.broadcast %mul3A_27 : f32 to vector<512x1024xf32>
    %mul3A_29 = arith.mulf %mul3A_28, %dot_general3A_16 : vector<512x1024xf32>
    %sub3A = arith.subf %add3A_26, %mul3A_29 : vector<512x1024xf32>
    %max3A = arith.constant 9.99999996E-13 : f32
    %max3A_30 = vector.broadcast %max3A : f32 to vector<512x1024xf32>
    %max3A_31 = arith.maximumf %sub3A, %max3A_30 : vector<512x1024xf32>
    %mul3A_32 = vector.broadcast %get3A_20 : vector<1x1024xf32> to vector<512x1024xf32>
    %mul3A_33 = arith.mulf %max3A_31, %mul3A_32 : vector<512x1024xf32>
    %iota3A = tpu.iota {dimensions = array<i32: 1>} : vector<512x1024xi32>
    %reduce_min3A = arith.constant dense<0x7F800000> : vector<512xf32>
    %reduce_min3A_34 = vector.multi_reduction <minimumf>, %mul3A_33, %reduce_min3A [1] : vector<512x1024xf32> to vector<512xf32>
    %broadcast_in_dim3A_35 = vector.shape_cast %reduce_min3A_34 : vector<512xf32> to vector<512x1xf32>
    %eq3A_36 = vector.broadcast %broadcast_in_dim3A_35 : vector<512x1xf32> to vector<512x1024xf32>
    %eq3A_37 = arith.cmpf oeq, %mul3A_33, %eq3A_36 : vector<512x1024xf32>
    %jit3A = arith.constant 3.000000e+38 : f32
    %broadcast_in_dim3A_38 = vector.broadcast %jit3A : f32 to vector<512x1024xf32>
    %select_n3A = arith.select %eq3A_37, %broadcast_in_dim3A_38, %mul3A_33 : vector<512x1024xi1>, vector<512x1024xf32>
    %reduce_min3A_39 = arith.constant dense<0x7F800000> : vector<512xf32>
    %reduce_min3A_40 = vector.multi_reduction <minimumf>, %select_n3A, %reduce_min3A_39 [1] : vector<512x1024xf32> to vector<512xf32>
    %broadcast_in_dim3A_41 = vector.shape_cast %reduce_min3A_40 : vector<512xf32> to vector<512x1xf32>
    %eq3A_42 = vector.broadcast %broadcast_in_dim3A_41 : vector<512x1xf32> to vector<512x1024xf32>
    %eq3A_43 = arith.cmpf oeq, %select_n3A, %eq3A_42 : vector<512x1024xf32>
    %jit3A_44 = arith.constant 3.000000e+38 : f32
    %broadcast_in_dim3A_45 = vector.broadcast %jit3A_44 : f32 to vector<512x1024xf32>
    %select_n3A_46 = arith.select %eq3A_43, %broadcast_in_dim3A_45, %select_n3A : vector<512x1024xi1>, vector<512x1024xf32>
    %reduce_min3A_47 = arith.constant dense<0x7F800000> : vector<512xf32>
    %reduce_min3A_48 = vector.multi_reduction <minimumf>, %select_n3A_46, %reduce_min3A_47 [1] : vector<512x1024xf32> to vector<512xf32>
    %broadcast_in_dim3A_49 = vector.shape_cast %reduce_min3A_48 : vector<512xf32> to vector<512x1xf32>
    %eq3A_50 = vector.broadcast %broadcast_in_dim3A_49 : vector<512x1xf32> to vector<512x1024xf32>
    %eq3A_51 = arith.cmpf oeq, %select_n3A_46, %eq3A_50 : vector<512x1024xf32>
    %jit3A_52 = arith.constant 1073741824 : i32
    %broadcast_in_dim3A_53 = vector.broadcast %jit3A_52 : i32 to vector<512x1024xi32>
    %select_n3A_54 = arith.select %eq3A_37, %iota3A, %broadcast_in_dim3A_53 : vector<512x1024xi1>, vector<512x1024xi32>
    %reduce_min3A_55 = arith.constant dense<2147483647> : vector<512xi32>
    %reduce_min3A_56 = vector.multi_reduction <minsi>, %select_n3A_54, %reduce_min3A_55 [1] : vector<512x1024xi32> to vector<512xi32>
    %broadcast_in_dim3A_57 = vector.shape_cast %reduce_min3A_56 : vector<512xi32> to vector<512x1xi32>
    %jit3A_58 = arith.constant 1073741824 : i32
    %broadcast_in_dim3A_59 = vector.broadcast %jit3A_58 : i32 to vector<512x1024xi32>
    %select_n3A_60 = arith.select %eq3A_43, %iota3A, %broadcast_in_dim3A_59 : vector<512x1024xi1>, vector<512x1024xi32>
    %reduce_min3A_61 = arith.constant dense<2147483647> : vector<512xi32>
    %reduce_min3A_62 = vector.multi_reduction <minsi>, %select_n3A_60, %reduce_min3A_61 [1] : vector<512x1024xi32> to vector<512xi32>
    %broadcast_in_dim3A_63 = vector.shape_cast %reduce_min3A_62 : vector<512xi32> to vector<512x1xi32>
    %jit3A_64 = arith.constant 1073741824 : i32
    %broadcast_in_dim3A_65 = vector.broadcast %jit3A_64 : i32 to vector<512x1024xi32>
    %select_n3A_66 = arith.select %eq3A_51, %iota3A, %broadcast_in_dim3A_65 : vector<512x1024xi1>, vector<512x1024xi32>
    %reduce_min3A_67 = arith.constant dense<2147483647> : vector<512xi32>
    %reduce_min3A_68 = vector.multi_reduction <minsi>, %select_n3A_66, %reduce_min3A_67 [1] : vector<512x1024xi32> to vector<512xi32>
    %broadcast_in_dim3A_69 = vector.shape_cast %reduce_min3A_68 : vector<512xi32> to vector<512x1xi32>
    %sqrt3A = math.sqrt %broadcast_in_dim3A_35 : vector<512x1xf32>
    %neg3A = arith.constant 0.000000e+00 : f32
    %neg3A_70 = vector.broadcast %neg3A : f32 to vector<512x1xf32>
    %neg3A_71 = arith.subf %neg3A_70, %sqrt3A : vector<512x1xf32>
    %jit3A_72 = arith.constant -5.000000e+01 : f32
    %jit3A_73 = arith.constant 5.000000e+01 : f32
    %max3A_74 = vector.broadcast %jit3A_72 : f32 to vector<512x1xf32>
    %max3A_75 = arith.maximumf %max3A_74, %neg3A_71 : vector<512x1xf32>
    %min3A = vector.broadcast %jit3A_73 : f32 to vector<512x1xf32>
    %min3A_76 = arith.minimumf %min3A, %max3A_75 : vector<512x1xf32>
    %exp3A = math.exp %min3A_76 : vector<512x1xf32>
    %sqrt3A_77 = math.sqrt %broadcast_in_dim3A_41 : vector<512x1xf32>
    %neg3A_78 = arith.constant 0.000000e+00 : f32
    %neg3A_79 = vector.broadcast %neg3A_78 : f32 to vector<512x1xf32>
    %neg3A_80 = arith.subf %neg3A_79, %sqrt3A_77 : vector<512x1xf32>
    %jit3A_81 = arith.constant -5.000000e+01 : f32
    %jit3A_82 = arith.constant 5.000000e+01 : f32
    %max3A_83 = vector.broadcast %jit3A_81 : f32 to vector<512x1xf32>
    %max3A_84 = arith.maximumf %max3A_83, %neg3A_80 : vector<512x1xf32>
    %min3A_85 = vector.broadcast %jit3A_82 : f32 to vector<512x1xf32>
    %min3A_86 = arith.minimumf %min3A_85, %max3A_84 : vector<512x1xf32>
    %exp3A_87 = math.exp %min3A_86 : vector<512x1xf32>
    %sqrt3A_88 = math.sqrt %broadcast_in_dim3A_49 : vector<512x1xf32>
    %neg3A_89 = arith.constant 0.000000e+00 : f32
    %neg3A_90 = vector.broadcast %neg3A_89 : f32 to vector<512x1xf32>
    %neg3A_91 = arith.subf %neg3A_90, %sqrt3A_88 : vector<512x1xf32>
    %jit3A_92 = arith.constant -5.000000e+01 : f32
    %jit3A_93 = arith.constant 5.000000e+01 : f32
    %max3A_94 = vector.broadcast %jit3A_92 : f32 to vector<512x1xf32>
    %max3A_95 = arith.maximumf %max3A_94, %neg3A_91 : vector<512x1xf32>
    %min3A_96 = vector.broadcast %jit3A_93 : f32 to vector<512x1xf32>
    %min3A_97 = arith.minimumf %min3A_96, %max3A_95 : vector<512x1xf32>
    %exp3A_98 = math.exp %min3A_97 : vector<512x1xf32>
    %sub3A_99 = arith.subf %exp3A_87, %exp3A : vector<512x1xf32>
    %exp3A_100 = math.exp %sub3A_99 : vector<512x1xf32>
    %sub3A_101 = arith.subf %exp3A_98, %exp3A : vector<512x1xf32>
    %exp3A_102 = math.exp %sub3A_101 : vector<512x1xf32>
    %add3A_103 = arith.constant 1.000000e+00 : f32
    %add3A_104 = vector.broadcast %add3A_103 : f32 to vector<512x1xf32>
    %add3A_105 = arith.addf %add3A_104, %exp3A_100 : vector<512x1xf32>
    %add3A_106 = arith.addf %add3A_105, %exp3A_102 : vector<512x1xf32>
    %div3A = arith.constant 1.000000e+00 : f32
    %div3A_107 = vector.broadcast %div3A : f32 to vector<512x1xf32>
    %div3A_108 = arith.divf %div3A_107, %add3A_106 : vector<512x1xf32>
    %concatenate3A = tpu.concatenate %broadcast_in_dim3A_57, %broadcast_in_dim3A_63, %broadcast_in_dim3A_69 in 1 : vector<512x1xi32>, vector<512x1xi32>, vector<512x1xi32> -> vector<512x3xi32>
    %swap3A = arith.constant 0 : index
    %swap3A_109 = arith.constant 0 : index
    %swap3A_110 = vector.load %arg6[%swap3A, %swap3A_109] : memref<512x3xi32, #tpu.memory_space<vmem>>, vector<512x3xi32>
    tpu.vector_store %arg6[%swap3A, %swap3A_109], %concatenate3A {strides = array<i32>} : memref<512x3xi32, #tpu.memory_space<vmem>>, vector<512x3xi32>,
    %broadcast_in_dim3A_111 = vector.shape_cast %div3A_108 : vector<512x1xf32> to vector<512x1xf32>
    %broadcast_in_dim3A_112 = vector.broadcast %broadcast_in_dim3A_111 : vector<512x1xf32> to vector<512x16xf32>
    %mul3A_113 = arith.mulf %exp3A_100, %div3A_108 : vector<512x1xf32>
    %broadcast_in_dim3A_114 = vector.shape_cast %mul3A_113 : vector<512x1xf32> to vector<512x1xf32>
    %broadcast_in_dim3A_115 = vector.broadcast %broadcast_in_dim3A_114 : vector<512x1xf32> to vector<512x16xf32>
    %mul3A_116 = arith.mulf %exp3A_102, %div3A_108 : vector<512x1xf32>
    %broadcast_in_dim3A_117 = vector.shape_cast %mul3A_116 : vector<512x1xf32> to vector<512x1xf32>
    %broadcast_in_dim3A_118 = vector.broadcast %broadcast_in_dim3A_117 : vector<512x1xf32> to vector<512x16xf32>
    %concatenate3A_119 = tpu.concatenate %broadcast_in_dim3A_112, %broadcast_in_dim3A_115, %broadcast_in_dim3A_118 in 1 : vector<512x16xf32>, vector<512x16xf32>, vector<512x16xf32> -> vector<512x48xf32>
    %swap3A_120 = arith.constant 0 : index
    %swap3A_121 = arith.constant 0 : index
    %swap3A_122 = vector.load %arg7[%swap3A_120, %swap3A_121] : memref<512x48xf32, #tpu.memory_space<vmem>>, vector<512x48xf32>
    tpu.vector_store %arg7[%swap3A_120, %swap3A_121], %concatenate3A_119 {strides = array<i32>} : memref<512x48xf32, #tpu.memory_space<vmem>>, vector<512x48xf32>,
    return
  }
  func.func @transform_0(%arg0: i32) -> (i32, i32) {
    %c0_i32 = arith.constant 0 : i32
    %c0_i32_0 = arith.constant 0 : i32
    return %arg0, %c0_i32 : i32, i32
  }
  func.func @transform_1(%arg0: i32) -> (i32, i32) {
    %c0_i32 = arith.constant 0 : i32
    %c0_i32_0 = arith.constant 0 : i32
    %c0_i32_1 = arith.constant 0 : i32
    return %c0_i32, %c0_i32_0 : i32, i32
  }
  func.func @transform_2(%arg0: i32) -> (i32, i32) {
    %c0_i32 = arith.constant 0 : i32
    %c0_i32_0 = arith.constant 0 : i32
    %c0_i32_1 = arith.constant 0 : i32
    return %c0_i32, %c0_i32_0 : i32, i32
  }
  func.func @transform_3(%arg0: i32) -> (i32, i32) {
    %c0_i32 = arith.constant 0 : i32
    %c0_i32_0 = arith.constant 0 : i32
    %c0_i32_1 = arith.constant 0 : i32
    return %c0_i32, %c0_i32_0 : i32, i32
  }
  func.func @transform_4(%arg0: i32) -> (i32, i32) {
    %c0_i32 = arith.constant 0 : i32
    %c0_i32_0 = arith.constant 0 : i32
    %c0_i32_1 = arith.constant 0 : i32
    return %c0_i32, %c0_i32_0 : i32, i32
  }
  func.func @transform_5(%arg0: i32) -> (i32, i32) {
    %c0_i32 = arith.constant 0 : i32
    %c0_i32_0 = arith.constant 0 : i32
    return %arg0, %c0_i32 : i32, i32
  }
  func.func @transform_6(%arg0: i32) -> (i32, i32) {
    %c0_i32 = arith.constant 0 : i32
    %c0_i32_0 = arith.constant 0 : i32
    return %arg0, %c0_i32 : i32, i32
  }
}

</mosaic_0001>

<sc_bundles>
// kernel: kernel.4.cloned.1.call-start
scs
__scs_entry_jumppad:
0x0: {  	(pc) =	sbr.rel $0x88, $3  }
0x1: {  	(tag) =	ssettag $0x0;
	lr =	simm.s32 $0x1  }
0x2: {  	[smem:$0x3F9C] =	sst lr;
	_ =	strace $0xD0000000  }
0x3: {  	_ = 	snop  }
0x4: {  	_ = 	snop  }
0x5: {  	_ = 	snop  }
0x6: {  	_ = 	snop  }
0x7: {  	_ = 	snop  }
__scs_overlays_trampoline_lowered:
0x8: {  	[smem:$0x3FAB] =	sst s0  }
0x9: {  	[smem:$0x3FAC] =	sst s1  }
0xa: {  	[smem:$0x3FAD] =	sst s2  }
0xb: {  	[smem:$0x3FAE] =	sst s3  }
0xc: {  	[smem:$0x3FAF] =	sst s4  }
0xd: {  	[smem:$0x3FB0] =	sst s5  }
0xe: {  	[smem:$0x3FB1] =	sst s6  }
0xf: {  	[smem:$0x3FB2] =	sst s7  }
0x10: {  	[smem:$0x3FB3] =	sst s8  }
0x11: {  	[smem:$0x3FB4] =	sst s9;
	s0 =	simm.s32 @!p0 $0x0  }
0x12: {  	s1 =	sld [smem:$0x3F9A];
	s0 =	simm.s32 @p0 $0x1  }
0x13: {  	[smem:$0x3FB5] =	sst s0;
	s0 =	simm.s32 @!p1 $0x0  }
0x14: {  	s2 =	sld [smem:$0x3F99];
	s0 =	simm.s32 @p1 $0x1  }
0x15: {  	[smem:$0x3FB6] =	sst s0;
	s0 =	simm.s32 @!p2 $0x0  }
0x16: {  	s3 =	sld [smem:$0x3FDB];
	s0 =	simm.s32 @p2 $0x1  }
0x17: {  	s4 =	simm.s32 $0x1BF5;
	[smem:$0x3FB8] =	sst s0  }
0x18: {  	s0 =	sld [smem:$0x3F9B];
	_ =	swait.ge [sflag:s4], $0x0  }
0x19: {  	s7 =	sld [smem:$0x3F9C]  }
0x1a: {  	s8 =	sadd.s32 $0xFFFFE003, lr  }
0x1b: {  	s9 =	sadd.s32 $0xFFFFFEF7, lr;
	s5 =	simm.s32 $0xFFFFFFFF;
	p2 =	slt.u32 s8, $0xFFFFF086  }
0x1c: {  	p1 =	slt.u32 s9, $0xF7A;
	s5 =	simm.s32 @!p2 $0x0  }
0x1d: {  	s5 =	simm.s32 @p1 $0x1;
	p0 =	seq.s32 s7, s2  }
0x1e: {  	s7 =	smul.u32 @!p0 $0xF7A, s2;
	p2 =	seq.s32 @!p0 s5, $0x0  }
0x1f: {  	s9 =	smul.u32 $0xF7A, s1;
	s8 =	simm.s32 @!p0 $0x1BF5;
	p2 =	por !p2, p0  }
0x20: {  	[sflag:s8] =	ssyncset.s32 @!p0 $0xFFFFF086;
	s6 =	sadd.s32 @!p0 s3, s7;
	s7 =	simm.s32 @!p0 $0x108  }
0x21: {  	s3 =	sadd.s32 s3, s9;
	s6 =	sadd.s32 @!p0 $0x88, s6;
	s7 =	simm.s32 @p2 $0x1082  }
0x22: {  	[simem:s7], [sflag:s8] =	dma.local @!p0 [hbm:s6], $0xF7A  }
0x23: {  	s9 =	sor.u32 $0xD0000000, s2;
	s6 =	simm.s32 $0x108;
	_ =	swait.ge @!p0 [sflag:s8], $0x0  }
0x24: {  	s3 =	sadd.s32 $0x88, s3;
	s6 =	simm.s32 @!p1 $0x1082;
	[sflag:s4] =	ssyncset.s32 $0xFFFFF086  }
0x25: {  	[simem:s6], [sflag:s4] =	dma.local [hbm:s3], $0xF7A  }
0x26: {  	[smem:$0x3F9C] =	sst s1;
	(tag) =	ssettag s2;
	_ =	strace s9  }
0x27: {  	s1 =	sld [smem:$0x3FAC]  }
0x28: {  	s2 =	sld [smem:$0x3FAD]  }
0x29: {  	s4 =	sld [smem:$0x3FAF]  }
0x2a: {  	p0 =	seq.s32 s5, $0x0;
	s5 =	sld [smem:$0x3FB0]  }
0x2b: {  	s6 =	sld [smem:$0x3FB1]  }
0x2c: {  	s7 =	sld [smem:$0x3FB2]  }
0x2d: {  	s3 =	simm.s32 $0x108;
	s8 =	sld [smem:$0x3FB3]  }
0x2e: {  	s3 =	simm.s32 @!p0 $0x1082;
	s9 =	sld [smem:$0x3FB4]  }
0x2f: {  	lr =	sadd.s32 s0, s3;
	s0 =	sld [smem:$0x3FAB]  }
0x30: {  	s3 =	sld [smem:$0x3FAE]  }
0x31: {  	[smem:$0x3FB7] =	sst s10  }
0x32: {  	s10 =	sld [smem:$0x3FB5];
	_ =	sdelay $0x3  }
0x33: {  	p0 =	seq.s32 s10, $0x1;
	s10 =	sld [smem:$0x3FB7];
	_ =	sdelay $0x3  }
0x34: {  	[smem:$0x3FB7] =	sst s10  }
0x35: {  	s10 =	sld [smem:$0x3FB6];
	_ =	sdelay $0x3  }
0x36: {  	p1 =	seq.s32 s10, $0x1;
	s10 =	sld [smem:$0x3FB7];
	_ =	sdelay $0x3  }
0x37: {  	[smem:$0x3FB7] =	sst s10  }
0x38: {  	s10 =	sld [smem:$0x3FB8]  }
0x39: {  	_ = 	snop;
	(pc) =	sbr.ind lr, $3  }
0x3a: {  	_ = 	snop  }
0x3b: {  	_ = 	snop  }
0x3c: {  	p2 =	seq.s32 s10, $0x1;
	s10 =	sld [smem:$0x3FB7]  }
0x3d: {  	_ =	shalt  }
0x3e: {  	_ =	shalt  }
0x3f: {  	_ =	shalt  }
0x40: {  	_ =	shalt  }
0x41: {  	_ =	shalt  }
0x42: {  	_ =	shalt  }
0x43: {  	_ =	shalt  }
0x44: {  	_ =	shalt  }
0x45: {  	_ =	shalt  }
0x46: {  	_ =	shalt  }
0x47: {  	_ =	shalt  }
0x48: {  	_ =	shalt  }
0x49: {  	_ =	shalt  }
0x4a: {  	_ =	shalt  }
0x4b: {  	_ =	shalt  }
0x4c: {  	_ =	shalt  }
0x4d: {  	_ =	shalt  }
0x4e: {  	_ =	shalt  }
0x4f: {  	_ =	shalt  }
0x50: {  	_ =	shalt  }
0x51: {  	_ =	shalt  }
0x52: {  	_ =	shalt  }
0x53: {  	_ =	shalt  }
0x54: {  	_ =	shalt  }
0x55: {  	_ =	shalt  }
0x56: {  	_ =	shalt  }
0x57: {  	_ =	shalt  }
0x58: {  	_ =	shalt  }
0x59: {  	_ =	shalt  }
0x5a: {  	_ =	shalt  }
0x5b: {  	_ =	shalt  }
0x5c: {  	_ =	shalt  }
0x5d: {  	_ =	shalt  }
0x5e: {  	_ =	shalt  }
0x5f: {  	_ =	shalt  }
0x60: {  	_ =	shalt  }
0x61: {  	_ =	shalt  }
0x62: {  	_ =	shalt  }
0x63: {  	_ =	shalt  }
0x64: {  	_ =	shalt  }
0x65: {  	_ =	shalt  }
0x66: {  	_ =	shalt  }
0x67: {  	_ =	shalt  }
0x68: {  	_ =	shalt  }
0x69: {  	_ =	shalt  }
0x6a: {  	_ =	shalt  }
0x6b: {  	_ =	shalt  }
0x6c: {  	_ =	shalt  }
0x6d: {  	_ =	shalt  }
0x6e: {  	_ =	shalt  }
0x6f: {  	_ =	shalt  }
0x70: {  	_ =	shalt  }
0x71: {  	_ =	shalt  }
0x72: {  	_ =	shalt  }
0x73: {  	_ =	shalt  }
0x74: {  	_ =	shalt  }
0x75: {  	_ =	shalt  }
0x76: {  	_ =	shalt  }
0x77: {  	_ =	shalt  }
0x78: {  	_ =	shalt  }
0x79: {  	_ =	shalt  }
0x7a: {  	_ =	shalt  }
0x7b: {  	_ =	shalt  }
0x7c: {  	_ =	shalt  }
0x7d: {  	_ =	shalt  }
0x7e: {  	_ =	shalt  }
0x7f: {  	_ =	shalt  }
0x80: {  	_ =	shalt  }
0x81: {  	_ =	shalt  }
0x82: {  	_ =	shalt  }
0x83: {  	_ =	shalt  }
0x84: {  	_ =	shalt  }
0x85: {  	_ =	shalt  }
0x86: {  	_ =	shalt  }
0x87: {  	_ =	shalt  }
.Lfunc_end0:
.L_simem_size_0:
called_computation_lowered:
.L_overlay_start_0:
0x88: {  	s2 =	sld [smem:$0x3FD9]  }
0x89: {  	s3 =	sld [smem:$0x3FFE];
	_ =	sdelay $0x1  }
0x8a: {  	s1 =	srdreg.scid  }
0x8b: {  	s0 =	sand.u32 $0x1, s1  }
0x8c: {  	s17 =	sshll.u32 s0, $0xA;
	s2 =	sadd.s32 s3, s2  }
0x8d: {  	s2 =	sadd.s32 s2, s17  }
0x8e: {  	[smem:$0x3FC3] =	sst s2  }
0x8f: {  	_ = 	snop  }
0x90: {  	s2 =	sld [smem:$0x3FC8]  }
0x91: {  	s18 =	sld [smem:$0x3FD0];
	(tm) =	ssettm $0x1  }
0x92: {  	s4 =	sld [smem:$0x3FFB];
	_ =	sdelay $0x3  }
0x93: {  	_ =	strace s4  }
0x94: {  	s4 =	sld [smem:$0x3FFC];
	_ =	sdelay $0x3  }
0x95: {  	_ =	strace s4  }
0x96: {  	s4 =	sld [smem:$0x3FFD];
	_ =	sdelay $0x3  }
0x97: {  	_ =	strace s4  }
0x98: {  	_ =	strace $0x8FFFFFFF  }
0x99: {  	s19 =	sld [smem:$0x3FDB];
	_ =	sdelay $0x1  }
0x9a: {  	s5 =	simm.s32 $_scs_section_size  }
0x9b: {  	s6 =	simm.s32 $_size__tile_overlayer_lowered;
	s7 =	simm.s32 $_tile_overlayer_lowered  }
0x9c: {  	s22 =	simm.s32 $0x1BFF;
	s21 =	sshll.u32 s7, $0x1;
	s4 =	sadd.s32 s5, s19  }
0x9d: {  	s8 =	simm.s32 $0x0;
	s20 =	sshll.u32 s6, $0x1;
	s6 =	sadd.s32 s21, s4  }
0x9e: {  	[timem:s8], [sflag:s22] =	dma.local [hbm:s6], s20  }
0x9f: {  	_ =	swait.ge [sflag:s22], s20  }
0xa0: {  	s5 =	ssub.s32 $0x0, s20;
	[sflag:s22] =	ssyncset.done $0x0  }
0xa1: {  	[sflag:s22] =	ssyncadd.s32 s5;
	_ =	sdelay $0x1  }
0xa2: {  	s23 =	simm.s32 $0x1B8B  }
0xa3: {  	_ =	swait.ge [sflag:s23], $0x1  }
0xa4: {  	[sflag:s23] =	ssyncset.done $0x0  }
0xa5: {  	s25 =	simm.s32 $0x1B8E;
	s24 =	sld [smem:$0x3FFE];
	[sflag:s23] =	ssyncadd.s32 $0xFFFFFFFF  }
0xa6: {  	s26 =	simm.s32 $execute0_lowered;
	[smem:$0x3FD2] =	sst s25  }
0xa7: {  	s6 =	sshll.u32 s26, $0x1;
	_ =	strace $0x80000046;
	[dreg:$0x1] =	wrdreg $0xFFFFFFFF  }
0xa8: {  	s28 =	simm.s32 $_size_execute0_lowered;
	s4 =	sadd.s32 s4, s6;
	[dreg:$0x0] =	wrdreg $0x0  }
0xa9: {  	s6 =	sshll.u32 s28, $0x1;
	[dreg:$0x2] =	wrdreg s4  }
0xaa: {  	[dreg:$0x3] =	wrdreg s6  }
0xab: {  	[dreg:$0x4] =	wrdreg $0xC0  }
0xac: {  	_ =	task [dreg:s8], $0x5FFFF  }
0xad: {  	[dreg:$0x1] =	wrdreg $0xFFFFFFFF  }
0xae: {  	[dreg:$0x0] =	wrdreg $0x60  }
0xaf: {  	[dreg:$0x2] =	wrdreg s18  }
0xb0: {  	[dreg:$0x3] =	wrdreg s24  }
0xb1: {  	[dreg:$0x4] =	wrdreg s2  }
0xb2: {  	[dreg:$0x5] =	wrdreg $0x9  }
0xb3: {  	_ =	task.clear_ibuf [dreg:s8], $0x6FFFF;
	_ =	strace $0x90000046  }
0xb4: {  	s29 =	simm.s32 $0x9;
	_ =	strace $0x80000048  }
0xb5: {  	_ =	swait.ge [sflag:s29], $0x1  }
0xb6: {  	[sflag:s29] =	ssyncadd.s32 $0xFFFFFFFF  }
0xb7: {  	_ =	strace $0x90000048  }
0xb8: {  	_ =	sfence  }
0xb9: {  	s30 =	sld [smem:$0x0];
	_ =	sdelay $0x2  }
0xba: {  	s31 =	sshll.u32 s1, $0xD;
	s1 =	sshrl.u32 s1, $0x2  }
0xbb: {  	s3 =	sand.u32 $0x4000, s31;
	s1 =	sadd.s32 s1, s30  }
0xbc: {  	s0 =	sor.u32 s3, s0;
	s1 =	sshll.u32 s1, $0x11  }
0xbd: {  	s0 =	sor.u32 s1, s0  }
0xbe: {  	s0 =	sadd.s32 $0x8F2B, s0  }
0xbf: {  	[sflag:s0] =	ssyncadd.remote.s32 $0x1  }
0xc0: {  	_ =	sfence.sel $0xFFFF  }
0xc1: {  	[dreg:$0x0] =	wrdreg $0xFFFFFFFF;
	(pc) =	sbr.abs _section_cstart, $3  }
0xc2: {  	[dreg:$0x1] =	wrdreg $0xFFFFFFFF  }
0xc3: {  	_ =	task.clear_ibuf [dreg:s8], $0x2FFFF;
	_ =	strace $0x9FFFFFFF  }
0xc4: {  	(tm) =	ssettm $0x7FFFFFFF  }
0xc5: {  	_ =	shalt  }
tec
execute0_lowered:
.L_overlay_start_1:
0x0: {  	(tag) =	ssettag $0x1  }
0x1: {  	s0 =	rddreg [dreg:$0x1]  }
0x2: {  	s2 =	rddreg [dreg:$0x2]  }
0x3: {  	s1 =	simm.s32 $0x0;
	s25 =	srdreg.scid;
	s7 =	stileid.u32  }
0x4: {  	s12 =	simm.s32 $0x2;
	s23 =	simm.s32 $0x7380;
	s24 =	simm.s32 $0x7B80  }
0x5: {  	s28 =	simm.s32 $0x9380;
	s29 =	simm.s32 $0x9B80;
	s30 =	simm.s32 $0xA380  }
0x6: {  	s31 =	simm.s32 $0xAB80;
	s11 =	simm.s32 $0x1;
	s13 =	simm.s32 $0x0  }
0x7: {  	[smem:$0x7FF] =	sst s1;
	s5 =	sadd.s32 $0xC00, s0;
	s1 =	sand.u32 $0x1, s25  }
0x8: {  	s6 =	sadd.s32 $0x1800, s0;
	s8 =	sshll.u32 s7, $0x9;
	s7 =	sadd.s32 $0xD800, s0  }
0x9: {  	s9 =	sadd.s32 $0x100, s2;
	s10 =	sadd.s32 $0x200, s2;
	s3 =	ssub.s32 $0x2, s1  }
0xa: {  	s25 =	simm.s32 $0x8380;
	s1 =	sshll.u32 s1, $0x8;
	s4 =	sshrl.u32 s3, $0x1  }
0xb: {  	v2 =	vlaneseq.u32;
	_ =	strace $0x80000047;
	s8 =	sor.u32 s1, s8;
	s26 =	ssub.s32 s3, s4  }
0xc: {  	vm0 =	vmmov $0xffff;
	v1 =	vshrl.u32 v2, $0x3;
	s1 =	simm.s32 $0xC380;
	s4 =	simm.s32 $0xBB80;
	s0 =	smax.u32 s26, $0x1  }
0xd: {  	v0 =	vand.u32 $0x7, v2;
	v2 =	vor.u32 $0x8, v2;
	v1 =	vmul.u32 $0x8, v1;
	s26 =	simm.s32 $0x8B80;
	[dreg:$0x4] =	wrdreg s0;
	s0 =	simm.s32 $0xB380  }
.LBB2_1:
0xe: {  	[dreg:$0x5] =	wrdreg s13;
	s3 =	simm.s32 $0x0  }
.LBB2_2:
0xf: {  	s13 =	sshll.u32 s3, $0x4  }
0x10: {  	s14 =	sadd.s32 s8, s13  }
0x11: {  	s13 =	smul.u32 $0x3, s14;
	_ =	sdelay $0x1  }
0x12: {  	s13 =	sshrl.u32 s13, $0x3  }
0x13: {  	s15 =	sadd.s32 s5, s13;
	s13 =	simm.s32 $0x0  }
0x14: {  	[tilespmem:s13], [sflag:$0x2] =	stream.linear.gather [hbm4b:s15+s13], $0x30, $0x38;
	[tilespmem:$0xF380] =	vst v63  }
0x15: {  	s19 =	smul.u32 $0x6, s14;
	_ =	swait.ge [sflag:s12], $0x30  }
0x16: {  	[sflag:s12] =	ssyncset.done $0x0  }
0x17: {  	s16 =	simm.s32 $0x80;
	s15 =	sadd.s32 s6, s19;
	[sflag:s12] =	ssyncadd.s32 $0xFFFFFFD0  }
0x18: {  	[tilespmem:s16], [sflag:$0x2] =	stream.linear.gather [hbm4b:s15+s13], $0x300, $0x38;
	[tilespmem:$0xF380] =	vst v63  }
0x19: {  	_ =	swait.ge [sflag:s12], $0x300  }
0x1a: {  	[sflag:s12] =	ssyncset.done $0x0  }
0x1b: {  	s14 =	smul.u32 $0x60, s14;
	[sflag:s12] =	ssyncadd.s32 $0xFFFFFD00  }
0x1c: {  	s20 =	rddreg [dreg:$0x0]  }
0x1d: {  	s21 =	simm.s32 $0x380;
	s15 =	sadd.s32 s20, s14  }
0x1e: {  	[tilespmem:s21], [sflag:$0x2] =	stream.linear.gather [hbm4b:s15+s13], $0x3000, $0x38;
	[tilespmem:$0xF380] =	vst v63  }
0x1f: {  	_ =	swait.ge [sflag:s12], $0x3000  }
0x20: {  	[sflag:s12] =	ssyncset.done $0x0  }
0x21: {  	[sflag:s12] =	ssyncadd.s32 $0xFFFFD000  }
0x22: {  	v3 =	vld [tilespmem:$0x0];
	_ =	sdelay $0x4  }
0x23: {  	v4 =	vshrl.u32 v3, $0x3  }
0x24: {  	v4 =	vmul.u32 $0x30, v4  }
0x25: {  	v3 =	vand.u32 $0x7, v3  }
0x26: {  	v3 =	vor.u32 v3, v4  }
0x27: {  	v4 =	vperm.xlane v3, v0;
	_ =	sdelay $0x1  }
0x28: {  	v4 =	vadd.s32 v1, v4;
	_ =	sdelay $0x3  }
0x29: {  	s22 =	simm.s32 $0x3380;
	v3 =	vperm.xlane v3, v2  }
0x2a: {  	[tilespmem:s22], [sflag:$0x1] =	stream.indirect_vreg.gather [hbm4b:s2+s13], $0x80, v4, vm0, $0xb8;
	[tilespmem:$0xF380] =	vst v63  }
0x2b: {  	s16 =	simm.s32 $0x3B80;
	v3 =	vadd.s32 v1, v3  }
0x2c: {  	[tilespmem:s16], [sflag:$0x1] =	stream.indirect_vreg.gather [hbm4b:s9+s13], $0x80, v4, vm0, $0xb8;
	[tilespmem:$0xF380] =	vst v63  }
0x2d: {  	s17 =	simm.s32 $0x4380  }
0x2e: {  	[tilespmem:s17], [sflag:$0x1] =	stream.indirect_vreg.gather [hbm4b:s10+s13], $0x80, v4, vm0, $0xb8;
	[tilespmem:$0xF380] =	vst v63  }
0x2f: {  	s18 =	simm.s32 $0x4B80  }
0x30: {  	[tilespmem:s18], [sflag:$0x1] =	stream.indirect_vreg.gather [hbm4b:s2+s13], $0x80, v3, vm0, $0xb8;
	[tilespmem:$0xF380] =	vst v63  }
0x31: {  	s19 =	simm.s32 $0x5380  }
0x32: {  	[tilespmem:s19], [sflag:$0x1] =	stream.indirect_vreg.gather [hbm4b:s9+s13], $0x80, v3, vm0, $0xb8;
	[tilespmem:$0xF380] =	vst v63  }
0x33: {  	s20 =	simm.s32 $0x5B80  }
0x34: {  	[tilespmem:s20], [sflag:$0x1] =	stream.indirect_vreg.gather [hbm4b:s10+s13], $0x80, v3, vm0, $0xb8;
	[tilespmem:$0xF380] =	vst v63  }
0x35: {  	v3 =	vld [tilespmem:$0x10];
	_ =	sdelay $0x4  }
0x36: {  	v62 =	vshrl.u32 v3, $0x3  }
0x37: {  	v4 =	vmul.u32 $0x30, v62  }
0x38: {  	v3 =	vand.u32 $0x7, v3  }
0x39: {  	v3 =	vor.u32 v3, v4  }
0x3a: {  	v4 =	vperm.xlane v3, v0;
	_ =	sdelay $0x1  }
0x3b: {  	v4 =	vadd.s32 v1, v4;
	_ =	sdelay $0x3  }
0x3c: {  	s21 =	simm.s32 $0x6380;
	v3 =	vperm.xlane v3, v2  }
0x3d: {  	[tilespmem:s21], [sflag:$0x1] =	stream.indirect_vreg.gather [hbm4b:s2+s13], $0x80, v4, vm0, $0xb8;
	[tilespmem:$0xF380] =	vst v63  }
0x3e: {  	s22 =	simm.s32 $0x6B80;
	v3 =	vadd.s32 v1, v3  }
0x3f: {  	[tilespmem:s22], [sflag:$0x1] =	stream.indirect_vreg.gather [hbm4b:s9+s13], $0x80, v4, vm0, $0xb8;
	[tilespmem:$0xF380] =	vst v63  }
0x40: {  	_ = 	snop  }
0x41: {  	[tilespmem:s23], [sflag:$0x1] =	stream.indirect_vreg.gather [hbm4b:s10+s13], $0x80, v4, vm0, $0xb8;
	[tilespmem:$0xF380] =	vst v63  }
0x42: {  	_ = 	snop  }
0x43: {  	[tilespmem:s24], [sflag:$0x1] =	stream.indirect_vreg.gather [hbm4b:s2+s13], $0x80, v3, vm0, $0xb8;
	[tilespmem:$0xF380] =	vst v63  }
0x44: {  	_ = 	snop  }
0x45: {  	[tilespmem:s25], [sflag:$0x1] =	stream.indirect_vreg.gather [hbm4b:s9+s13], $0x80, v3, vm0, $0xb8;
	[tilespmem:$0xF380] =	vst v63  }
0x46: {  	_ = 	snop  }
0x47: {  	[tilespmem:s26], [sflag:$0x1] =	stream.indirect_vreg.gather [hbm4b:s10+s13], $0x80, v3, vm0, $0xb8;
	[tilespmem:$0xF380] =	vst v63  }
0x48: {  	v3 =	vld [tilespmem:$0x20];
	_ =	sdelay $0x4  }
0x49: {  	v63 =	vshrl.u32 v3, $0x3  }
0x4a: {  	v4 =	vmul.u32 $0x30, v63  }
0x4b: {  	v3 =	vand.u32 $0x7, v3  }
0x4c: {  	v3 =	vor.u32 v3, v4  }
0x4d: {  	v4 =	vperm.xlane v3, v0;
	_ =	sdelay $0x1  }
0x4e: {  	v4 =	vadd.s32 v1, v4;
	_ =	sdelay $0x3  }
0x4f: {  	v3 =	vperm.xlane v3, v2  }
0x50: {  	[tilespmem:s28], [sflag:$0x1] =	stream.indirect_vreg.gather [hbm4b:s2+s13], $0x80, v4, vm0, $0xb8;
	[tilespmem:$0xF380] =	vst v63  }
0x51: {  	v3 =	vadd.s32 v1, v3  }
0x52: {  	[tilespmem:s29], [sflag:$0x1] =	stream.indirect_vreg.gather [hbm4b:s9+s13], $0x80, v4, vm0, $0xb8;
	[tilespmem:$0xF380] =	vst v63  }
0x53: {  	_ = 	snop  }
0x54: {  	[tilespmem:s30], [sflag:$0x1] =	stream.indirect_vreg.gather [hbm4b:s10+s13], $0x80, v4, vm0, $0xb8;
	[tilespmem:$0xF380] =	vst v63  }
0x55: {  	_ = 	snop  }
0x56: {  	[tilespmem:s31], [sflag:$0x1] =	stream.indirect_vreg.gather [hbm4b:s2+s13], $0x80, v3, vm0, $0xb8;
	[tilespmem:$0xF380] =	vst v63  }
0x57: {  	_ = 	snop  }
0x58: {  	[tilespmem:s0], [sflag:$0x1] =	stream.indirect_vreg.gather [hbm4b:s9+s13], $0x80, v3, vm0, $0xb8;
	[tilespmem:$0xF380] =	vst v63  }
0x59: {  	_ = 	snop  }
0x5a: {  	[tilespmem:s4], [sflag:$0x1] =	stream.indirect_vreg.gather [hbm4b:s10+s13], $0x80, v3, vm0, $0xb8;
	[tilespmem:$0xF380] =	vst v63  }
0x5b: {  	_ =	swait.ge [sflag:s11], $0x9000  }
0x5c: {  	s15 =	simm.s32 $0xA0;
	s16 =	simm.s32 $0xC500;
	[sflag:s11] =	ssyncset.done $0x0  }
0x5d: {  	s17 =	simm.s32 $0x500;
	s18 =	simm.s32 $0x0;
	[sflag:s11] =	ssyncadd.s32 $0xFFFF7000  }
.LBB2_3:
0x5e: {  	s19 =	sshrl.u32 s13, $0x3  }
0x5f: {  	s20 =	sadd.s32 $0x1, s13;
	s19 =	smul.u32 $0x6000, s19  }
0x60: {  	s21 =	sand.u32 $0x380, s18;
	s20 =	sshrl.u32 s20, $0x3  }
0x61: {  	s22 =	sadd.s32 $0x2, s13;
	s20 =	smul.u32 $0x6000, s20;
	s19 =	sshra.s32 s19, $0x2  }
0x62: {  	v3 =	vld [tilespmem:s15+$0xFFFFFFE0];
	s22 =	sshrl.u32 s22, $0x3;
	s19 =	sor.u32 s21, s19;
	s21 =	sadd.s32 $0x80, s18  }
0x63: {  	v4 =	vld [tilespmem:s15+$0xFFFFFFF0];
	s22 =	smul.u32 $0x6000, s22;
	s20 =	sshra.s32 s20, $0x2;
	s21 =	sand.u32 $0x380, s21  }
0x64: {  	v6 =	vld [tilespmem:s19+$0x3380];
	s20 =	sor.u32 s21, s20;
	s21 =	sadd.s32 $0x100, s18  }
0x65: {  	s22 =	sshra.s32 s22, $0x2;
	v7 =	vld [tilespmem:s20+$0x3380];
	s21 =	sand.u32 $0x380, s21  }
0x66: {  	v5 =	vld [tilespmem:s15+$0x0];
	s21 =	sor.u32 s21, s22  }
0x67: {  	v8 =	vld [tilespmem:s21+$0x3380];
	_ =	sdelay $0x2  }
0x68: {  	v6 =	vmul.f32 v6, v3;
	v7 =	vmul.f32 v7, v4  }
0x69: {  	v9 =	vld [tilespmem:s17+$0xFFFFFE80]  }
0x6a: {  	v6 =	vadd.f32 v7, v6;
	v36 =	vmul.f32 v8, v5;
	_ =	sdelay $0x1  }
0x6b: {  	v6 =	vadd.f32 v36, v6;
	_ =	sdelay $0x1  }
0x6c: {  	v37 =	vmul.f32 $4.750208260e-01, v9;
	v6 =	vmul.f32 $5.249791740e-01, v6;
	_ =	sdelay $0x1  }
0x6d: {  	v6 =	vadd.f32 v6, v37;
	_ =	sdelay $0x1  }
0x6e: {  	[tilespmem:s16+$0xFFFFFE80] =	vst v6  }
0x6f: {  	v6 =	vld [tilespmem:s19+$0x3390]  }
0x70: {  	v38 =	vld [tilespmem:s20+$0x3390];
	_ =	sdelay $0x1  }
0x71: {  	v39 =	vld [tilespmem:s21+$0x3390];
	_ =	sdelay $0x2  }
0x72: {  	v6 =	vmul.f32 v6, v3;
	v7 =	vmul.f32 v38, v4  }
0x73: {  	v40 =	vld [tilespmem:s17+$0xFFFFFE90]  }
0x74: {  	v41 =	vmul.f32 v39, v5;
	v6 =	vadd.f32 v7, v6;
	_ =	sdelay $0x1  }
0x75: {  	v6 =	vadd.f32 v41, v6;
	_ =	sdelay $0x1  }
0x76: {  	v42 =	vmul.f32 $4.750208260e-01, v40;
	v6 =	vmul.f32 $5.249791740e-01, v6;
	_ =	sdelay $0x1  }
0x77: {  	v6 =	vadd.f32 v6, v42;
	_ =	sdelay $0x1  }
0x78: {  	[tilespmem:s16+$0xFFFFFE90] =	vst v6  }
0x79: {  	v6 =	vld [tilespmem:s19+$0x33A0]  }
0x7a: {  	v43 =	vld [tilespmem:s20+$0x33A0];
	_ =	sdelay $0x1  }
0x7b: {  	v44 =	vld [tilespmem:s21+$0x33A0];
	_ =	sdelay $0x2  }
0x7c: {  	v6 =	vmul.f32 v6, v3;
	v7 =	vmul.f32 v43, v4  }
0x7d: {  	v45 =	vld [tilespmem:s17+$0xFFFFFEA0]  }
0x7e: {  	v46 =	vmul.f32 v44, v5;
	v6 =	vadd.f32 v7, v6;
	_ =	sdelay $0x1  }
0x7f: {  	v6 =	vadd.f32 v46, v6;
	_ =	sdelay $0x1  }
0x80: {  	v47 =	vmul.f32 $4.750208260e-01, v45;
	v6 =	vmul.f32 $5.249791740e-01, v6;
	_ =	sdelay $0x1  }
0x81: {  	v6 =	vadd.f32 v6, v47;
	_ =	sdelay $0x1  }
0x82: {  	[tilespmem:s16+$0xFFFFFEA0] =	vst v6  }
0x83: {  	v6 =	vld [tilespmem:s19+$0x33B0]  }
0x84: {  	v48 =	vld [tilespmem:s20+$0x33B0];
	_ =	sdelay $0x1  }
0x85: {  	v49 =	vld [tilespmem:s21+$0x33B0];
	_ =	sdelay $0x2  }
0x86: {  	v6 =	vmul.f32 v6, v3;
	v7 =	vmul.f32 v48, v4  }
0x87: {  	v50 =	vld [tilespmem:s17+$0xFFFFFEB0]  }
0x88: {  	v51 =	vmul.f32 v49, v5;
	v6 =	vadd.f32 v7, v6;
	_ =	sdelay $0x1  }
0x89: {  	v6 =	vadd.f32 v51, v6;
	_ =	sdelay $0x1  }
0x8a: {  	v52 =	vmul.f32 $4.750208260e-01, v50;
	v6 =	vmul.f32 $5.249791740e-01, v6;
	_ =	sdelay $0x1  }
0x8b: {  	v6 =	vadd.f32 v6, v52;
	_ =	sdelay $0x1  }
0x8c: {  	[tilespmem:s16+$0xFFFFFEB0] =	vst v6  }
0x8d: {  	v6 =	vld [tilespmem:s19+$0x33C0]  }
0x8e: {  	v53 =	vld [tilespmem:s20+$0x33C0];
	_ =	sdelay $0x1  }
0x8f: {  	v54 =	vld [tilespmem:s21+$0x33C0];
	_ =	sdelay $0x2  }
0x90: {  	v6 =	vmul.f32 v6, v3;
	v7 =	vmul.f32 v53, v4  }
0x91: {  	v55 =	vld [tilespmem:s17+$0xFFFFFEC0]  }
0x92: {  	v56 =	vmul.f32 v54, v5;
	v6 =	vadd.f32 v7, v6;
	_ =	sdelay $0x1  }
0x93: {  	v6 =	vadd.f32 v56, v6;
	_ =	sdelay $0x1  }
0x94: {  	v57 =	vmul.f32 $4.750208260e-01, v55;
	v6 =	vmul.f32 $5.249791740e-01, v6;
	_ =	sdelay $0x1  }
0x95: {  	v6 =	vadd.f32 v6, v57;
	_ =	sdelay $0x1  }
0x96: {  	[tilespmem:s16+$0xFFFFFEC0] =	vst v6  }
0x97: {  	v6 =	vld [tilespmem:s19+$0x33D0]  }
0x98: {  	v58 =	vld [tilespmem:s20+$0x33D0];
	_ =	sdelay $0x1  }
0x99: {  	v59 =	vld [tilespmem:s21+$0x33D0];
	_ =	sdelay $0x2  }
0x9a: {  	v6 =	vmul.f32 v6, v3;
	v7 =	vmul.f32 v58, v4  }
0x9b: {  	v60 =	vld [tilespmem:s17+$0xFFFFFED0]  }
0x9c: {  	v61 =	vmul.f32 v59, v5;
	v6 =	vadd.f32 v7, v6;
	_ =	sdelay $0x1  }
0x9d: {  	v6 =	vadd.f32 v61, v6;
	_ =	sdelay $0x1  }
0x9e: {  	v62 =	vmul.f32 $4.750208260e-01, v60;
	v6 =	vmul.f32 $5.249791740e-01, v6;
	_ =	sdelay $0x1  }
0x9f: {  	v6 =	vadd.f32 v6, v62;
	_ =	sdelay $0x1  }
0xa0: {  	[tilespmem:s16+$0xFFFFFED0] =	vst v6  }
0xa1: {  	v6 =	vld [tilespmem:s19+$0x33E0]  }
0xa2: {  	v63 =	vld [tilespmem:s20+$0x33E0];
	_ =	sdelay $0x1  }
0xa3: {  	v12 =	vld [tilespmem:s21+$0x33E0];
	_ =	sdelay $0x2  }
0xa4: {  	v6 =	vmul.f32 v6, v3;
	v7 =	vmul.f32 v63, v4  }
0xa5: {  	v13 =	vld [tilespmem:s17+$0xFFFFFEE0]  }
0xa6: {  	v14 =	vmul.f32 v12, v5;
	v6 =	vadd.f32 v7, v6;
	_ =	sdelay $0x1  }
0xa7: {  	v6 =	vadd.f32 v14, v6;
	_ =	sdelay $0x1  }
0xa8: {  	v15 =	vmul.f32 $4.750208260e-01, v13;
	v6 =	vmul.f32 $5.249791740e-01, v6;
	_ =	sdelay $0x1  }
0xa9: {  	v6 =	vadd.f32 v6, v15;
	_ =	sdelay $0x1  }
0xaa: {  	[tilespmem:s16+$0xFFFFFEE0] =	vst v6  }
0xab: {  	v6 =	vld [tilespmem:s19+$0x33F0]  }
0xac: {  	v16 =	vld [tilespmem:s20+$0x33F0];
	_ =	sdelay $0x1  }
0xad: {  	v17 =	vld [tilespmem:s21+$0x33F0];
	_ =	sdelay $0x2  }
0xae: {  	v6 =	vmul.f32 v6, v3;
	v7 =	vmul.f32 v16, v4  }
0xaf: {  	v18 =	vld [tilespmem:s17+$0xFFFFFEF0]  }
0xb0: {  	v19 =	vmul.f32 v17, v5;
	v6 =	vadd.f32 v7, v6;
	_ =	sdelay $0x1  }
0xb1: {  	v6 =	vadd.f32 v19, v6;
	_ =	sdelay $0x1  }
0xb2: {  	v20 =	vmul.f32 $4.750208260e-01, v18;
	v6 =	vmul.f32 $5.249791740e-01, v6;
	_ =	sdelay $0x1  }
0xb3: {  	v6 =	vadd.f32 v6, v20;
	_ =	sdelay $0x1  }
0xb4: {  	[tilespmem:s16+$0xFFFFFEF0] =	vst v6  }
0xb5: {  	v6 =	vld [tilespmem:s19+$0x3780]  }
0xb6: {  	v21 =	vld [tilespmem:s20+$0x3780];
	_ =	sdelay $0x1  }
0xb7: {  	v22 =	vld [tilespmem:s21+$0x3780];
	_ =	sdelay $0x2  }
0xb8: {  	v6 =	vmul.f32 v6, v3;
	v7 =	vmul.f32 v21, v4  }
0xb9: {  	v23 =	vld [tilespmem:s17+$0xFFFFFF00]  }
0xba: {  	v24 =	vmul.f32 v22, v5;
	v6 =	vadd.f32 v7, v6;
	_ =	sdelay $0x1  }
0xbb: {  	v6 =	vadd.f32 v24, v6;
	_ =	sdelay $0x1  }
0xbc: {  	v25 =	vmul.f32 $4.750208260e-01, v23;
	v6 =	vmul.f32 $5.249791740e-01, v6;
	_ =	sdelay $0x1  }
0xbd: {  	v6 =	vadd.f32 v6, v25;
	_ =	sdelay $0x1  }
0xbe: {  	[tilespmem:s16+$0xFFFFFF00] =	vst v6  }
0xbf: {  	v6 =	vld [tilespmem:s19+$0x3790]  }
0xc0: {  	v26 =	vld [tilespmem:s20+$0x3790];
	_ =	sdelay $0x1  }
0xc1: {  	v27 =	vld [tilespmem:s21+$0x3790];
	_ =	sdelay $0x2  }
0xc2: {  	v6 =	vmul.f32 v6, v3;
	v7 =	vmul.f32 v26, v4  }
0xc3: {  	v28 =	vld [tilespmem:s17+$0xFFFFFF10]  }
0xc4: {  	v29 =	vmul.f32 v27, v5;
	v6 =	vadd.f32 v7, v6;
	_ =	sdelay $0x1  }
0xc5: {  	v6 =	vadd.f32 v29, v6;
	_ =	sdelay $0x1  }
0xc6: {  	v30 =	vmul.f32 $4.750208260e-01, v28;
	v6 =	vmul.f32 $5.249791740e-01, v6;
	_ =	sdelay $0x1  }
0xc7: {  	v6 =	vadd.f32 v6, v30;
	_ =	sdelay $0x1  }
0xc8: {  	[tilespmem:s16+$0xFFFFFF10] =	vst v6  }
0xc9: {  	v6 =	vld [tilespmem:s19+$0x37A0]  }
0xca: {  	v31 =	vld [tilespmem:s20+$0x37A0];
	_ =	sdelay $0x1  }
0xcb: {  	v32 =	vld [tilespmem:s21+$0x37A0];
	_ =	sdelay $0x2  }
0xcc: {  	v6 =	vmul.f32 v6, v3;
	v7 =	vmul.f32 v31, v4  }
0xcd: {  	v33 =	vld [tilespmem:s17+$0xFFFFFF20]  }
0xce: {  	v34 =	vmul.f32 v32, v5;
	v6 =	vadd.f32 v7, v6;
	_ =	sdelay $0x1  }
0xcf: {  	v6 =	vadd.f32 v34, v6;
	_ =	sdelay $0x1  }
0xd0: {  	v35 =	vmul.f32 $4.750208260e-01, v33;
	v6 =	vmul.f32 $5.249791740e-01, v6;
	_ =	sdelay $0x1  }
0xd1: {  	v6 =	vadd.f32 v6, v35;
	_ =	sdelay $0x1  }
0xd2: {  	[tilespmem:s16+$0xFFFFFF20] =	vst v6  }
0xd3: {  	v6 =	vld [tilespmem:s19+$0x37B0]  }
0xd4: {  	v36 =	vld [tilespmem:s20+$0x37B0];
	_ =	sdelay $0x1  }
0xd5: {  	v37 =	vld [tilespmem:s21+$0x37B0];
	_ =	sdelay $0x2  }
0xd6: {  	v6 =	vmul.f32 v6, v3;
	v7 =	vmul.f32 v36, v4  }
0xd7: {  	v38 =	vld [tilespmem:s17+$0xFFFFFF30]  }
0xd8: {  	v39 =	vmul.f32 v37, v5;
	v6 =	vadd.f32 v7, v6;
	_ =	sdelay $0x1  }
0xd9: {  	v6 =	vadd.f32 v39, v6;
	_ =	sdelay $0x1  }
0xda: {  	v40 =	vmul.f32 $4.750208260e-01, v38;
	v6 =	vmul.f32 $5.249791740e-01, v6;
	_ =	sdelay $0x1  }
0xdb: {  	v6 =	vadd.f32 v6, v40;
	_ =	sdelay $0x1  }
0xdc: {  	[tilespmem:s16+$0xFFFFFF30] =	vst v6  }
0xdd: {  	v6 =	vld [tilespmem:s19+$0x37C0]  }
0xde: {  	v41 =	vld [tilespmem:s20+$0x37C0];
	_ =	sdelay $0x1  }
0xdf: {  	v42 =	vld [tilespmem:s21+$0x37C0];
	_ =	sdelay $0x2  }
0xe0: {  	v6 =	vmul.f32 v6, v3;
	v7 =	vmul.f32 v41, v4  }
0xe1: {  	v43 =	vld [tilespmem:s17+$0xFFFFFF40]  }
0xe2: {  	v44 =	vmul.f32 v42, v5;
	v6 =	vadd.f32 v7, v6;
	_ =	sdelay $0x1  }
0xe3: {  	v6 =	vadd.f32 v44, v6;
	_ =	sdelay $0x1  }
0xe4: {  	v45 =	vmul.f32 $4.750208260e-01, v43;
	v6 =	vmul.f32 $5.249791740e-01, v6;
	_ =	sdelay $0x1  }
0xe5: {  	v6 =	vadd.f32 v6, v45;
	_ =	sdelay $0x1  }
0xe6: {  	[tilespmem:s16+$0xFFFFFF40] =	vst v6  }
0xe7: {  	v6 =	vld [tilespmem:s19+$0x37D0]  }
0xe8: {  	v46 =	vld [tilespmem:s20+$0x37D0];
	_ =	sdelay $0x1  }
0xe9: {  	v47 =	vld [tilespmem:s21+$0x37D0];
	_ =	sdelay $0x2  }
0xea: {  	v6 =	vmul.f32 v6, v3;
	v7 =	vmul.f32 v46, v4  }
0xeb: {  	v48 =	vld [tilespmem:s17+$0xFFFFFF50]  }
0xec: {  	v49 =	vmul.f32 v47, v5;
	v6 =	vadd.f32 v7, v6;
	_ =	sdelay $0x1  }
0xed: {  	v6 =	vadd.f32 v49, v6;
	_ =	sdelay $0x1  }
0xee: {  	v50 =	vmul.f32 $4.750208260e-01, v48;
	v6 =	vmul.f32 $5.249791740e-01, v6;
	_ =	sdelay $0x1  }
0xef: {  	v6 =	vadd.f32 v6, v50;
	_ =	sdelay $0x1  }
0xf0: {  	[tilespmem:s16+$0xFFFFFF50] =	vst v6  }
0xf1: {  	v6 =	vld [tilespmem:s19+$0x37E0]  }
0xf2: {  	v51 =	vld [tilespmem:s20+$0x37E0];
	_ =	sdelay $0x1  }
0xf3: {  	v52 =	vld [tilespmem:s21+$0x37E0];
	_ =	sdelay $0x2  }
0xf4: {  	v6 =	vmul.f32 v6, v3;
	v7 =	vmul.f32 v51, v4  }
0xf5: {  	v53 =	vld [tilespmem:s17+$0xFFFFFF60]  }
0xf6: {  	v54 =	vmul.f32 v52, v5;
	v6 =	vadd.f32 v7, v6;
	_ =	sdelay $0x1  }
0xf7: {  	v6 =	vadd.f32 v54, v6;
	_ =	sdelay $0x1  }
0xf8: {  	v55 =	vmul.f32 $4.750208260e-01, v53;
	v6 =	vmul.f32 $5.249791740e-01, v6;
	_ =	sdelay $0x1  }
0xf9: {  	v6 =	vadd.f32 v6, v55;
	_ =	sdelay $0x1  }
0xfa: {  	[tilespmem:s16+$0xFFFFFF60] =	vst v6  }
0xfb: {  	v6 =	vld [tilespmem:s19+$0x37F0]  }
0xfc: {  	v56 =	vld [tilespmem:s20+$0x37F0];
	_ =	sdelay $0x1  }
0xfd: {  	v57 =	vld [tilespmem:s21+$0x37F0];
	_ =	sdelay $0x2  }
0xfe: {  	v6 =	vmul.f32 v6, v3;
	v7 =	vmul.f32 v56, v4  }
0xff: {  	v58 =	vld [tilespmem:s17+$0xFFFFFF70]  }
0x100: {  	v59 =	vmul.f32 v57, v5;
	v6 =	vadd.f32 v7, v6;
	_ =	sdelay $0x1  }
0x101: {  	v6 =	vadd.f32 v59, v6;
	_ =	sdelay $0x1  }
0x102: {  	v60 =	vmul.f32 $4.750208260e-01, v58;
	v6 =	vmul.f32 $5.249791740e-01, v6;
	_ =	sdelay $0x1  }
0x103: {  	v6 =	vadd.f32 v6, v60;
	_ =	sdelay $0x1  }
0x104: {  	[tilespmem:s16+$0xFFFFFF70] =	vst v6  }
0x105: {  	v6 =	vld [tilespmem:s19+$0x3B80]  }
0x106: {  	v61 =	vld [tilespmem:s20+$0x3B80];
	_ =	sdelay $0x1  }
0x107: {  	v62 =	vld [tilespmem:s21+$0x3B80];
	_ =	sdelay $0x2  }
0x108: {  	v6 =	vmul.f32 v6, v3;
	v7 =	vmul.f32 v61, v4  }
0x109: {  	v63 =	vld [tilespmem:s17+$0xFFFFFF80]  }
0x10a: {  	v11 =	vmul.f32 v62, v5;
	v6 =	vadd.f32 v7, v6;
	_ =	sdelay $0x1  }
0x10b: {  	v6 =	vadd.f32 v11, v6;
	_ =	sdelay $0x1  }
0x10c: {  	v12 =	vmul.f32 $4.750208260e-01, v63;
	v6 =	vmul.f32 $5.249791740e-01, v6;
	_ =	sdelay $0x1  }
0x10d: {  	v6 =	vadd.f32 v6, v12;
	_ =	sdelay $0x1  }
0x10e: {  	[tilespmem:s16+$0xFFFFFF80] =	vst v6  }
0x10f: {  	v6 =	vld [tilespmem:s19+$0x3B90]  }
0x110: {  	v13 =	vld [tilespmem:s20+$0x3B90];
	_ =	sdelay $0x1  }
0x111: {  	v14 =	vld [tilespmem:s21+$0x3B90];
	_ =	sdelay $0x2  }
0x112: {  	v6 =	vmul.f32 v6, v3;
	v7 =	vmul.f32 v13, v4  }
0x113: {  	v15 =	vld [tilespmem:s17+$0xFFFFFF90]  }
0x114: {  	v16 =	vmul.f32 v14, v5;
	v6 =	vadd.f32 v7, v6;
	_ =	sdelay $0x1  }
0x115: {  	v6 =	vadd.f32 v16, v6;
	_ =	sdelay $0x1  }
0x116: {  	v17 =	vmul.f32 $4.750208260e-01, v15;
	v6 =	vmul.f32 $5.249791740e-01, v6;
	_ =	sdelay $0x1  }
0x117: {  	v6 =	vadd.f32 v6, v17;
	_ =	sdelay $0x1  }
0x118: {  	[tilespmem:s16+$0xFFFFFF90] =	vst v6  }
0x119: {  	v6 =	vld [tilespmem:s19+$0x3BA0]  }
0x11a: {  	v18 =	vld [tilespmem:s20+$0x3BA0];
	_ =	sdelay $0x1  }
0x11b: {  	v19 =	vld [tilespmem:s21+$0x3BA0];
	_ =	sdelay $0x2  }
0x11c: {  	v6 =	vmul.f32 v6, v3;
	v7 =	vmul.f32 v18, v4  }
0x11d: {  	v20 =	vld [tilespmem:s17+$0xFFFFFFA0]  }
0x11e: {  	v21 =	vmul.f32 v19, v5;
	v6 =	vadd.f32 v7, v6;
	_ =	sdelay $0x1  }
0x11f: {  	v6 =	vadd.f32 v21, v6;
	_ =	sdelay $0x1  }
0x120: {  	v22 =	vmul.f32 $4.750208260e-01, v20;
	v6 =	vmul.f32 $5.249791740e-01, v6;
	_ =	sdelay $0x1  }
0x121: {  	v6 =	vadd.f32 v6, v22;
	_ =	sdelay $0x1  }
0x122: {  	[tilespmem:s16+$0xFFFFFFA0] =	vst v6  }
0x123: {  	v6 =	vld [tilespmem:s19+$0x3BB0]  }
0x124: {  	v23 =	vld [tilespmem:s20+$0x3BB0];
	_ =	sdelay $0x1  }
0x125: {  	v24 =	vld [tilespmem:s21+$0x3BB0];
	_ =	sdelay $0x2  }
0x126: {  	v6 =	vmul.f32 v6, v3;
	v7 =	vmul.f32 v23, v4  }
0x127: {  	v25 =	vld [tilespmem:s17+$0xFFFFFFB0]  }
0x128: {  	v26 =	vmul.f32 v24, v5;
	v6 =	vadd.f32 v7, v6;
	_ =	sdelay $0x1  }
0x129: {  	v6 =	vadd.f32 v26, v6;
	_ =	sdelay $0x1  }
0x12a: {  	v27 =	vmul.f32 $4.750208260e-01, v25;
	v6 =	vmul.f32 $5.249791740e-01, v6;
	_ =	sdelay $0x1  }
0x12b: {  	v6 =	vadd.f32 v6, v27;
	_ =	sdelay $0x1  }
0x12c: {  	[tilespmem:s16+$0xFFFFFFB0] =	vst v6  }
0x12d: {  	v6 =	vld [tilespmem:s19+$0x3BC0]  }
0x12e: {  	v28 =	vld [tilespmem:s20+$0x3BC0];
	_ =	sdelay $0x1  }
0x12f: {  	v29 =	vld [tilespmem:s21+$0x3BC0];
	_ =	sdelay $0x2  }
0x130: {  	v6 =	vmul.f32 v6, v3;
	v7 =	vmul.f32 v28, v4  }
0x131: {  	v30 =	vld [tilespmem:s17+$0xFFFFFFC0]  }
0x132: {  	v31 =	vmul.f32 v29, v5;
	v6 =	vadd.f32 v7, v6;
	_ =	sdelay $0x1  }
0x133: {  	v6 =	vadd.f32 v31, v6;
	_ =	sdelay $0x1  }
0x134: {  	v32 =	vmul.f32 $4.750208260e-01, v30;
	v6 =	vmul.f32 $5.249791740e-01, v6;
	_ =	sdelay $0x1  }
0x135: {  	v6 =	vadd.f32 v6, v32;
	_ =	sdelay $0x1  }
0x136: {  	[tilespmem:s16+$0xFFFFFFC0] =	vst v6  }
0x137: {  	v6 =	vld [tilespmem:s19+$0x3BD0]  }
0x138: {  	v33 =	vld [tilespmem:s20+$0x3BD0];
	_ =	sdelay $0x1  }
0x139: {  	v34 =	vld [tilespmem:s21+$0x3BD0];
	_ =	sdelay $0x2  }
0x13a: {  	v6 =	vmul.f32 v6, v3;
	v7 =	vmul.f32 v33, v4  }
0x13b: {  	v35 =	vld [tilespmem:s17+$0xFFFFFFD0]  }
0x13c: {  	v36 =	vmul.f32 v34, v5;
	v6 =	vadd.f32 v7, v6;
	_ =	sdelay $0x1  }
0x13d: {  	v6 =	vadd.f32 v36, v6;
	_ =	sdelay $0x1  }
0x13e: {  	v37 =	vmul.f32 $4.750208260e-01, v35;
	v6 =	vmul.f32 $5.249791740e-01, v6;
	_ =	sdelay $0x1  }
0x13f: {  	v6 =	vadd.f32 v6, v37;
	_ =	sdelay $0x1  }
0x140: {  	[tilespmem:s16+$0xFFFFFFD0] =	vst v6  }
0x141: {  	v6 =	vld [tilespmem:s19+$0x3BE0]  }
0x142: {  	v38 =	vld [tilespmem:s20+$0x3BE0];
	_ =	sdelay $0x1  }
0x143: {  	v39 =	vld [tilespmem:s21+$0x3BE0];
	_ =	sdelay $0x2  }
0x144: {  	v6 =	vmul.f32 v6, v3;
	v7 =	vmul.f32 v38, v4  }
0x145: {  	v40 =	vld [tilespmem:s17+$0xFFFFFFE0]  }
0x146: {  	v41 =	vmul.f32 v39, v5;
	v6 =	vadd.f32 v7, v6;
	_ =	sdelay $0x1  }
0x147: {  	v6 =	vadd.f32 v41, v6;
	_ =	sdelay $0x1  }
0x148: {  	v42 =	vmul.f32 $4.750208260e-01, v40;
	v6 =	vmul.f32 $5.249791740e-01, v6;
	_ =	sdelay $0x1  }
0x149: {  	v6 =	vadd.f32 v6, v42;
	_ =	sdelay $0x1  }
0x14a: {  	[tilespmem:s16+$0xFFFFFFE0] =	vst v6  }
0x14b: {  	v6 =	vld [tilespmem:s19+$0x3BF0]  }
0x14c: {  	v43 =	vld [tilespmem:s20+$0x3BF0];
	_ =	sdelay $0x1  }
0x14d: {  	v44 =	vld [tilespmem:s21+$0x3BF0];
	_ =	sdelay $0x2  }
0x14e: {  	v6 =	vmul.f32 v6, v3;
	v7 =	vmul.f32 v43, v4  }
0x14f: {  	v45 =	vld [tilespmem:s17+$0xFFFFFFF0]  }
0x150: {  	v46 =	vmul.f32 v44, v5;
	v6 =	vadd.f32 v7, v6;
	_ =	sdelay $0x1  }
0x151: {  	v6 =	vadd.f32 v46, v6;
	_ =	sdelay $0x1  }
0x152: {  	v47 =	vmul.f32 $4.750208260e-01, v45;
	v6 =	vmul.f32 $5.249791740e-01, v6;
	_ =	sdelay $0x1  }
0x153: {  	v6 =	vadd.f32 v6, v47;
	_ =	sdelay $0x1  }
0x154: {  	[tilespmem:s16+$0xFFFFFFF0] =	vst v6  }
0x155: {  	v6 =	vld [tilespmem:s19+$0x3F80]  }
0x156: {  	v48 =	vld [tilespmem:s20+$0x3F80];
	_ =	sdelay $0x1  }
0x157: {  	v49 =	vld [tilespmem:s21+$0x3F80];
	_ =	sdelay $0x2  }
0x158: {  	v6 =	vmul.f32 v6, v3;
	v7 =	vmul.f32 v48, v4  }
0x159: {  	v50 =	vld [tilespmem:s17+$0x0]  }
0x15a: {  	v51 =	vmul.f32 v49, v5;
	v6 =	vadd.f32 v7, v6;
	_ =	sdelay $0x1  }
0x15b: {  	v6 =	vadd.f32 v51, v6;
	_ =	sdelay $0x1  }
0x15c: {  	v52 =	vmul.f32 $4.750208260e-01, v50;
	v6 =	vmul.f32 $5.249791740e-01, v6;
	_ =	sdelay $0x1  }
0x15d: {  	v6 =	vadd.f32 v6, v52;
	_ =	sdelay $0x1  }
0x15e: {  	[tilespmem:s16+$0x0] =	vst v6  }
0x15f: {  	v6 =	vld [tilespmem:s19+$0x3F90]  }
0x160: {  	v53 =	vld [tilespmem:s20+$0x3F90];
	_ =	sdelay $0x1  }
0x161: {  	v54 =	vld [tilespmem:s21+$0x3F90];
	_ =	sdelay $0x2  }
0x162: {  	v6 =	vmul.f32 v6, v3;
	v7 =	vmul.f32 v53, v4  }
0x163: {  	v55 =	vld [tilespmem:s17+$0x10]  }
0x164: {  	v56 =	vmul.f32 v54, v5;
	v6 =	vadd.f32 v7, v6;
	_ =	sdelay $0x1  }
0x165: {  	v6 =	vadd.f32 v56, v6;
	_ =	sdelay $0x1  }
0x166: {  	v57 =	vmul.f32 $4.750208260e-01, v55;
	v6 =	vmul.f32 $5.249791740e-01, v6;
	_ =	sdelay $0x1  }
0x167: {  	v6 =	vadd.f32 v6, v57;
	_ =	sdelay $0x1  }
0x168: {  	[tilespmem:s16+$0x10] =	vst v6  }
0x169: {  	v6 =	vld [tilespmem:s19+$0x3FA0]  }
0x16a: {  	v58 =	vld [tilespmem:s20+$0x3FA0];
	_ =	sdelay $0x1  }
0x16b: {  	v59 =	vld [tilespmem:s21+$0x3FA0];
	_ =	sdelay $0x2  }
0x16c: {  	v6 =	vmul.f32 v6, v3;
	v7 =	vmul.f32 v58, v4  }
0x16d: {  	v60 =	vld [tilespmem:s17+$0x20]  }
0x16e: {  	v61 =	vmul.f32 v59, v5;
	v6 =	vadd.f32 v7, v6;
	_ =	sdelay $0x1  }
0x16f: {  	v6 =	vadd.f32 v61, v6;
	_ =	sdelay $0x1  }
0x170: {  	v62 =	vmul.f32 $4.750208260e-01, v60;
	v6 =	vmul.f32 $5.249791740e-01, v6;
	_ =	sdelay $0x1  }
0x171: {  	v6 =	vadd.f32 v6, v62;
	_ =	sdelay $0x1  }
0x172: {  	[tilespmem:s16+$0x20] =	vst v6  }
0x173: {  	v6 =	vld [tilespmem:s19+$0x3FB0]  }
0x174: {  	v63 =	vld [tilespmem:s20+$0x3FB0];
	_ =	sdelay $0x1  }
0x175: {  	v12 =	vld [tilespmem:s21+$0x3FB0];
	_ =	sdelay $0x2  }
0x176: {  	v6 =	vmul.f32 v6, v3;
	v7 =	vmul.f32 v63, v4  }
0x177: {  	v13 =	vld [tilespmem:s17+$0x30]  }
0x178: {  	v14 =	vmul.f32 v12, v5;
	v6 =	vadd.f32 v7, v6;
	_ =	sdelay $0x1  }
0x179: {  	v6 =	vadd.f32 v14, v6;
	_ =	sdelay $0x1  }
0x17a: {  	v15 =	vmul.f32 $4.750208260e-01, v13;
	v6 =	vmul.f32 $5.249791740e-01, v6;
	_ =	sdelay $0x1  }
0x17b: {  	v6 =	vadd.f32 v6, v15;
	_ =	sdelay $0x1  }
0x17c: {  	[tilespmem:s16+$0x30] =	vst v6  }
0x17d: {  	v6 =	vld [tilespmem:s19+$0x3FC0]  }
0x17e: {  	v16 =	vld [tilespmem:s20+$0x3FC0];
	_ =	sdelay $0x1  }
0x17f: {  	v17 =	vld [tilespmem:s21+$0x3FC0];
	_ =	sdelay $0x2  }
0x180: {  	v6 =	vmul.f32 v6, v3;
	v7 =	vmul.f32 v16, v4  }
0x181: {  	v18 =	vld [tilespmem:s17+$0x40]  }
0x182: {  	v19 =	vmul.f32 v17, v5;
	v6 =	vadd.f32 v7, v6;
	_ =	sdelay $0x1  }
0x183: {  	v6 =	vadd.f32 v19, v6;
	_ =	sdelay $0x1  }
0x184: {  	v20 =	vmul.f32 $4.750208260e-01, v18;
	v6 =	vmul.f32 $5.249791740e-01, v6;
	_ =	sdelay $0x1  }
0x185: {  	v6 =	vadd.f32 v6, v20;
	_ =	sdelay $0x1  }
0x186: {  	[tilespmem:s16+$0x40] =	vst v6  }
0x187: {  	v6 =	vld [tilespmem:s19+$0x3FD0]  }
0x188: {  	v21 =	vld [tilespmem:s20+$0x3FD0];
	_ =	sdelay $0x1  }
0x189: {  	v22 =	vld [tilespmem:s21+$0x3FD0];
	_ =	sdelay $0x2  }
0x18a: {  	v6 =	vmul.f32 v6, v3;
	v7 =	vmul.f32 v21, v4  }
0x18b: {  	v23 =	vld [tilespmem:s17+$0x50]  }
0x18c: {  	v24 =	vmul.f32 v22, v5;
	v6 =	vadd.f32 v7, v6;
	_ =	sdelay $0x1  }
0x18d: {  	v6 =	vadd.f32 v24, v6;
	_ =	sdelay $0x1  }
0x18e: {  	v25 =	vmul.f32 $4.750208260e-01, v23;
	v6 =	vmul.f32 $5.249791740e-01, v6;
	_ =	sdelay $0x1  }
0x18f: {  	v6 =	vadd.f32 v6, v25;
	_ =	sdelay $0x1  }
0x190: {  	[tilespmem:s16+$0x50] =	vst v6  }
0x191: {  	v6 =	vld [tilespmem:s19+$0x3FE0]  }
0x192: {  	v26 =	vld [tilespmem:s20+$0x3FE0];
	_ =	sdelay $0x1  }
0x193: {  	v27 =	vld [tilespmem:s21+$0x3FE0];
	_ =	sdelay $0x2  }
0x194: {  	v6 =	vmul.f32 v6, v3;
	v7 =	vmul.f32 v26, v4  }
0x195: {  	v28 =	vld [tilespmem:s17+$0x60]  }
0x196: {  	v29 =	vmul.f32 v27, v5;
	v6 =	vadd.f32 v7, v6;
	_ =	sdelay $0x1  }
0x197: {  	v6 =	vadd.f32 v29, v6;
	_ =	sdelay $0x1  }
0x198: {  	v30 =	vmul.f32 $4.750208260e-01, v28;
	v6 =	vmul.f32 $5.249791740e-01, v6;
	_ =	sdelay $0x1  }
0x199: {  	v6 =	vadd.f32 v6, v30;
	_ =	sdelay $0x1  }
0x19a: {  	[tilespmem:s16+$0x60] =	vst v6  }
0x19b: {  	v6 =	vld [tilespmem:s19+$0x3FF0]  }
0x19c: {  	v31 =	vld [tilespmem:s20+$0x3FF0];
	_ =	sdelay $0x1  }
0x19d: {  	v32 =	vld [tilespmem:s21+$0x3FF0];
	_ =	sdelay $0x2  }
0x19e: {  	v6 =	vmul.f32 v6, v3;
	v7 =	vmul.f32 v31, v4  }
0x19f: {  	v33 =	vld [tilespmem:s17+$0x70]  }
0x1a0: {  	v34 =	vmul.f32 v32, v5;
	v6 =	vadd.f32 v7, v6;
	_ =	sdelay $0x1  }
0x1a1: {  	v6 =	vadd.f32 v34, v6;
	_ =	sdelay $0x1  }
0x1a2: {  	v35 =	vmul.f32 $4.750208260e-01, v33;
	v6 =	vmul.f32 $5.249791740e-01, v6;
	_ =	sdelay $0x1  }
0x1a3: {  	v6 =	vadd.f32 v6, v35;
	_ =	sdelay $0x1  }
0x1a4: {  	[tilespmem:s16+$0x70] =	vst v6  }
0x1a5: {  	v6 =	vld [tilespmem:s19+$0x4380]  }
0x1a6: {  	v36 =	vld [tilespmem:s20+$0x4380];
	_ =	sdelay $0x1  }
0x1a7: {  	v37 =	vld [tilespmem:s21+$0x4380];
	_ =	sdelay $0x2  }
0x1a8: {  	v6 =	vmul.f32 v6, v3;
	v7 =	vmul.f32 v36, v4  }
0x1a9: {  	v38 =	vld [tilespmem:s17+$0x80]  }
0x1aa: {  	v39 =	vmul.f32 v37, v5;
	v6 =	vadd.f32 v7, v6;
	_ =	sdelay $0x1  }
0x1ab: {  	v6 =	vadd.f32 v39, v6;
	_ =	sdelay $0x1  }
0x1ac: {  	v40 =	vmul.f32 $4.750208260e-01, v38;
	v6 =	vmul.f32 $5.249791740e-01, v6;
	_ =	sdelay $0x1  }
0x1ad: {  	v6 =	vadd.f32 v6, v40;
	_ =	sdelay $0x1  }
0x1ae: {  	[tilespmem:s16+$0x80] =	vst v6  }
0x1af: {  	v6 =	vld [tilespmem:s19+$0x4390]  }
0x1b0: {  	v41 =	vld [tilespmem:s20+$0x4390];
	_ =	sdelay $0x1  }
0x1b1: {  	v42 =	vld [tilespmem:s21+$0x4390];
	_ =	sdelay $0x2  }
0x1b2: {  	v6 =	vmul.f32 v6, v3;
	v7 =	vmul.f32 v41, v4  }
0x1b3: {  	v43 =	vld [tilespmem:s17+$0x90]  }
0x1b4: {  	v44 =	vmul.f32 v42, v5;
	v6 =	vadd.f32 v7, v6;
	_ =	sdelay $0x1  }
0x1b5: {  	v6 =	vadd.f32 v44, v6;
	_ =	sdelay $0x1  }
0x1b6: {  	v45 =	vmul.f32 $4.750208260e-01, v43;
	v6 =	vmul.f32 $5.249791740e-01, v6;
	_ =	sdelay $0x1  }
0x1b7: {  	v6 =	vadd.f32 v6, v45;
	_ =	sdelay $0x1  }
0x1b8: {  	[tilespmem:s16+$0x90] =	vst v6  }
0x1b9: {  	v6 =	vld [tilespmem:s19+$0x43A0]  }
0x1ba: {  	v46 =	vld [tilespmem:s20+$0x43A0];
	_ =	sdelay $0x1  }
0x1bb: {  	v47 =	vld [tilespmem:s21+$0x43A0];
	_ =	sdelay $0x2  }
0x1bc: {  	v6 =	vmul.f32 v6, v3;
	v7 =	vmul.f32 v46, v4  }
0x1bd: {  	v48 =	vld [tilespmem:s17+$0xA0]  }
0x1be: {  	v49 =	vmul.f32 v47, v5;
	v6 =	vadd.f32 v7, v6;
	_ =	sdelay $0x1  }
0x1bf: {  	v6 =	vadd.f32 v49, v6;
	_ =	sdelay $0x1  }
0x1c0: {  	v50 =	vmul.f32 $4.750208260e-01, v48;
	v6 =	vmul.f32 $5.249791740e-01, v6;
	_ =	sdelay $0x1  }
0x1c1: {  	v6 =	vadd.f32 v6, v50;
	_ =	sdelay $0x1  }
0x1c2: {  	[tilespmem:s16+$0xA0] =	vst v6  }
0x1c3: {  	v6 =	vld [tilespmem:s19+$0x43B0]  }
0x1c4: {  	v51 =	vld [tilespmem:s20+$0x43B0];
	_ =	sdelay $0x1  }
0x1c5: {  	v52 =	vld [tilespmem:s21+$0x43B0];
	_ =	sdelay $0x2  }
0x1c6: {  	v6 =	vmul.f32 v6, v3;
	v7 =	vmul.f32 v51, v4  }
0x1c7: {  	v53 =	vld [tilespmem:s17+$0xB0]  }
0x1c8: {  	v54 =	vmul.f32 v52, v5;
	v6 =	vadd.f32 v7, v6;
	_ =	sdelay $0x1  }
0x1c9: {  	v6 =	vadd.f32 v54, v6;
	_ =	sdelay $0x1  }
0x1ca: {  	v55 =	vmul.f32 $4.750208260e-01, v53;
	v6 =	vmul.f32 $5.249791740e-01, v6;
	_ =	sdelay $0x1  }
0x1cb: {  	v6 =	vadd.f32 v6, v55;
	_ =	sdelay $0x1  }
0x1cc: {  	[tilespmem:s16+$0xB0] =	vst v6  }
0x1cd: {  	v6 =	vld [tilespmem:s19+$0x43C0]  }
0x1ce: {  	v56 =	vld [tilespmem:s20+$0x43C0];
	_ =	sdelay $0x1  }
0x1cf: {  	v57 =	vld [tilespmem:s21+$0x43C0];
	_ =	sdelay $0x2  }
0x1d0: {  	v6 =	vmul.f32 v6, v3;
	v7 =	vmul.f32 v56, v4  }
0x1d1: {  	v58 =	vld [tilespmem:s17+$0xC0]  }
0x1d2: {  	v59 =	vmul.f32 v57, v5;
	v6 =	vadd.f32 v7, v6;
	_ =	sdelay $0x1  }
0x1d3: {  	v6 =	vadd.f32 v59, v6;
	_ =	sdelay $0x1  }
0x1d4: {  	v60 =	vmul.f32 $4.750208260e-01, v58;
	v6 =	vmul.f32 $5.249791740e-01, v6;
	_ =	sdelay $0x1  }
0x1d5: {  	v6 =	vadd.f32 v6, v60;
	_ =	sdelay $0x1  }
0x1d6: {  	[tilespmem:s16+$0xC0] =	vst v6  }
0x1d7: {  	v6 =	vld [tilespmem:s19+$0x43D0]  }
0x1d8: {  	v61 =	vld [tilespmem:s20+$0x43D0];
	_ =	sdelay $0x1  }
0x1d9: {  	v62 =	vld [tilespmem:s21+$0x43D0];
	_ =	sdelay $0x2  }
0x1da: {  	v6 =	vmul.f32 v6, v3;
	v7 =	vmul.f32 v61, v4  }
0x1db: {  	v63 =	vld [tilespmem:s17+$0xD0]  }
0x1dc: {  	v12 =	vmul.f32 v62, v5;
	v6 =	vadd.f32 v7, v6;
	_ =	sdelay $0x1  }
0x1dd: {  	v6 =	vadd.f32 v12, v6;
	_ =	sdelay $0x1  }
0x1de: {  	v13 =	vmul.f32 $4.750208260e-01, v63;
	v6 =	vmul.f32 $5.249791740e-01, v6;
	_ =	sdelay $0x1  }
0x1df: {  	v6 =	vadd.f32 v6, v13;
	_ =	sdelay $0x1  }
0x1e0: {  	[tilespmem:s16+$0xD0] =	vst v6  }
0x1e1: {  	v6 =	vld [tilespmem:s19+$0x43E0]  }
0x1e2: {  	v14 =	vld [tilespmem:s20+$0x43E0];
	_ =	sdelay $0x1  }
0x1e3: {  	v15 =	vld [tilespmem:s21+$0x43E0];
	_ =	sdelay $0x2  }
0x1e4: {  	v6 =	vmul.f32 v6, v3;
	v7 =	vmul.f32 v14, v4  }
0x1e5: {  	v16 =	vld [tilespmem:s17+$0xE0]  }
0x1e6: {  	v17 =	vmul.f32 v15, v5;
	v6 =	vadd.f32 v7, v6;
	_ =	sdelay $0x1  }
0x1e7: {  	v6 =	vadd.f32 v17, v6;
	_ =	sdelay $0x1  }
0x1e8: {  	v18 =	vmul.f32 $4.750208260e-01, v16;
	v6 =	vmul.f32 $5.249791740e-01, v6;
	_ =	sdelay $0x1  }
0x1e9: {  	v6 =	vadd.f32 v6, v18;
	_ =	sdelay $0x1  }
0x1ea: {  	[tilespmem:s16+$0xE0] =	vst v6  }
0x1eb: {  	v6 =	vld [tilespmem:s19+$0x43F0]  }
0x1ec: {  	v19 =	vld [tilespmem:s20+$0x43F0];
	_ =	sdelay $0x1  }
0x1ed: {  	v20 =	vld [tilespmem:s21+$0x43F0];
	_ =	sdelay $0x2  }
0x1ee: {  	v6 =	vmul.f32 v6, v3;
	v7 =	vmul.f32 v19, v4  }
0x1ef: {  	v21 =	vld [tilespmem:s17+$0xF0]  }
0x1f0: {  	v22 =	vmul.f32 v20, v5;
	v6 =	vadd.f32 v7, v6;
	_ =	sdelay $0x1  }
0x1f1: {  	v6 =	vadd.f32 v22, v6;
	_ =	sdelay $0x1  }
0x1f2: {  	v23 =	vmul.f32 $4.750208260e-01, v21;
	v6 =	vmul.f32 $5.249791740e-01, v6;
	_ =	sdelay $0x1  }
0x1f3: {  	v6 =	vadd.f32 v6, v23;
	_ =	sdelay $0x1  }
0x1f4: {  	[tilespmem:s16+$0xF0] =	vst v6  }
0x1f5: {  	v6 =	vld [tilespmem:s19+$0x4780]  }
0x1f6: {  	v24 =	vld [tilespmem:s20+$0x4780];
	_ =	sdelay $0x1  }
0x1f7: {  	v25 =	vld [tilespmem:s21+$0x4780];
	_ =	sdelay $0x2  }
0x1f8: {  	v6 =	vmul.f32 v6, v3;
	v7 =	vmul.f32 v24, v4  }
0x1f9: {  	v26 =	vld [tilespmem:s17+$0x100]  }
0x1fa: {  	v27 =	vmul.f32 v25, v5;
	v6 =	vadd.f32 v7, v6;
	_ =	sdelay $0x1  }
0x1fb: {  	v6 =	vadd.f32 v27, v6;
	_ =	sdelay $0x1  }
0x1fc: {  	v28 =	vmul.f32 $4.750208260e-01, v26;
	v6 =	vmul.f32 $5.249791740e-01, v6;
	_ =	sdelay $0x1  }
0x1fd: {  	v6 =	vadd.f32 v6, v28;
	_ =	sdelay $0x1  }
0x1fe: {  	[tilespmem:s16+$0x100] =	vst v6  }
0x1ff: {  	v6 =	vld [tilespmem:s19+$0x4790]  }
0x200: {  	v29 =	vld [tilespmem:s20+$0x4790];
	_ =	sdelay $0x1  }
0x201: {  	v30 =	vld [tilespmem:s21+$0x4790];
	_ =	sdelay $0x2  }
0x202: {  	v6 =	vmul.f32 v6, v3;
	v7 =	vmul.f32 v29, v4  }
0x203: {  	v31 =	vld [tilespmem:s17+$0x110]  }
0x204: {  	v32 =	vmul.f32 v30, v5;
	v6 =	vadd.f32 v7, v6;
	_ =	sdelay $0x1  }
0x205: {  	v6 =	vadd.f32 v32, v6;
	_ =	sdelay $0x1  }
0x206: {  	v33 =	vmul.f32 $4.750208260e-01, v31;
	v6 =	vmul.f32 $5.249791740e-01, v6;
	_ =	sdelay $0x1  }
0x207: {  	v6 =	vadd.f32 v6, v33;
	_ =	sdelay $0x1  }
0x208: {  	[tilespmem:s16+$0x110] =	vst v6  }
0x209: {  	v6 =	vld [tilespmem:s19+$0x47A0]  }
0x20a: {  	v34 =	vld [tilespmem:s20+$0x47A0];
	_ =	sdelay $0x1  }
0x20b: {  	v35 =	vld [tilespmem:s21+$0x47A0];
	_ =	sdelay $0x2  }
0x20c: {  	v6 =	vmul.f32 v6, v3;
	v7 =	vmul.f32 v34, v4  }
0x20d: {  	v36 =	vld [tilespmem:s17+$0x120]  }
0x20e: {  	v37 =	vmul.f32 v35, v5;
	v6 =	vadd.f32 v7, v6;
	_ =	sdelay $0x1  }
0x20f: {  	v6 =	vadd.f32 v37, v6;
	_ =	sdelay $0x1  }
0x210: {  	v38 =	vmul.f32 $4.750208260e-01, v36;
	v6 =	vmul.f32 $5.249791740e-01, v6;
	_ =	sdelay $0x1  }
0x211: {  	v6 =	vadd.f32 v6, v38;
	_ =	sdelay $0x1  }
0x212: {  	[tilespmem:s16+$0x120] =	vst v6  }
0x213: {  	v6 =	vld [tilespmem:s19+$0x47B0]  }
0x214: {  	v39 =	vld [tilespmem:s20+$0x47B0];
	_ =	sdelay $0x1  }
0x215: {  	v40 =	vld [tilespmem:s21+$0x47B0];
	_ =	sdelay $0x2  }
0x216: {  	v6 =	vmul.f32 v6, v3;
	v7 =	vmul.f32 v39, v4  }
0x217: {  	v41 =	vld [tilespmem:s17+$0x130]  }
0x218: {  	v42 =	vmul.f32 v40, v5;
	v6 =	vadd.f32 v7, v6;
	_ =	sdelay $0x1  }
0x219: {  	v6 =	vadd.f32 v42, v6;
	_ =	sdelay $0x1  }
0x21a: {  	v43 =	vmul.f32 $4.750208260e-01, v41;
	v6 =	vmul.f32 $5.249791740e-01, v6;
	_ =	sdelay $0x1  }
0x21b: {  	v6 =	vadd.f32 v6, v43;
	_ =	sdelay $0x1  }
0x21c: {  	[tilespmem:s16+$0x130] =	vst v6  }
0x21d: {  	v6 =	vld [tilespmem:s19+$0x47C0]  }
0x21e: {  	v44 =	vld [tilespmem:s20+$0x47C0];
	_ =	sdelay $0x1  }
0x21f: {  	v45 =	vld [tilespmem:s21+$0x47C0];
	_ =	sdelay $0x2  }
0x220: {  	v6 =	vmul.f32 v6, v3;
	v7 =	vmul.f32 v44, v4  }
0x221: {  	v46 =	vld [tilespmem:s17+$0x140]  }
0x222: {  	v47 =	vmul.f32 v45, v5;
	v6 =	vadd.f32 v7, v6;
	_ =	sdelay $0x1  }
0x223: {  	v6 =	vadd.f32 v47, v6;
	_ =	sdelay $0x1  }
0x224: {  	v48 =	vmul.f32 $4.750208260e-01, v46;
	v6 =	vmul.f32 $5.249791740e-01, v6;
	_ =	sdelay $0x1  }
0x225: {  	v6 =	vadd.f32 v6, v48;
	_ =	sdelay $0x1  }
0x226: {  	[tilespmem:s16+$0x140] =	vst v6  }
0x227: {  	v6 =	vld [tilespmem:s19+$0x47D0]  }
0x228: {  	v49 =	vld [tilespmem:s20+$0x47D0];
	_ =	sdelay $0x1  }
0x229: {  	v50 =	vld [tilespmem:s21+$0x47D0];
	_ =	sdelay $0x2  }
0x22a: {  	v6 =	vmul.f32 v6, v3;
	v7 =	vmul.f32 v49, v4  }
0x22b: {  	v51 =	vld [tilespmem:s17+$0x150]  }
0x22c: {  	v52 =	vmul.f32 v50, v5;
	v6 =	vadd.f32 v7, v6;
	_ =	sdelay $0x1  }
0x22d: {  	v6 =	vadd.f32 v52, v6;
	_ =	sdelay $0x1  }
0x22e: {  	v53 =	vmul.f32 $4.750208260e-01, v51;
	v6 =	vmul.f32 $5.249791740e-01, v6;
	_ =	sdelay $0x1  }
0x22f: {  	v6 =	vadd.f32 v6, v53;
	_ =	sdelay $0x1  }
0x230: {  	[tilespmem:s16+$0x150] =	vst v6  }
0x231: {  	v6 =	vld [tilespmem:s19+$0x47E0]  }
0x232: {  	v54 =	vld [tilespmem:s20+$0x47E0];
	_ =	sdelay $0x1  }
0x233: {  	v55 =	vld [tilespmem:s21+$0x47E0];
	_ =	sdelay $0x2  }
0x234: {  	v6 =	vmul.f32 v6, v3;
	v7 =	vmul.f32 v54, v4  }
0x235: {  	v56 =	vld [tilespmem:s17+$0x160]  }
0x236: {  	v57 =	vmul.f32 v55, v5;
	v6 =	vadd.f32 v7, v6;
	_ =	sdelay $0x1  }
0x237: {  	v6 =	vadd.f32 v57, v6;
	_ =	sdelay $0x1  }
0x238: {  	v58 =	vmul.f32 $4.750208260e-01, v56;
	v6 =	vmul.f32 $5.249791740e-01, v6;
	_ =	sdelay $0x1  }
0x239: {  	v6 =	vadd.f32 v6, v58;
	_ =	sdelay $0x1  }
0x23a: {  	[tilespmem:s16+$0x160] =	vst v6  }
0x23b: {  	v6 =	vld [tilespmem:s19+$0x47F0]  }
0x23c: {  	v59 =	vld [tilespmem:s20+$0x47F0];
	_ =	sdelay $0x1  }
0x23d: {  	v60 =	vld [tilespmem:s21+$0x47F0];
	_ =	sdelay $0x2  }
0x23e: {  	v3 =	vmul.f32 v6, v3;
	v4 =	vmul.f32 v59, v4  }
0x23f: {  	v61 =	vld [tilespmem:s17+$0x170]  }
0x240: {  	v62 =	vmul.f32 v60, v5;
	v3 =	vadd.f32 v4, v3;
	_ =	sdelay $0x1  }
0x241: {  	v3 =	vadd.f32 v62, v3  }
0x242: {  	p0 =	sne.s32 s18, $0x1680  }
.Ltmp0:
0x243: {  	v63 =	vmul.f32 $4.750208260e-01, v61;
	v3 =	vmul.f32 $5.249791740e-01, v3;
	(pc) =	sbr.rel @p0 .LBB2_3-.Ltmp0, $4  }
0x244: {  	_ = 	snop  }
0x245: {  	v3 =	vadd.f32 v3, v63  }
0x246: {  	s15 =	sadd.s32 $0x30, s15;
	s13 =	sadd.s32 $0x3, s13  }
0x247: {  	s18 =	sadd.s32 $0x180, s18;
	s17 =	sadd.s32 $0x300, s17;
	[tilespmem:s16+$0x170] =	vst v3;
	s16 =	sadd.s32 $0x300, s16  }
0x248: {  	s3 =	sadd.s32 $0x1, s3  }
0x249: {  	p0 =	sne.s32 s3, $0x10  }
.Ltmp1:
0x24a: {  	s13 =	sadd.s32 s7, s14;
	s22 =	simm.s32 $0x0;
	(pc) =	sbr.rel @p0 .LBB2_2-.Ltmp1, $4  }
0x24b: {  	[hbm4b:s13+s22] =	stream.linear.scatter [tilespmem:s1], [sflag:$0x2], $0x3000, $0x38;
	[tilespmem:$0xF380] =	vst v63  }
0x24c: {  	_ =	swait.ge [sflag:s12], $0x3000  }
0x24d: {  	[sflag:s12] =	ssyncset.done $0x0  }
0x24e: {  	[sflag:s12] =	ssyncadd.s32 $0xFFFFD000  }
0x24f: {  	s13 =	rddreg [dreg:$0x5]  }
0x250: {  	s3 =	rddreg [dreg:$0x4];
	s13 =	sadd.s32 $0x1, s13  }
0x251: {  	p0 =	sne.s32 s13, s3  }
.Ltmp2:
0x252: {  	_ = 	snop;
	(pc) =	sbr.rel @p0 .LBB2_1-.Ltmp2, $1  }
0x253: {  	_ =	sdelay $0x3  }
0x254: {  	_ =	sfence.sel $0x180000  }
0x255: {  	[bflag:$0x0] =	sbarrier.arrive $0xFFFF  }
0x256: {  	_ =	strace $0x90000047  }
0x257: {  	s0 =	stileid.u32;
	[bflag:$0x2] =	sbarrier.arrive $0xFFFF  }
0x258: {  	p0 =	sne.s32 s0, $0x0;
	s0 =	rddreg [dreg:$0x3]  }
0x259: {  	s0 =	sadd.s32 @!p0 $0x100000, s0  }
0x25a: {  	[sflag:s0] =	ssyncadd.tile.s32 @!p0 $0x1;
	_ =	shalt  }
.Lfunc_end2:
_tile_overlayer_lowered:
.L_overlay_start_2:
0x25b: {  	(tag) =	ssettag $0x2  }
0x25c: {  	s0 =	rddreg [dreg:$0x0];
	s2 =	stileid.u32  }
0x25d: {  	s1 =	rddreg [dreg:$0x1];
	p0 =	sne.s32 s2, $0x0  }
0x25e: {  	s3 =	rddreg [dreg:$0x2];
	[bflag:$0x3] =	sbarrier.arrive $0xFFFF;
	s2 =	simm.s32 @!p0 $0x1C02  }
0x25f: {  	[timem:s3], [sflag:s2] =	dma.local @!p0 [hbm:s0], s1  }
0x260: {  	s0 =	simm.s32 @!p0 $0x2  }
0x261: {  	_ =	swait.ge @!p0 [sflag:s0], s1  }
0x262: {  	s1 =	ssub.s32 @!p0 $0x0, s1;
	[sflag:s0] =	ssyncset.done @!p0 $0x0  }
0x263: {  	[sflag:s0] =	ssyncadd.s32 @!p0 s1  }
0x264: {  	[bflag:$0x3] =	sbarrier.arrive $0xFFFF  }
0x265: {  	_ =	shalt  }

</sc_bundles>
